<compile_context>
chip_gen: v7x
topology: tpu7x:2x2x1
jax: 0.10.2.dev20260603
libtpu: 0.0.44.dev20260713+nightly
codegen_flags: <defaults>
</compile_context>

<pallas_src>
import jax
import jax.numpy as jnp
from jax import lax
from jax.experimental import pallas as pl
from jax.experimental.pallas import tpu as pltpu
from jax.experimental.pallas import tpu_sc as plsc

B = 32
N = 16384
NP = 64
PS = 32
L = 16
NCHUNK = N // L
SHIFT = 22
NB = 512
CAP = 1024
IMAX = 2**31 - 1


def _splat_i(s):
    return jnp.full((L,), s, dtype=jnp.int32)


def _splat_f(s):
    return jnp.full((L,), s, dtype=jnp.float32)


def _rbf16(v):
    u = plsc.bitcast(v, jnp.int32)
    r = (u + 32767 + (lax.shift_right_logical(u, 16) & 1)) & jnp.int32(-65536)
    return plsc.bitcast(r, jnp.float32)


def _sc_body(pts, patches_o, centers_o, xv, yv, zv, x2v, dv, ukv, histv,
             candk, candi, cbuf, pbuf):
    lanes = lax.iota(jnp.int32, L)
    lane0 = lanes == 0
    wid = lax.axis_index("s") * 2 + lax.axis_index("c")
    base = wid * (3 * N)

    pltpu.sync_copy(pts.at[pl.ds(base, N)], xv)
    pltpu.sync_copy(pts.at[pl.ds(base + N, N)], yv)
    pltpu.sync_copy(pts.at[pl.ds(base + 2 * N, N)], zv)

    def x2_body(i, _):
        for u in range(8):
            s = pl.ds((i * 8 + u) * L, L)
            x, y, z = xv[s], yv[s], zv[s]
            x2v[s] = (x * x + y * y) + z * z
            dv[s] = _splat_f(jnp.inf)
        return 0

    lax.fori_loop(0, NCHUNK // 8, x2_body, 0)

    def fps_step(t, cur):
        ci = _splat_i(cur)
        px = plsc.load_gather(xv, [ci])
        py = plsc.load_gather(yv, [ci])
        pz = plsc.load_gather(zv, [ci])
        plsc.store_scatter(cbuf, [_splat_i(t * 3)], px, mask=lane0)
        plsc.store_scatter(cbuf, [_splat_i(t * 3 + 1)], py, mask=lane0)
        plsc.store_scatter(cbuf, [_splat_i(t * 3 + 2)], pz, mask=lane0)

        def chunk(i, carry):
            ms, idxs = list(carry[0]), list(carry[1])
            U = 8
            ss = [pl.ds((i * 8 + u) * L, L) for u in range(U)]
            dx = [xv[s] - px for s in ss]
            dy = [yv[s] - py for s in ss]
            dz = [zv[s] - pz for s in ss]
            od = [dv[s] for s in ss]
            sq = [(dx[u] * dx[u] + dy[u] * dy[u]) for u in range(U)]
            d = [sq[u] + dz[u] * dz[u] for u in range(U)]
            nd = [jnp.minimum(od[u], d[u]) for u in range(U)]
            for u in range(U):
                dv[ss[u]] = nd[u]
            upd = [nd[u] > ms[u % 4] for u in range(4)]
            for u in range(4):
                ms[u] = jnp.where(upd[u], nd[u], ms[u])
                idxs[u] = jnp.where(upd[u], _splat_i((i * 8 + u) * L) + lanes,
                                    idxs[u])
            upd2 = [nd[4 + u] > ms[u] for u in range(4)]
            for u in range(4):
                ms[u] = jnp.where(upd2[u], nd[4 + u], ms[u])
                idxs[u] = jnp.where(upd2[u],
                                    _splat_i((i * 8 + 4 + u) * L) + lanes,
                                    idxs[u])
            return tuple(ms), tuple(idxs)

        ninf = _splat_f(-jnp.inf)
        zi = _splat_i(0)
        ms, idxs = lax.fori_loop(0, NCHUNK // 8, chunk,
                                 ((ninf,) * 4, (zi,) * 4))
        m, idx = ms[0], idxs[0]
        for k in range(1, 4):
            better = jnp.logical_or(
                ms[k] > m, jnp.logical_and(ms[k] == m, idxs[k] < idx))
            m = jnp.where(better, ms[k], m)
            idx = jnp.where(better, idxs[k], idx)
        gm = jnp.max(m)
        return jnp.min(jnp.where(m == gm, idx, IMAX))

    lax.fori_loop(0, NP, fps_step, jnp.int32(0))

    def pack_body(i, _):
        for u in range(8):
            s = pl.ds((i * 8 + u) * L, L)
            ux = plsc.bitcast(_rbf16(xv[s]), jnp.int32)
            uy = plsc.bitcast(_rbf16(yv[s]), jnp.int32)
            dv[s] = plsc.bitcast(
                ux | lax.shift_right_logical(uy, 16), jnp.float32)
        return 0

    lax.fori_loop(0, NCHUNK // 8, pack_body, 0)

    def center_step(p, _):
        cx = plsc.load_gather(cbuf, [_splat_i(p * 3)])
        cy = plsc.load_gather(cbuf, [_splat_i(p * 3 + 1)])
        cz = plsc.load_gather(cbuf, [_splat_i(p * 3 + 2)])
        c2 = (cx * cx + cy * cy) + cz * cz
        cxb, cyb, czb = _rbf16(cx), _rbf16(cy), _rbf16(cz)

        def hzero(i, _):
            for u in range(8):
                histv[pl.ds((i * 8 + u) * L, L)] = _splat_i(0)
            return 0

        lax.fori_loop(0, NB // 8, hzero, 0)

        one = _splat_i(1)
        zf = _splat_f(0.0)
        nbm1 = _splat_i(NB - 1)

        def pass1(i, mn):
            U = 8
            ss = [pl.ds((i * 8 + u) * L, L) for u in range(U)]
            pk = [plsc.bitcast(dv[s], jnp.int32) for s in ss]
            zr = [zv[s] for s in ss]
            xx = [x2v[s] for s in ss]
            xb = [plsc.bitcast(p_ & jnp.int32(-65536), jnp.float32)
                  for p_ in pk]
            yb = [plsc.bitcast(lax.shift_left(p_, 16), jnp.float32)
                  for p_ in pk]
            zb = [_rbf16(z) for z in zr]
            dt = [cxb * xb[u] + cyb * yb[u] for u in range(U)]
            dot = [dt[u] + czb * zb[u] for u in range(U)]
            d2 = [(c2 + xx[u]) - (dot[u] + dot[u]) for u in range(U)]
            ub = [plsc.bitcast(v, jnp.int32) for v in d2]
            uk = [ub[u] ^ lax.shift_right_logical(
                lax.shift_right_arithmetic(ub[u], 31), 1) for u in range(U)]
            for u in range(U):
                ukv[ss[u]] = uk[u]
            bkt = [jnp.minimum(
                lax.shift_right_arithmetic(
                    plsc.bitcast(jnp.maximum(d2[u], zf), jnp.int32),
                    SHIFT), nbm1) for u in range(U)]
            for u in range(U):
                plsc.addupdate_scatter(
                    histv, [lax.shift_left(bkt[u], 4) + lanes], one)
            m1 = [jnp.minimum(d2[2 * u], d2[2 * u + 1]) for u in range(4)]
            m2 = [jnp.minimum(m1[2 * u], m1[2 * u + 1]) for u in range(2)]
            return jnp.minimum(mn, jnp.minimum(m2[0], m2[1]))

        mn = lax.fori_loop(0, NCHUNK // 8, pass1, _splat_f(jnp.inf))
        b0 = jnp.min(jnp.minimum(
            lax.shift_right_arithmetic(
                plsc.bitcast(jnp.maximum(mn, zf), jnp.int32), SHIFT),
            nbm1))

        def tcond(carry):
            bkt, cum = carry
            return jnp.logical_and(cum < PS, bkt < NB)

        def tbody(carry):
            bkt, cum = carry
            row = histv[pl.ds(bkt * L, L)]
            return bkt + 1, cum + jnp.sum(row)

        tend, _ = lax.while_loop(tcond, tbody, (b0, jnp.int32(0)))
        thr = _splat_i(lax.shift_left(tend, SHIFT))

        def collect(i, off):
            U = 8
            ss = [pl.ds((i * 8 + u) * L, L) for u in range(U)]
            uks = [ukv[s] for s in ss]
            msks = [uk < thr for uk in uks]
            csum = [plsc.cumsum(jnp.where(m_, 1, 0)) for m_ in msks]
            pcs = [plsc.all_reduce_population_count(m_) for m_ in msks]
            offs = [off]
            for u in range(U):
                offs.append(offs[u] + pcs[u])
            capv = _splat_i(CAP + 15)
            addr = [jnp.minimum(offs[u] + (csum[u] - 1), capv)
                    for u in range(U)]
            for u in range(U):
                plsc.store_scatter(candk, [addr[u]], uks[u], mask=msks[u])
                plsc.store_scatter(candi, [addr[u]],
                                   _splat_i((i * 8 + u) * L) + lanes,
                                   mask=msks[u])
            return offs[U]

        off = lax.fori_loop(0, NCHUNK // 8, collect, _splat_i(0))
        cnum = jnp.minimum(jnp.max(off), jnp.int32(CAP))
        for q in range(4):
            candk[pl.ds(cnum + q * L, L)] = _splat_i(IMAX)
        nv4 = lax.shift_right_arithmetic(cnum + 63, 6)

        def sel_step(t, carry):
            gk, gi = carry
            gkv, giv = _splat_i(gk), _splat_i(gi)

            def scan(v, c2_):
                bk, bi = c2_
                ss2 = [pl.ds((v * 4 + q) * L, L) for q in range(4)]
                ks = [candk[s] for s in ss2]
                i2s = [candi[s] for s in ss2]
                hits = [jnp.logical_and(ks[q] == gkv, i2s[q] == giv)
                        for q in range(4)]
                ks = [jnp.where(hits[q], IMAX, ks[q]) for q in range(4)]
                for q in range(4):
                    candk[ss2[q]] = ks[q]

                def mrg(ka, ia, kb, ib):
                    lt = jnp.logical_or(
                        kb < ka, jnp.logical_and(kb == ka, ib < ia))
                    return jnp.where(lt, kb, ka), jnp.where(lt, ib, ia)

                k01, i01 = mrg(ks[0], i2s[0], ks[1], i2s[1])
                k23, i23 = mrg(ks[2], i2s[2], ks[3], i2s[3])
                kq, iq = mrg(k01, i01, k23, i23)
                return mrg(bk, bi, kq, iq)

            bk, bi = lax.fori_loop(0, nv4, scan, (_splat_i(IMAX),
                                                  _splat_i(IMAX)))
            ngk = jnp.min(bk)
            ngi = jnp.min(jnp.where(bk == ngk, bi, IMAX))
            giv = _splat_i(jnp.minimum(ngi, jnp.int32(N - 1)))
            pa = _splat_i(p * (PS * 3) + t * 3)
            plsc.store_scatter(pbuf, [pa],
                               plsc.load_gather(xv, [giv]) - cx, mask=lane0)
            plsc.store_scatter(pbuf, [pa + 1],
                               plsc.load_gather(yv, [giv]) - cy, mask=lane0)
            plsc.store_scatter(pbuf, [pa + 2],
                               plsc.load_gather(zv, [giv]) - cz, mask=lane0)
            return ngk, ngi

        lax.fori_loop(0, PS, sel_step, (jnp.int32(IMAX), jnp.int32(-1)))
        return 0

    lax.fori_loop(0, NP, center_step, 0)

    pltpu.sync_copy(pbuf, patches_o.at[pl.ds(wid * (NP * PS * 3),
                                             NP * PS * 3)])
    pltpu.sync_copy(cbuf, centers_o.at[pl.ds(wid * (NP * 3), NP * 3)])


@jax.jit
def kernel(points):
    pts = jnp.transpose(points, (0, 2, 1)).reshape(-1)
    f32 = jnp.float32
    run = pl.kernel(
        _sc_body,
        out_type=(
            jax.ShapeDtypeStruct((B * NP * PS * 3,), f32),
            jax.ShapeDtypeStruct((B * NP * 3,), f32),
        ),
        mesh=plsc.VectorSubcoreMesh(core_axis_name="c", subcore_axis_name="s"),
        compiler_params=pltpu.CompilerParams(
            use_tc_tiling_on_sc=False, needs_layout_passes=False),
        scratch_types=(
            pltpu.VMEM((N,), f32),
            pltpu.VMEM((N,), f32),
            pltpu.VMEM((N,), f32),
            pltpu.VMEM((N,), f32),
            pltpu.VMEM((N,), f32),
            pltpu.VMEM((N,), jnp.int32),
            pltpu.VMEM((NB * L,), jnp.int32),
            pltpu.VMEM((CAP + 96,), jnp.int32),
            pltpu.VMEM((CAP + 96,), jnp.int32),
            pltpu.VMEM((NP * 3,), f32),
            pltpu.VMEM((NP * PS * 3,), f32),
        ),
    )
    pf, cf = run(pts)
    return (pf.reshape(B, NP, PS, 3), cf.reshape(B, NP, 3))

# --- scband reference (transcript-rebuilt; emitter-appended) ---
"""Pipeline reference for scband-point-patchify-72241349919076 (READ-ONLY COPY).

The authoritative reference and input builder live on the scoring server;
editing this copy changes nothing except your own understanding.
"""

import jax, jax.numpy as jnp
import numpy as np

NUM_PATCHES = 64
PATCH_SIZE = 32


def setup_inputs(seed: int = 0) -> dict:
    key = jax.random.key(seed)
    points = jax.random.normal(key, (32, 16384, 3), dtype=jnp.float32)
    return {"points": points}


def _farthest_point_sample(xyz, K):
    # xyz: [B, N, 3] -> idx: [B, K]
    B, N, _ = xyz.shape
    start = jnp.zeros((B,), dtype=jnp.int32)  # deterministic start point
    dists0 = jnp.full((B, N), jnp.inf, dtype=xyz.dtype)

    def step(carry, _):
        dists, cur = carry
        pt = jnp.take_along_axis(xyz, cur[:, None, None], axis=1)  # [B,1,3]
        d = jnp.sum((xyz - pt) ** 2, axis=-1)  # [B,N]
        dists = jnp.minimum(dists, d)
        nxt = jnp.argmax(dists, axis=-1).astype(jnp.int32)
        return (dists, nxt), cur

    (_, _), idxs = jax.lax.scan(step, (dists0, start), None, length=K)
    return jnp.transpose(idxs)  # [B, K]


def _knn_idx(centers, xyz, K):
    # centers: [B, P, 3], xyz: [B, N, 3] -> idx of K nearest: [B, P, K], sorted by distance
    c2 = jnp.sum(centers * centers, axis=-1)[:, :, None]  # [B,P,1]
    x2 = jnp.sum(xyz * xyz, axis=-1)[:, None, :]  # [B,1,N]
    d2 = c2 + x2 - 2.0 * jnp.einsum('bpd,bnd->bpn', centers, xyz)  # [B,P,N]
    _, idx = jax.lax.top_k(-d2, K)  # ascending distance (return_sorted=True)
    return idx


def reference(points):
    # points: [B, N, D] with xyz in the first 3 channels (here D == 3)
    B, N, D = points.shape
    xyz = points[..., :3]
    fps_idx = _farthest_point_sample(xyz, NUM_PATCHES)  # [B, num_patches]
    b_idx = jnp.arange(B)[:, None]
    centers = xyz[b_idx, fps_idx]  # [B, num_patches, 3]
    knn_idx = _knn_idx(centers, xyz, PATCH_SIZE)  # [B, num_patches, patch_size]
    b_idx2 = jnp.arange(B)[:, None, None]
    patches = points[b_idx2, knn_idx]  # [B, num_patches, patch_size, D]
    # center the xyz channels (in-place view subtraction in the torch code)
    patches = jnp.concatenate(
        [patches[..., :3] - centers[:, :, None, :], patches[..., 3:]], axis=-1
    )
    return (patches, centers)

if __name__ == "__main__":
    import jax
    _d = setup_inputs()
    print(jax.jit(kernel)(*tuple(_d.values())))

</pallas_src>

<mosaic_0001>
#map = affine_map<(d0, d1) -> (0)>
module attributes {stable_mosaic.version = 14 : i64} {
  func.func @_sc_body(%arg0: i32, %arg1: i32, %arg2: memref<1572864xf32, #tpu.memory_space<hbm>>, %arg3: memref<196608xf32, #tpu.memory_space<hbm>>, %arg4: memref<6144xf32, #tpu.memory_space<hbm>>, %arg5: memref<16384xf32, #tpu.memory_space<vmem>>, %arg6: memref<16384xf32, #tpu.memory_space<vmem>>, %arg7: memref<16384xf32, #tpu.memory_space<vmem>>, %arg8: memref<16384xf32, #tpu.memory_space<vmem>>, %arg9: memref<16384xf32, #tpu.memory_space<vmem>>, %arg10: memref<16384xi32, #tpu.memory_space<vmem>>, %arg11: memref<8192xi32, #tpu.memory_space<vmem>>, %arg12: memref<1120xi32, #tpu.memory_space<vmem>>, %arg13: memref<1120xi32, #tpu.memory_space<vmem>>, %arg14: memref<192xf32, #tpu.memory_space<vmem>>, %arg15: memref<6144xf32, #tpu.memory_space<vmem>>) attributes {dimension_semantics = [#tpu.dimension_semantics<core_parallel>, #tpu.dimension_semantics<subcore_parallel>], iteration_bounds = array<i64: 2, 16>, scalar_prefetch = 0 : i64, scratch_operands = 11 : i64, tpu.core_type = #tpu.core_type<sc_vector_subcore>, window_params = [{transform_indices = #map}, {transform_indices = #map}, {transform_indices = #map}]} {
    %iota3A = tpu.iota {dimensions = array<i32: 0>} : vector<16xi32>
    %eq3A = arith.constant 0 : i32
    %eq3A_0 = vector.broadcast %eq3A : i32 to vector<16xi32>
    %eq3A_1 = arith.cmpi eq, %iota3A, %eq3A_0 : vector<16xi32>
    %mul3A = arith.constant 2 : i32
    %mul3A_2 = arith.muli %arg1, %mul3A : i32
    %add3A = arith.addi %mul3A_2, %arg0 : i32
    %mul3A_3 = arith.constant 49152 : i32
    %mul3A_4 = arith.muli %add3A, %mul3A_3 : i32
    "tpu.region"() ({
      %run_scoped3A = tpu.sem_alloc : memref<!tpu.dma_semaphore, #tpu.memory_space<semaphore_mem>>
      %dma_start3A = tpu.memref_slice %arg2[%mul3A_4] : memref<1572864xf32, #tpu.memory_space<hbm>> -> memref<16384xf32, #tpu.memory_space<hbm>>
      %dma_start3A_40 = tpu.memref_slice %arg2[%mul3A_4] : memref<1572864xf32, #tpu.memory_space<hbm>> -> memref<16384xf32, #tpu.memory_space<hbm>>
      tpu.enqueue_dma source(%dma_start3A_40 : memref<16384xf32, #tpu.memory_space<hbm>>) target(%arg5 : memref<16384xf32, #tpu.memory_space<vmem>>) target_semaphore(%run_scoped3A : memref<!tpu.dma_semaphore, #tpu.memory_space<semaphore_mem>>)
      %dma_wait3A = tpu.memref_slice %arg2[%mul3A_4] : memref<1572864xf32, #tpu.memory_space<hbm>> -> memref<16384xf32, #tpu.memory_space<hbm>>
      %dma_wait3A_41 = tpu.memref_slice %arg2[%mul3A_4] : memref<1572864xf32, #tpu.memory_space<hbm>> -> memref<16384xf32, #tpu.memory_space<hbm>>
      tpu.wait_dma2 semaphore(%run_scoped3A : memref<!tpu.dma_semaphore, #tpu.memory_space<semaphore_mem>>) src(%dma_wait3A_41 : memref<16384xf32, #tpu.memory_space<hbm>>) dst(%arg5 : memref<16384xf32, #tpu.memory_space<vmem>>)
      tpu.yield
    }) : () -> ()
    %add3A_5 = arith.constant 16384 : i32
    %add3A_6 = arith.addi %mul3A_4, %add3A_5 : i32
    "tpu.region"() ({
      %run_scoped3A = tpu.sem_alloc : memref<!tpu.dma_semaphore, #tpu.memory_space<semaphore_mem>>
      %dma_start3A = tpu.memref_slice %arg2[%add3A_6] : memref<1572864xf32, #tpu.memory_space<hbm>> -> memref<16384xf32, #tpu.memory_space<hbm>>
      %dma_start3A_40 = tpu.memref_slice %arg2[%add3A_6] : memref<1572864xf32, #tpu.memory_space<hbm>> -> memref<16384xf32, #tpu.memory_space<hbm>>
      tpu.enqueue_dma source(%dma_start3A_40 : memref<16384xf32, #tpu.memory_space<hbm>>) target(%arg6 : memref<16384xf32, #tpu.memory_space<vmem>>) target_semaphore(%run_scoped3A : memref<!tpu.dma_semaphore, #tpu.memory_space<semaphore_mem>>)
      %dma_wait3A = tpu.memref_slice %arg2[%add3A_6] : memref<1572864xf32, #tpu.memory_space<hbm>> -> memref<16384xf32, #tpu.memory_space<hbm>>
      %dma_wait3A_41 = tpu.memref_slice %arg2[%add3A_6] : memref<1572864xf32, #tpu.memory_space<hbm>> -> memref<16384xf32, #tpu.memory_space<hbm>>
      tpu.wait_dma2 semaphore(%run_scoped3A : memref<!tpu.dma_semaphore, #tpu.memory_space<semaphore_mem>>) src(%dma_wait3A_41 : memref<16384xf32, #tpu.memory_space<hbm>>) dst(%arg6 : memref<16384xf32, #tpu.memory_space<vmem>>)
      tpu.yield
    }) : () -> ()
    %add3A_7 = arith.constant 32768 : i32
    %add3A_8 = arith.addi %mul3A_4, %add3A_7 : i32
    "tpu.region"() ({
      %run_scoped3A = tpu.sem_alloc : memref<!tpu.dma_semaphore, #tpu.memory_space<semaphore_mem>>
      %dma_start3A = tpu.memref_slice %arg2[%add3A_8] : memref<1572864xf32, #tpu.memory_space<hbm>> -> memref<16384xf32, #tpu.memory_space<hbm>>
      %dma_start3A_40 = tpu.memref_slice %arg2[%add3A_8] : memref<1572864xf32, #tpu.memory_space<hbm>> -> memref<16384xf32, #tpu.memory_space<hbm>>
      tpu.enqueue_dma source(%dma_start3A_40 : memref<16384xf32, #tpu.memory_space<hbm>>) target(%arg7 : memref<16384xf32, #tpu.memory_space<vmem>>) target_semaphore(%run_scoped3A : memref<!tpu.dma_semaphore, #tpu.memory_space<semaphore_mem>>)
      %dma_wait3A = tpu.memref_slice %arg2[%add3A_8] : memref<1572864xf32, #tpu.memory_space<hbm>> -> memref<16384xf32, #tpu.memory_space<hbm>>
      %dma_wait3A_41 = tpu.memref_slice %arg2[%add3A_8] : memref<1572864xf32, #tpu.memory_space<hbm>> -> memref<16384xf32, #tpu.memory_space<hbm>>
      tpu.wait_dma2 semaphore(%run_scoped3A : memref<!tpu.dma_semaphore, #tpu.memory_space<semaphore_mem>>) src(%dma_wait3A_41 : memref<16384xf32, #tpu.memory_space<hbm>>) dst(%arg7 : memref<16384xf32, #tpu.memory_space<vmem>>)
      tpu.yield
    }) : () -> ()
    %scan3A = arith.constant 0 : i32
    %scan3A_9 = arith.constant 0 : i32
    %scan3A_10 = arith.constant 128 : i32
    %scan3A_11 = arith.addi %scan3A_9, %scan3A_10 : i32
    %scan3A_12 = arith.constant 1 : i32
    %scan3A_13 = scf.for %scan3A_40 = %scan3A_9 to %scan3A_11 step %scan3A_12 iter_args(%scan3A_41 = %scan3A) -> (i32)  : i32 {
      %mul3A_42 = arith.constant 8 : i32
      %mul3A_43 = arith.muli %scan3A_40, %mul3A_42 : i32
      %add3A_44 = arith.constant 0 : i32
      %add3A_45 = arith.addi %mul3A_43, %add3A_44 : i32
      %mul3A_46 = arith.constant 16 : i32
      %mul3A_47 = arith.muli %add3A_45, %mul3A_46 : i32
      %get3A = arith.index_cast %mul3A_47 : i32 to index
      %get3A_48 = tpu.vector_load %arg5[%get3A] {strides = array<i32>} : memref<16384xf32, #tpu.memory_space<vmem>>, vector<16xf32>,
      %get3A_49 = arith.index_cast %mul3A_47 : i32 to index
      %get3A_50 = tpu.vector_load %arg6[%get3A_49] {strides = array<i32>} : memref<16384xf32, #tpu.memory_space<vmem>>, vector<16xf32>,
      %get3A_51 = arith.index_cast %mul3A_47 : i32 to index
      %get3A_52 = tpu.vector_load %arg7[%get3A_51] {strides = array<i32>} : memref<16384xf32, #tpu.memory_space<vmem>>, vector<16xf32>,
      %mul3A_53 = arith.mulf %get3A_48, %get3A_48 : vector<16xf32>
      %mul3A_54 = arith.mulf %get3A_50, %get3A_50 : vector<16xf32>
      %add3A_55 = arith.addf %mul3A_53, %mul3A_54 : vector<16xf32>
      %mul3A_56 = arith.mulf %get3A_52, %get3A_52 : vector<16xf32>
      %add3A_57 = arith.addf %add3A_55, %mul3A_56 : vector<16xf32>
      %swap3A = arith.index_cast %mul3A_47 : i32 to index
      %swap3A_58 = tpu.vector_load %arg8[%swap3A] {strides = array<i32>} : memref<16384xf32, #tpu.memory_space<vmem>>, vector<16xf32>,
      tpu.vector_store %arg8[%swap3A], %add3A_57 {strides = array<i32>} : memref<16384xf32, #tpu.memory_space<vmem>>, vector<16xf32>,
      %broadcast_in_dim3A = arith.constant 0x7F800000 : f32
      %broadcast_in_dim3A_59 = vector.broadcast %broadcast_in_dim3A : f32 to vector<16xf32>
      %swap3A_60 = arith.index_cast %mul3A_47 : i32 to index
      %swap3A_61 = tpu.vector_load %arg9[%swap3A_60] {strides = array<i32>} : memref<16384xf32, #tpu.memory_space<vmem>>, vector<16xf32>,
      tpu.vector_store %arg9[%swap3A_60], %broadcast_in_dim3A_59 {strides = array<i32>} : memref<16384xf32, #tpu.memory_space<vmem>>, vector<16xf32>,
      %mul3A_62 = arith.constant 8 : i32
      %mul3A_63 = arith.muli %scan3A_40, %mul3A_62 : i32
      %add3A_64 = arith.constant 1 : i32
      %add3A_65 = arith.addi %mul3A_63, %add3A_64 : i32
      %mul3A_66 = arith.constant 16 : i32
      %mul3A_67 = arith.muli %add3A_65, %mul3A_66 : i32
      %get3A_68 = arith.index_cast %mul3A_67 : i32 to index
      %get3A_69 = tpu.vector_load %arg5[%get3A_68] {strides = array<i32>} : memref<16384xf32, #tpu.memory_space<vmem>>, vector<16xf32>,
      %get3A_70 = arith.index_cast %mul3A_67 : i32 to index
      %get3A_71 = tpu.vector_load %arg6[%get3A_70] {strides = array<i32>} : memref<16384xf32, #tpu.memory_space<vmem>>, vector<16xf32>,
      %get3A_72 = arith.index_cast %mul3A_67 : i32 to index
      %get3A_73 = tpu.vector_load %arg7[%get3A_72] {strides = array<i32>} : memref<16384xf32, #tpu.memory_space<vmem>>, vector<16xf32>,
      %mul3A_74 = arith.mulf %get3A_69, %get3A_69 : vector<16xf32>
      %mul3A_75 = arith.mulf %get3A_71, %get3A_71 : vector<16xf32>
      %add3A_76 = arith.addf %mul3A_74, %mul3A_75 : vector<16xf32>
      %mul3A_77 = arith.mulf %get3A_73, %get3A_73 : vector<16xf32>
      %add3A_78 = arith.addf %add3A_76, %mul3A_77 : vector<16xf32>
      %swap3A_79 = arith.index_cast %mul3A_67 : i32 to index
      %swap3A_80 = tpu.vector_load %arg8[%swap3A_79] {strides = array<i32>} : memref<16384xf32, #tpu.memory_space<vmem>>, vector<16xf32>,
      tpu.vector_store %arg8[%swap3A_79], %add3A_78 {strides = array<i32>} : memref<16384xf32, #tpu.memory_space<vmem>>, vector<16xf32>,
      %broadcast_in_dim3A_81 = arith.constant 0x7F800000 : f32
      %broadcast_in_dim3A_82 = vector.broadcast %broadcast_in_dim3A_81 : f32 to vector<16xf32>
      %swap3A_83 = arith.index_cast %mul3A_67 : i32 to index
      %swap3A_84 = tpu.vector_load %arg9[%swap3A_83] {strides = array<i32>} : memref<16384xf32, #tpu.memory_space<vmem>>, vector<16xf32>,
      tpu.vector_store %arg9[%swap3A_83], %broadcast_in_dim3A_82 {strides = array<i32>} : memref<16384xf32, #tpu.memory_space<vmem>>, vector<16xf32>,
      %mul3A_85 = arith.constant 8 : i32
      %mul3A_86 = arith.muli %scan3A_40, %mul3A_85 : i32
      %add3A_87 = arith.constant 2 : i32
      %add3A_88 = arith.addi %mul3A_86, %add3A_87 : i32
      %mul3A_89 = arith.constant 16 : i32
      %mul3A_90 = arith.muli %add3A_88, %mul3A_89 : i32
      %get3A_91 = arith.index_cast %mul3A_90 : i32 to index
      %get3A_92 = tpu.vector_load %arg5[%get3A_91] {strides = array<i32>} : memref<16384xf32, #tpu.memory_space<vmem>>, vector<16xf32>,
      %get3A_93 = arith.index_cast %mul3A_90 : i32 to index
      %get3A_94 = tpu.vector_load %arg6[%get3A_93] {strides = array<i32>} : memref<16384xf32, #tpu.memory_space<vmem>>, vector<16xf32>,
      %get3A_95 = arith.index_cast %mul3A_90 : i32 to index
      %get3A_96 = tpu.vector_load %arg7[%get3A_95] {strides = array<i32>} : memref<16384xf32, #tpu.memory_space<vmem>>, vector<16xf32>,
      %mul3A_97 = arith.mulf %get3A_92, %get3A_92 : vector<16xf32>
      %mul3A_98 = arith.mulf %get3A_94, %get3A_94 : vector<16xf32>
      %add3A_99 = arith.addf %mul3A_97, %mul3A_98 : vector<16xf32>
      %mul3A_100 = arith.mulf %get3A_96, %get3A_96 : vector<16xf32>
      %add3A_101 = arith.addf %add3A_99, %mul3A_100 : vector<16xf32>
      %swap3A_102 = arith.index_cast %mul3A_90 : i32 to index
      %swap3A_103 = tpu.vector_load %arg8[%swap3A_102] {strides = array<i32>} : memref<16384xf32, #tpu.memory_space<vmem>>, vector<16xf32>,
      tpu.vector_store %arg8[%swap3A_102], %add3A_101 {strides = array<i32>} : memref<16384xf32, #tpu.memory_space<vmem>>, vector<16xf32>,
      %broadcast_in_dim3A_104 = arith.constant 0x7F800000 : f32
      %broadcast_in_dim3A_105 = vector.broadcast %broadcast_in_dim3A_104 : f32 to vector<16xf32>
      %swap3A_106 = arith.index_cast %mul3A_90 : i32 to index
      %swap3A_107 = tpu.vector_load %arg9[%swap3A_106] {strides = array<i32>} : memref<16384xf32, #tpu.memory_space<vmem>>, vector<16xf32>,
      tpu.vector_store %arg9[%swap3A_106], %broadcast_in_dim3A_105 {strides = array<i32>} : memref<16384xf32, #tpu.memory_space<vmem>>, vector<16xf32>,
      %mul3A_108 = arith.constant 8 : i32
      %mul3A_109 = arith.muli %scan3A_40, %mul3A_108 : i32
      %add3A_110 = arith.constant 3 : i32
      %add3A_111 = arith.addi %mul3A_109, %add3A_110 : i32
      %mul3A_112 = arith.constant 16 : i32
      %mul3A_113 = arith.muli %add3A_111, %mul3A_112 : i32
      %get3A_114 = arith.index_cast %mul3A_113 : i32 to index
      %get3A_115 = tpu.vector_load %arg5[%get3A_114] {strides = array<i32>} : memref<16384xf32, #tpu.memory_space<vmem>>, vector<16xf32>,
      %get3A_116 = arith.index_cast %mul3A_113 : i32 to index
      %get3A_117 = tpu.vector_load %arg6[%get3A_116] {strides = array<i32>} : memref<16384xf32, #tpu.memory_space<vmem>>, vector<16xf32>,
      %get3A_118 = arith.index_cast %mul3A_113 : i32 to index
      %get3A_119 = tpu.vector_load %arg7[%get3A_118] {strides = array<i32>} : memref<16384xf32, #tpu.memory_space<vmem>>, vector<16xf32>,
      %mul3A_120 = arith.mulf %get3A_115, %get3A_115 : vector<16xf32>
      %mul3A_121 = arith.mulf %get3A_117, %get3A_117 : vector<16xf32>
      %add3A_122 = arith.addf %mul3A_120, %mul3A_121 : vector<16xf32>
      %mul3A_123 = arith.mulf %get3A_119, %get3A_119 : vector<16xf32>
      %add3A_124 = arith.addf %add3A_122, %mul3A_123 : vector<16xf32>
      %swap3A_125 = arith.index_cast %mul3A_113 : i32 to index
      %swap3A_126 = tpu.vector_load %arg8[%swap3A_125] {strides = array<i32>} : memref<16384xf32, #tpu.memory_space<vmem>>, vector<16xf32>,
      tpu.vector_store %arg8[%swap3A_125], %add3A_124 {strides = array<i32>} : memref<16384xf32, #tpu.memory_space<vmem>>, vector<16xf32>,
      %broadcast_in_dim3A_127 = arith.constant 0x7F800000 : f32
      %broadcast_in_dim3A_128 = vector.broadcast %broadcast_in_dim3A_127 : f32 to vector<16xf32>
      %swap3A_129 = arith.index_cast %mul3A_113 : i32 to index
      %swap3A_130 = tpu.vector_load %arg9[%swap3A_129] {strides = array<i32>} : memref<16384xf32, #tpu.memory_space<vmem>>, vector<16xf32>,
      tpu.vector_store %arg9[%swap3A_129], %broadcast_in_dim3A_128 {strides = array<i32>} : memref<16384xf32, #tpu.memory_space<vmem>>, vector<16xf32>,
      %mul3A_131 = arith.constant 8 : i32
      %mul3A_132 = arith.muli %scan3A_40, %mul3A_131 : i32
      %add3A_133 = arith.constant 4 : i32
      %add3A_134 = arith.addi %mul3A_132, %add3A_133 : i32
      %mul3A_135 = arith.constant 16 : i32
      %mul3A_136 = arith.muli %add3A_134, %mul3A_135 : i32
      %get3A_137 = arith.index_cast %mul3A_136 : i32 to index
      %get3A_138 = tpu.vector_load %arg5[%get3A_137] {strides = array<i32>} : memref<16384xf32, #tpu.memory_space<vmem>>, vector<16xf32>,
      %get3A_139 = arith.index_cast %mul3A_136 : i32 to index
      %get3A_140 = tpu.vector_load %arg6[%get3A_139] {strides = array<i32>} : memref<16384xf32, #tpu.memory_space<vmem>>, vector<16xf32>,
      %get3A_141 = arith.index_cast %mul3A_136 : i32 to index
      %get3A_142 = tpu.vector_load %arg7[%get3A_141] {strides = array<i32>} : memref<16384xf32, #tpu.memory_space<vmem>>, vector<16xf32>,
      %mul3A_143 = arith.mulf %get3A_138, %get3A_138 : vector<16xf32>
      %mul3A_144 = arith.mulf %get3A_140, %get3A_140 : vector<16xf32>
      %add3A_145 = arith.addf %mul3A_143, %mul3A_144 : vector<16xf32>
      %mul3A_146 = arith.mulf %get3A_142, %get3A_142 : vector<16xf32>
      %add3A_147 = arith.addf %add3A_145, %mul3A_146 : vector<16xf32>
      %swap3A_148 = arith.index_cast %mul3A_136 : i32 to index
      %swap3A_149 = tpu.vector_load %arg8[%swap3A_148] {strides = array<i32>} : memref<16384xf32, #tpu.memory_space<vmem>>, vector<16xf32>,
      tpu.vector_store %arg8[%swap3A_148], %add3A_147 {strides = array<i32>} : memref<16384xf32, #tpu.memory_space<vmem>>, vector<16xf32>,
      %broadcast_in_dim3A_150 = arith.constant 0x7F800000 : f32
      %broadcast_in_dim3A_151 = vector.broadcast %broadcast_in_dim3A_150 : f32 to vector<16xf32>
      %swap3A_152 = arith.index_cast %mul3A_136 : i32 to index
      %swap3A_153 = tpu.vector_load %arg9[%swap3A_152] {strides = array<i32>} : memref<16384xf32, #tpu.memory_space<vmem>>, vector<16xf32>,
      tpu.vector_store %arg9[%swap3A_152], %broadcast_in_dim3A_151 {strides = array<i32>} : memref<16384xf32, #tpu.memory_space<vmem>>, vector<16xf32>,
      %mul3A_154 = arith.constant 8 : i32
      %mul3A_155 = arith.muli %scan3A_40, %mul3A_154 : i32
      %add3A_156 = arith.constant 5 : i32
      %add3A_157 = arith.addi %mul3A_155, %add3A_156 : i32
      %mul3A_158 = arith.constant 16 : i32
      %mul3A_159 = arith.muli %add3A_157, %mul3A_158 : i32
      %get3A_160 = arith.index_cast %mul3A_159 : i32 to index
      %get3A_161 = tpu.vector_load %arg5[%get3A_160] {strides = array<i32>} : memref<16384xf32, #tpu.memory_space<vmem>>, vector<16xf32>,
      %get3A_162 = arith.index_cast %mul3A_159 : i32 to index
      %get3A_163 = tpu.vector_load %arg6[%get3A_162] {strides = array<i32>} : memref<16384xf32, #tpu.memory_space<vmem>>, vector<16xf32>,
      %get3A_164 = arith.index_cast %mul3A_159 : i32 to index
      %get3A_165 = tpu.vector_load %arg7[%get3A_164] {strides = array<i32>} : memref<16384xf32, #tpu.memory_space<vmem>>, vector<16xf32>,
      %mul3A_166 = arith.mulf %get3A_161, %get3A_161 : vector<16xf32>
      %mul3A_167 = arith.mulf %get3A_163, %get3A_163 : vector<16xf32>
      %add3A_168 = arith.addf %mul3A_166, %mul3A_167 : vector<16xf32>
      %mul3A_169 = arith.mulf %get3A_165, %get3A_165 : vector<16xf32>
      %add3A_170 = arith.addf %add3A_168, %mul3A_169 : vector<16xf32>
      %swap3A_171 = arith.index_cast %mul3A_159 : i32 to index
      %swap3A_172 = tpu.vector_load %arg8[%swap3A_171] {strides = array<i32>} : memref<16384xf32, #tpu.memory_space<vmem>>, vector<16xf32>,
      tpu.vector_store %arg8[%swap3A_171], %add3A_170 {strides = array<i32>} : memref<16384xf32, #tpu.memory_space<vmem>>, vector<16xf32>,
      %broadcast_in_dim3A_173 = arith.constant 0x7F800000 : f32
      %broadcast_in_dim3A_174 = vector.broadcast %broadcast_in_dim3A_173 : f32 to vector<16xf32>
      %swap3A_175 = arith.index_cast %mul3A_159 : i32 to index
      %swap3A_176 = tpu.vector_load %arg9[%swap3A_175] {strides = array<i32>} : memref<16384xf32, #tpu.memory_space<vmem>>, vector<16xf32>,
      tpu.vector_store %arg9[%swap3A_175], %broadcast_in_dim3A_174 {strides = array<i32>} : memref<16384xf32, #tpu.memory_space<vmem>>, vector<16xf32>,
      %mul3A_177 = arith.constant 8 : i32
      %mul3A_178 = arith.muli %scan3A_40, %mul3A_177 : i32
      %add3A_179 = arith.constant 6 : i32
      %add3A_180 = arith.addi %mul3A_178, %add3A_179 : i32
      %mul3A_181 = arith.constant 16 : i32
      %mul3A_182 = arith.muli %add3A_180, %mul3A_181 : i32
      %get3A_183 = arith.index_cast %mul3A_182 : i32 to index
      %get3A_184 = tpu.vector_load %arg5[%get3A_183] {strides = array<i32>} : memref<16384xf32, #tpu.memory_space<vmem>>, vector<16xf32>,
      %get3A_185 = arith.index_cast %mul3A_182 : i32 to index
      %get3A_186 = tpu.vector_load %arg6[%get3A_185] {strides = array<i32>} : memref<16384xf32, #tpu.memory_space<vmem>>, vector<16xf32>,
      %get3A_187 = arith.index_cast %mul3A_182 : i32 to index
      %get3A_188 = tpu.vector_load %arg7[%get3A_187] {strides = array<i32>} : memref<16384xf32, #tpu.memory_space<vmem>>, vector<16xf32>,
      %mul3A_189 = arith.mulf %get3A_184, %get3A_184 : vector<16xf32>
      %mul3A_190 = arith.mulf %get3A_186, %get3A_186 : vector<16xf32>
      %add3A_191 = arith.addf %mul3A_189, %mul3A_190 : vector<16xf32>
      %mul3A_192 = arith.mulf %get3A_188, %get3A_188 : vector<16xf32>
      %add3A_193 = arith.addf %add3A_191, %mul3A_192 : vector<16xf32>
      %swap3A_194 = arith.index_cast %mul3A_182 : i32 to index
      %swap3A_195 = tpu.vector_load %arg8[%swap3A_194] {strides = array<i32>} : memref<16384xf32, #tpu.memory_space<vmem>>, vector<16xf32>,
      tpu.vector_store %arg8[%swap3A_194], %add3A_193 {strides = array<i32>} : memref<16384xf32, #tpu.memory_space<vmem>>, vector<16xf32>,
      %broadcast_in_dim3A_196 = arith.constant 0x7F800000 : f32
      %broadcast_in_dim3A_197 = vector.broadcast %broadcast_in_dim3A_196 : f32 to vector<16xf32>
      %swap3A_198 = arith.index_cast %mul3A_182 : i32 to index
      %swap3A_199 = tpu.vector_load %arg9[%swap3A_198] {strides = array<i32>} : memref<16384xf32, #tpu.memory_space<vmem>>, vector<16xf32>,
      tpu.vector_store %arg9[%swap3A_198], %broadcast_in_dim3A_197 {strides = array<i32>} : memref<16384xf32, #tpu.memory_space<vmem>>, vector<16xf32>,
      %mul3A_200 = arith.constant 8 : i32
      %mul3A_201 = arith.muli %scan3A_40, %mul3A_200 : i32
      %add3A_202 = arith.constant 7 : i32
      %add3A_203 = arith.addi %mul3A_201, %add3A_202 : i32
      %mul3A_204 = arith.constant 16 : i32
      %mul3A_205 = arith.muli %add3A_203, %mul3A_204 : i32
      %get3A_206 = arith.index_cast %mul3A_205 : i32 to index
      %get3A_207 = tpu.vector_load %arg5[%get3A_206] {strides = array<i32>} : memref<16384xf32, #tpu.memory_space<vmem>>, vector<16xf32>,
      %get3A_208 = arith.index_cast %mul3A_205 : i32 to index
      %get3A_209 = tpu.vector_load %arg6[%get3A_208] {strides = array<i32>} : memref<16384xf32, #tpu.memory_space<vmem>>, vector<16xf32>,
      %get3A_210 = arith.index_cast %mul3A_205 : i32 to index
      %get3A_211 = tpu.vector_load %arg7[%get3A_210] {strides = array<i32>} : memref<16384xf32, #tpu.memory_space<vmem>>, vector<16xf32>,
      %mul3A_212 = arith.mulf %get3A_207, %get3A_207 : vector<16xf32>
      %mul3A_213 = arith.mulf %get3A_209, %get3A_209 : vector<16xf32>
      %add3A_214 = arith.addf %mul3A_212, %mul3A_213 : vector<16xf32>
      %mul3A_215 = arith.mulf %get3A_211, %get3A_211 : vector<16xf32>
      %add3A_216 = arith.addf %add3A_214, %mul3A_215 : vector<16xf32>
      %swap3A_217 = arith.index_cast %mul3A_205 : i32 to index
      %swap3A_218 = tpu.vector_load %arg8[%swap3A_217] {strides = array<i32>} : memref<16384xf32, #tpu.memory_space<vmem>>, vector<16xf32>,
      tpu.vector_store %arg8[%swap3A_217], %add3A_216 {strides = array<i32>} : memref<16384xf32, #tpu.memory_space<vmem>>, vector<16xf32>,
      %broadcast_in_dim3A_219 = arith.constant 0x7F800000 : f32
      %broadcast_in_dim3A_220 = vector.broadcast %broadcast_in_dim3A_219 : f32 to vector<16xf32>
      %swap3A_221 = arith.index_cast %mul3A_205 : i32 to index
      %swap3A_222 = tpu.vector_load %arg9[%swap3A_221] {strides = array<i32>} : memref<16384xf32, #tpu.memory_space<vmem>>, vector<16xf32>,
      tpu.vector_store %arg9[%swap3A_221], %broadcast_in_dim3A_220 {strides = array<i32>} : memref<16384xf32, #tpu.memory_space<vmem>>, vector<16xf32>,
      %scan3A_223 = arith.constant 0 : i32
      scf.yield %scan3A_223 : i32
    }
    %scan3A_14 = arith.constant 128 : i32
    %scan3A_15 = arith.constant 0 : i32
    %scan3A_16 = arith.constant 0 : i32
    %scan3A_17 = arith.constant 64 : i32
    %scan3A_18 = arith.addi %scan3A_16, %scan3A_17 : i32
    %scan3A_19 = arith.constant 1 : i32
    %scan3A_20 = scf.for %scan3A_40 = %scan3A_16 to %scan3A_18 step %scan3A_19 iter_args(%scan3A_41 = %scan3A_15) -> (i32)  : i32 {
      %broadcast_in_dim3A = vector.broadcast %scan3A_41 : i32 to vector<16xi32>
      %gather3A = tpu.vector_load_idx %arg5[%broadcast_in_dim3A] : memref<16384xf32, #tpu.memory_space<vmem>>[vector<16xi32>], vector<16xf32>,
      %gather3A_42 = tpu.vector_load_idx %arg6[%broadcast_in_dim3A] : memref<16384xf32, #tpu.memory_space<vmem>>[vector<16xi32>], vector<16xf32>,
      %gather3A_43 = tpu.vector_load_idx %arg7[%broadcast_in_dim3A] : memref<16384xf32, #tpu.memory_space<vmem>>[vector<16xi32>], vector<16xf32>,
      %mul3A_44 = arith.constant 3 : i32
      %mul3A_45 = arith.muli %scan3A_40, %mul3A_44 : i32
      %broadcast_in_dim3A_46 = vector.broadcast %mul3A_45 : i32 to vector<16xi32>
      tpu.vector_store_idx %arg14[%broadcast_in_dim3A_46], %gather3A masked %eq3A_1 : memref<192xf32, #tpu.memory_space<vmem>>[vector<16xi32>], vector<16xf32>, vector<16xi1>
      %mul3A_47 = arith.constant 3 : i32
      %mul3A_48 = arith.muli %scan3A_40, %mul3A_47 : i32
      %add3A_49 = arith.constant 1 : i32
      %add3A_50 = arith.addi %mul3A_48, %add3A_49 : i32
      %broadcast_in_dim3A_51 = vector.broadcast %add3A_50 : i32 to vector<16xi32>
      tpu.vector_store_idx %arg14[%broadcast_in_dim3A_51], %gather3A_42 masked %eq3A_1 : memref<192xf32, #tpu.memory_space<vmem>>[vector<16xi32>], vector<16xf32>, vector<16xi1>
      %mul3A_52 = arith.constant 3 : i32
      %mul3A_53 = arith.muli %scan3A_40, %mul3A_52 : i32
      %add3A_54 = arith.constant 2 : i32
      %add3A_55 = arith.addi %mul3A_53, %add3A_54 : i32
      %broadcast_in_dim3A_56 = vector.broadcast %add3A_55 : i32 to vector<16xi32>
      tpu.vector_store_idx %arg14[%broadcast_in_dim3A_56], %gather3A_43 masked %eq3A_1 : memref<192xf32, #tpu.memory_space<vmem>>[vector<16xi32>], vector<16xf32>, vector<16xi1>
      %broadcast_in_dim3A_57 = arith.constant 0xFF800000 : f32
      %broadcast_in_dim3A_58 = vector.broadcast %broadcast_in_dim3A_57 : f32 to vector<16xf32>
      %broadcast_in_dim3A_59 = arith.constant 0 : i32
      %broadcast_in_dim3A_60 = vector.broadcast %broadcast_in_dim3A_59 : i32 to vector<16xi32>
      %scan3A_61 = arith.constant 0 : i32
      %scan3A_62 = arith.constant 128 : i32
      %scan3A_63 = arith.addi %scan3A_61, %scan3A_62 : i32
      %scan3A_64 = arith.constant 1 : i32
      %scan3A_65:8 = scf.for %scan3A_97 = %scan3A_61 to %scan3A_63 step %scan3A_64 iter_args(%scan3A_98 = %broadcast_in_dim3A_58, %scan3A_99 = %broadcast_in_dim3A_58, %scan3A_100 = %broadcast_in_dim3A_58, %scan3A_101 = %broadcast_in_dim3A_58, %scan3A_102 = %broadcast_in_dim3A_60, %scan3A_103 = %broadcast_in_dim3A_60, %scan3A_104 = %broadcast_in_dim3A_60, %scan3A_105 = %broadcast_in_dim3A_60) -> (vector<16xf32>, vector<16xf32>, vector<16xf32>, vector<16xf32>, vector<16xi32>, vector<16xi32>, vector<16xi32>, vector<16xi32>)  : i32 {
        %mul3A_106 = arith.constant 8 : i32
        %mul3A_107 = arith.muli %scan3A_97, %mul3A_106 : i32
        %add3A_108 = arith.constant 0 : i32
        %add3A_109 = arith.addi %mul3A_107, %add3A_108 : i32
        %mul3A_110 = arith.constant 16 : i32
        %mul3A_111 = arith.muli %add3A_109, %mul3A_110 : i32
        %mul3A_112 = arith.constant 8 : i32
        %mul3A_113 = arith.muli %scan3A_97, %mul3A_112 : i32
        %add3A_114 = arith.constant 1 : i32
        %add3A_115 = arith.addi %mul3A_113, %add3A_114 : i32
        %mul3A_116 = arith.constant 16 : i32
        %mul3A_117 = arith.muli %add3A_115, %mul3A_116 : i32
        %mul3A_118 = arith.constant 8 : i32
        %mul3A_119 = arith.muli %scan3A_97, %mul3A_118 : i32
        %add3A_120 = arith.constant 2 : i32
        %add3A_121 = arith.addi %mul3A_119, %add3A_120 : i32
        %mul3A_122 = arith.constant 16 : i32
        %mul3A_123 = arith.muli %add3A_121, %mul3A_122 : i32
        %mul3A_124 = arith.constant 8 : i32
        %mul3A_125 = arith.muli %scan3A_97, %mul3A_124 : i32
        %add3A_126 = arith.constant 3 : i32
        %add3A_127 = arith.addi %mul3A_125, %add3A_126 : i32
        %mul3A_128 = arith.constant 16 : i32
        %mul3A_129 = arith.muli %add3A_127, %mul3A_128 : i32
        %mul3A_130 = arith.constant 8 : i32
        %mul3A_131 = arith.muli %scan3A_97, %mul3A_130 : i32
        %add3A_132 = arith.constant 4 : i32
        %add3A_133 = arith.addi %mul3A_131, %add3A_132 : i32
        %mul3A_134 = arith.constant 16 : i32
        %mul3A_135 = arith.muli %add3A_133, %mul3A_134 : i32
        %mul3A_136 = arith.constant 8 : i32
        %mul3A_137 = arith.muli %scan3A_97, %mul3A_136 : i32
        %add3A_138 = arith.constant 5 : i32
        %add3A_139 = arith.addi %mul3A_137, %add3A_138 : i32
        %mul3A_140 = arith.constant 16 : i32
        %mul3A_141 = arith.muli %add3A_139, %mul3A_140 : i32
        %mul3A_142 = arith.constant 8 : i32
        %mul3A_143 = arith.muli %scan3A_97, %mul3A_142 : i32
        %add3A_144 = arith.constant 6 : i32
        %add3A_145 = arith.addi %mul3A_143, %add3A_144 : i32
        %mul3A_146 = arith.constant 16 : i32
        %mul3A_147 = arith.muli %add3A_145, %mul3A_146 : i32
        %mul3A_148 = arith.constant 8 : i32
        %mul3A_149 = arith.muli %scan3A_97, %mul3A_148 : i32
        %add3A_150 = arith.constant 7 : i32
        %add3A_151 = arith.addi %mul3A_149, %add3A_150 : i32
        %mul3A_152 = arith.constant 16 : i32
        %mul3A_153 = arith.muli %add3A_151, %mul3A_152 : i32
        %get3A = arith.index_cast %mul3A_111 : i32 to index
        %get3A_154 = tpu.vector_load %arg5[%get3A] {strides = array<i32>} : memref<16384xf32, #tpu.memory_space<vmem>>, vector<16xf32>,
        %sub3A = arith.subf %get3A_154, %gather3A : vector<16xf32>
        %get3A_155 = arith.index_cast %mul3A_117 : i32 to index
        %get3A_156 = tpu.vector_load %arg5[%get3A_155] {strides = array<i32>} : memref<16384xf32, #tpu.memory_space<vmem>>, vector<16xf32>,
        %sub3A_157 = arith.subf %get3A_156, %gather3A : vector<16xf32>
        %get3A_158 = arith.index_cast %mul3A_123 : i32 to index
        %get3A_159 = tpu.vector_load %arg5[%get3A_158] {strides = array<i32>} : memref<16384xf32, #tpu.memory_space<vmem>>, vector<16xf32>,
        %sub3A_160 = arith.subf %get3A_159, %gather3A : vector<16xf32>
        %get3A_161 = arith.index_cast %mul3A_129 : i32 to index
        %get3A_162 = tpu.vector_load %arg5[%get3A_161] {strides = array<i32>} : memref<16384xf32, #tpu.memory_space<vmem>>, vector<16xf32>,
        %sub3A_163 = arith.subf %get3A_162, %gather3A : vector<16xf32>
        %get3A_164 = arith.index_cast %mul3A_135 : i32 to index
        %get3A_165 = tpu.vector_load %arg5[%get3A_164] {strides = array<i32>} : memref<16384xf32, #tpu.memory_space<vmem>>, vector<16xf32>,
        %sub3A_166 = arith.subf %get3A_165, %gather3A : vector<16xf32>
        %get3A_167 = arith.index_cast %mul3A_141 : i32 to index
        %get3A_168 = tpu.vector_load %arg5[%get3A_167] {strides = array<i32>} : memref<16384xf32, #tpu.memory_space<vmem>>, vector<16xf32>,
        %sub3A_169 = arith.subf %get3A_168, %gather3A : vector<16xf32>
        %get3A_170 = arith.index_cast %mul3A_147 : i32 to index
        %get3A_171 = tpu.vector_load %arg5[%get3A_170] {strides = array<i32>} : memref<16384xf32, #tpu.memory_space<vmem>>, vector<16xf32>,
        %sub3A_172 = arith.subf %get3A_171, %gather3A : vector<16xf32>
        %get3A_173 = arith.index_cast %mul3A_153 : i32 to index
        %get3A_174 = tpu.vector_load %arg5[%get3A_173] {strides = array<i32>} : memref<16384xf32, #tpu.memory_space<vmem>>, vector<16xf32>,
        %sub3A_175 = arith.subf %get3A_174, %gather3A : vector<16xf32>
        %get3A_176 = arith.index_cast %mul3A_111 : i32 to index
        %get3A_177 = tpu.vector_load %arg6[%get3A_176] {strides = array<i32>} : memref<16384xf32, #tpu.memory_space<vmem>>, vector<16xf32>,
        %sub3A_178 = arith.subf %get3A_177, %gather3A_42 : vector<16xf32>
        %get3A_179 = arith.index_cast %mul3A_117 : i32 to index
        %get3A_180 = tpu.vector_load %arg6[%get3A_179] {strides = array<i32>} : memref<16384xf32, #tpu.memory_space<vmem>>, vector<16xf32>,
        %sub3A_181 = arith.subf %get3A_180, %gather3A_42 : vector<16xf32>
        %get3A_182 = arith.index_cast %mul3A_123 : i32 to index
        %get3A_183 = tpu.vector_load %arg6[%get3A_182] {strides = array<i32>} : memref<16384xf32, #tpu.memory_space<vmem>>, vector<16xf32>,
        %sub3A_184 = arith.subf %get3A_183, %gather3A_42 : vector<16xf32>
        %get3A_185 = arith.index_cast %mul3A_129 : i32 to index
        %get3A_186 = tpu.vector_load %arg6[%get3A_185] {strides = array<i32>} : memref<16384xf32, #tpu.memory_space<vmem>>, vector<16xf32>,
        %sub3A_187 = arith.subf %get3A_186, %gather3A_42 : vector<16xf32>
        %get3A_188 = arith.index_cast %mul3A_135 : i32 to index
        %get3A_189 = tpu.vector_load %arg6[%get3A_188] {strides = array<i32>} : memref<16384xf32, #tpu.memory_space<vmem>>, vector<16xf32>,
        %sub3A_190 = arith.subf %get3A_189, %gather3A_42 : vector<16xf32>
        %get3A_191 = arith.index_cast %mul3A_141 : i32 to index
        %get3A_192 = tpu.vector_load %arg6[%get3A_191] {strides = array<i32>} : memref<16384xf32, #tpu.memory_space<vmem>>, vector<16xf32>,
        %sub3A_193 = arith.subf %get3A_192, %gather3A_42 : vector<16xf32>
        %get3A_194 = arith.index_cast %mul3A_147 : i32 to index
        %get3A_195 = tpu.vector_load %arg6[%get3A_194] {strides = array<i32>} : memref<16384xf32, #tpu.memory_space<vmem>>, vector<16xf32>,
        %sub3A_196 = arith.subf %get3A_195, %gather3A_42 : vector<16xf32>
        %get3A_197 = arith.index_cast %mul3A_153 : i32 to index
        %get3A_198 = tpu.vector_load %arg6[%get3A_197] {strides = array<i32>} : memref<16384xf32, #tpu.memory_space<vmem>>, vector<16xf32>,
        %sub3A_199 = arith.subf %get3A_198, %gather3A_42 : vector<16xf32>
        %get3A_200 = arith.index_cast %mul3A_111 : i32 to index
        %get3A_201 = tpu.vector_load %arg7[%get3A_200] {strides = array<i32>} : memref<16384xf32, #tpu.memory_space<vmem>>, vector<16xf32>,
        %sub3A_202 = arith.subf %get3A_201, %gather3A_43 : vector<16xf32>
        %get3A_203 = arith.index_cast %mul3A_117 : i32 to index
        %get3A_204 = tpu.vector_load %arg7[%get3A_203] {strides = array<i32>} : memref<16384xf32, #tpu.memory_space<vmem>>, vector<16xf32>,
        %sub3A_205 = arith.subf %get3A_204, %gather3A_43 : vector<16xf32>
        %get3A_206 = arith.index_cast %mul3A_123 : i32 to index
        %get3A_207 = tpu.vector_load %arg7[%get3A_206] {strides = array<i32>} : memref<16384xf32, #tpu.memory_space<vmem>>, vector<16xf32>,
        %sub3A_208 = arith.subf %get3A_207, %gather3A_43 : vector<16xf32>
        %get3A_209 = arith.index_cast %mul3A_129 : i32 to index
        %get3A_210 = tpu.vector_load %arg7[%get3A_209] {strides = array<i32>} : memref<16384xf32, #tpu.memory_space<vmem>>, vector<16xf32>,
        %sub3A_211 = arith.subf %get3A_210, %gather3A_43 : vector<16xf32>
        %get3A_212 = arith.index_cast %mul3A_135 : i32 to index
        %get3A_213 = tpu.vector_load %arg7[%get3A_212] {strides = array<i32>} : memref<16384xf32, #tpu.memory_space<vmem>>, vector<16xf32>,
        %sub3A_214 = arith.subf %get3A_213, %gather3A_43 : vector<16xf32>
        %get3A_215 = arith.index_cast %mul3A_141 : i32 to index
        %get3A_216 = tpu.vector_load %arg7[%get3A_215] {strides = array<i32>} : memref<16384xf32, #tpu.memory_space<vmem>>, vector<16xf32>,
        %sub3A_217 = arith.subf %get3A_216, %gather3A_43 : vector<16xf32>
        %get3A_218 = arith.index_cast %mul3A_147 : i32 to index
        %get3A_219 = tpu.vector_load %arg7[%get3A_218] {strides = array<i32>} : memref<16384xf32, #tpu.memory_space<vmem>>, vector<16xf32>,
        %sub3A_220 = arith.subf %get3A_219, %gather3A_43 : vector<16xf32>
        %get3A_221 = arith.index_cast %mul3A_153 : i32 to index
        %get3A_222 = tpu.vector_load %arg7[%get3A_221] {strides = array<i32>} : memref<16384xf32, #tpu.memory_space<vmem>>, vector<16xf32>,
        %sub3A_223 = arith.subf %get3A_222, %gather3A_43 : vector<16xf32>
        %get3A_224 = arith.index_cast %mul3A_111 : i32 to index
        %get3A_225 = tpu.vector_load %arg9[%get3A_224] {strides = array<i32>} : memref<16384xf32, #tpu.memory_space<vmem>>, vector<16xf32>,
        %get3A_226 = arith.index_cast %mul3A_117 : i32 to index
        %get3A_227 = tpu.vector_load %arg9[%get3A_226] {strides = array<i32>} : memref<16384xf32, #tpu.memory_space<vmem>>, vector<16xf32>,
        %get3A_228 = arith.index_cast %mul3A_123 : i32 to index
        %get3A_229 = tpu.vector_load %arg9[%get3A_228] {strides = array<i32>} : memref<16384xf32, #tpu.memory_space<vmem>>, vector<16xf32>,
        %get3A_230 = arith.index_cast %mul3A_129 : i32 to index
        %get3A_231 = tpu.vector_load %arg9[%get3A_230] {strides = array<i32>} : memref<16384xf32, #tpu.memory_space<vmem>>, vector<16xf32>,
        %get3A_232 = arith.index_cast %mul3A_135 : i32 to index
        %get3A_233 = tpu.vector_load %arg9[%get3A_232] {strides = array<i32>} : memref<16384xf32, #tpu.memory_space<vmem>>, vector<16xf32>,
        %get3A_234 = arith.index_cast %mul3A_141 : i32 to index
        %get3A_235 = tpu.vector_load %arg9[%get3A_234] {strides = array<i32>} : memref<16384xf32, #tpu.memory_space<vmem>>, vector<16xf32>,
        %get3A_236 = arith.index_cast %mul3A_147 : i32 to index
        %get3A_237 = tpu.vector_load %arg9[%get3A_236] {strides = array<i32>} : memref<16384xf32, #tpu.memory_space<vmem>>, vector<16xf32>,
        %get3A_238 = arith.index_cast %mul3A_153 : i32 to index
        %get3A_239 = tpu.vector_load %arg9[%get3A_238] {strides = array<i32>} : memref<16384xf32, #tpu.memory_space<vmem>>, vector<16xf32>,
        %mul3A_240 = arith.mulf %sub3A, %sub3A : vector<16xf32>
        %mul3A_241 = arith.mulf %sub3A_178, %sub3A_178 : vector<16xf32>
        %add3A_242 = arith.addf %mul3A_240, %mul3A_241 : vector<16xf32>
        %mul3A_243 = arith.mulf %sub3A_157, %sub3A_157 : vector<16xf32>
        %mul3A_244 = arith.mulf %sub3A_181, %sub3A_181 : vector<16xf32>
        %add3A_245 = arith.addf %mul3A_243, %mul3A_244 : vector<16xf32>
        %mul3A_246 = arith.mulf %sub3A_160, %sub3A_160 : vector<16xf32>
        %mul3A_247 = arith.mulf %sub3A_184, %sub3A_184 : vector<16xf32>
        %add3A_248 = arith.addf %mul3A_246, %mul3A_247 : vector<16xf32>
        %mul3A_249 = arith.mulf %sub3A_163, %sub3A_163 : vector<16xf32>
        %mul3A_250 = arith.mulf %sub3A_187, %sub3A_187 : vector<16xf32>
        %add3A_251 = arith.addf %mul3A_249, %mul3A_250 : vector<16xf32>
        %mul3A_252 = arith.mulf %sub3A_166, %sub3A_166 : vector<16xf32>
        %mul3A_253 = arith.mulf %sub3A_190, %sub3A_190 : vector<16xf32>
        %add3A_254 = arith.addf %mul3A_252, %mul3A_253 : vector<16xf32>
        %mul3A_255 = arith.mulf %sub3A_169, %sub3A_169 : vector<16xf32>
        %mul3A_256 = arith.mulf %sub3A_193, %sub3A_193 : vector<16xf32>
        %add3A_257 = arith.addf %mul3A_255, %mul3A_256 : vector<16xf32>
        %mul3A_258 = arith.mulf %sub3A_172, %sub3A_172 : vector<16xf32>
        %mul3A_259 = arith.mulf %sub3A_196, %sub3A_196 : vector<16xf32>
        %add3A_260 = arith.addf %mul3A_258, %mul3A_259 : vector<16xf32>
        %mul3A_261 = arith.mulf %sub3A_175, %sub3A_175 : vector<16xf32>
        %mul3A_262 = arith.mulf %sub3A_199, %sub3A_199 : vector<16xf32>
        %add3A_263 = arith.addf %mul3A_261, %mul3A_262 : vector<16xf32>
        %mul3A_264 = arith.mulf %sub3A_202, %sub3A_202 : vector<16xf32>
        %add3A_265 = arith.addf %add3A_242, %mul3A_264 : vector<16xf32>
        %mul3A_266 = arith.mulf %sub3A_205, %sub3A_205 : vector<16xf32>
        %add3A_267 = arith.addf %add3A_245, %mul3A_266 : vector<16xf32>
        %mul3A_268 = arith.mulf %sub3A_208, %sub3A_208 : vector<16xf32>
        %add3A_269 = arith.addf %add3A_248, %mul3A_268 : vector<16xf32>
        %mul3A_270 = arith.mulf %sub3A_211, %sub3A_211 : vector<16xf32>
        %add3A_271 = arith.addf %add3A_251, %mul3A_270 : vector<16xf32>
        %mul3A_272 = arith.mulf %sub3A_214, %sub3A_214 : vector<16xf32>
        %add3A_273 = arith.addf %add3A_254, %mul3A_272 : vector<16xf32>
        %mul3A_274 = arith.mulf %sub3A_217, %sub3A_217 : vector<16xf32>
        %add3A_275 = arith.addf %add3A_257, %mul3A_274 : vector<16xf32>
        %mul3A_276 = arith.mulf %sub3A_220, %sub3A_220 : vector<16xf32>
        %add3A_277 = arith.addf %add3A_260, %mul3A_276 : vector<16xf32>
        %mul3A_278 = arith.mulf %sub3A_223, %sub3A_223 : vector<16xf32>
        %add3A_279 = arith.addf %add3A_263, %mul3A_278 : vector<16xf32>
        %min3A = arith.minimumf %get3A_225, %add3A_265 : vector<16xf32>
        %min3A_280 = arith.minimumf %get3A_227, %add3A_267 : vector<16xf32>
        %min3A_281 = arith.minimumf %get3A_229, %add3A_269 : vector<16xf32>
        %min3A_282 = arith.minimumf %get3A_231, %add3A_271 : vector<16xf32>
        %min3A_283 = arith.minimumf %get3A_233, %add3A_273 : vector<16xf32>
        %min3A_284 = arith.minimumf %get3A_235, %add3A_275 : vector<16xf32>
        %min3A_285 = arith.minimumf %get3A_237, %add3A_277 : vector<16xf32>
        %min3A_286 = arith.minimumf %get3A_239, %add3A_279 : vector<16xf32>
        %swap3A = arith.index_cast %mul3A_111 : i32 to index
        %swap3A_287 = tpu.vector_load %arg9[%swap3A] {strides = array<i32>} : memref<16384xf32, #tpu.memory_space<vmem>>, vector<16xf32>,
        tpu.vector_store %arg9[%swap3A], %min3A {strides = array<i32>} : memref<16384xf32, #tpu.memory_space<vmem>>, vector<16xf32>,
        %swap3A_288 = arith.index_cast %mul3A_117 : i32 to index
        %swap3A_289 = tpu.vector_load %arg9[%swap3A_288] {strides = array<i32>} : memref<16384xf32, #tpu.memory_space<vmem>>, vector<16xf32>,
        tpu.vector_store %arg9[%swap3A_288], %min3A_280 {strides = array<i32>} : memref<16384xf32, #tpu.memory_space<vmem>>, vector<16xf32>,
        %swap3A_290 = arith.index_cast %mul3A_123 : i32 to index
        %swap3A_291 = tpu.vector_load %arg9[%swap3A_290] {strides = array<i32>} : memref<16384xf32, #tpu.memory_space<vmem>>, vector<16xf32>,
        tpu.vector_store %arg9[%swap3A_290], %min3A_281 {strides = array<i32>} : memref<16384xf32, #tpu.memory_space<vmem>>, vector<16xf32>,
        %swap3A_292 = arith.index_cast %mul3A_129 : i32 to index
        %swap3A_293 = tpu.vector_load %arg9[%swap3A_292] {strides = array<i32>} : memref<16384xf32, #tpu.memory_space<vmem>>, vector<16xf32>,
        tpu.vector_store %arg9[%swap3A_292], %min3A_282 {strides = array<i32>} : memref<16384xf32, #tpu.memory_space<vmem>>, vector<16xf32>,
        %swap3A_294 = arith.index_cast %mul3A_135 : i32 to index
        %swap3A_295 = tpu.vector_load %arg9[%swap3A_294] {strides = array<i32>} : memref<16384xf32, #tpu.memory_space<vmem>>, vector<16xf32>,
        tpu.vector_store %arg9[%swap3A_294], %min3A_283 {strides = array<i32>} : memref<16384xf32, #tpu.memory_space<vmem>>, vector<16xf32>,
        %swap3A_296 = arith.index_cast %mul3A_141 : i32 to index
        %swap3A_297 = tpu.vector_load %arg9[%swap3A_296] {strides = array<i32>} : memref<16384xf32, #tpu.memory_space<vmem>>, vector<16xf32>,
        tpu.vector_store %arg9[%swap3A_296], %min3A_284 {strides = array<i32>} : memref<16384xf32, #tpu.memory_space<vmem>>, vector<16xf32>,
        %swap3A_298 = arith.index_cast %mul3A_147 : i32 to index
        %swap3A_299 = tpu.vector_load %arg9[%swap3A_298] {strides = array<i32>} : memref<16384xf32, #tpu.memory_space<vmem>>, vector<16xf32>,
        tpu.vector_store %arg9[%swap3A_298], %min3A_285 {strides = array<i32>} : memref<16384xf32, #tpu.memory_space<vmem>>, vector<16xf32>,
        %swap3A_300 = arith.index_cast %mul3A_153 : i32 to index
        %swap3A_301 = tpu.vector_load %arg9[%swap3A_300] {strides = array<i32>} : memref<16384xf32, #tpu.memory_space<vmem>>, vector<16xf32>,
        tpu.vector_store %arg9[%swap3A_300], %min3A_286 {strides = array<i32>} : memref<16384xf32, #tpu.memory_space<vmem>>, vector<16xf32>,
        %gt3A_302 = arith.cmpf ogt, %min3A, %scan3A_98 : vector<16xf32>
        %gt3A_303 = arith.cmpf ogt, %min3A_280, %scan3A_99 : vector<16xf32>
        %gt3A_304 = arith.cmpf ogt, %min3A_281, %scan3A_100 : vector<16xf32>
        %gt3A_305 = arith.cmpf ogt, %min3A_282, %scan3A_101 : vector<16xf32>
        %select_n3A_306 = arith.select %gt3A_302, %min3A, %scan3A_98 : vector<16xi1>, vector<16xf32>
        %mul3A_307 = arith.constant 8 : i32
        %mul3A_308 = arith.muli %scan3A_97, %mul3A_307 : i32
        %add3A_309 = arith.constant 0 : i32
        %add3A_310 = arith.addi %mul3A_308, %add3A_309 : i32
        %mul3A_311 = arith.constant 16 : i32
        %mul3A_312 = arith.muli %add3A_310, %mul3A_311 : i32
        %broadcast_in_dim3A_313 = vector.broadcast %mul3A_312 : i32 to vector<16xi32>
        %add3A_314 = arith.addi %broadcast_in_dim3A_313, %iota3A : vector<16xi32>
        %select_n3A_315 = arith.select %gt3A_302, %add3A_314, %scan3A_102 : vector<16xi1>, vector<16xi32>
        %select_n3A_316 = arith.select %gt3A_303, %min3A_280, %scan3A_99 : vector<16xi1>, vector<16xf32>
        %mul3A_317 = arith.constant 8 : i32
        %mul3A_318 = arith.muli %scan3A_97, %mul3A_317 : i32
        %add3A_319 = arith.constant 1 : i32
        %add3A_320 = arith.addi %mul3A_318, %add3A_319 : i32
        %mul3A_321 = arith.constant 16 : i32
        %mul3A_322 = arith.muli %add3A_320, %mul3A_321 : i32
        %broadcast_in_dim3A_323 = vector.broadcast %mul3A_322 : i32 to vector<16xi32>
        %add3A_324 = arith.addi %broadcast_in_dim3A_323, %iota3A : vector<16xi32>
        %select_n3A_325 = arith.select %gt3A_303, %add3A_324, %scan3A_103 : vector<16xi1>, vector<16xi32>
        %select_n3A_326 = arith.select %gt3A_304, %min3A_281, %scan3A_100 : vector<16xi1>, vector<16xf32>
        %mul3A_327 = arith.constant 8 : i32
        %mul3A_328 = arith.muli %scan3A_97, %mul3A_327 : i32
        %add3A_329 = arith.constant 2 : i32
        %add3A_330 = arith.addi %mul3A_328, %add3A_329 : i32
        %mul3A_331 = arith.constant 16 : i32
        %mul3A_332 = arith.muli %add3A_330, %mul3A_331 : i32
        %broadcast_in_dim3A_333 = vector.broadcast %mul3A_332 : i32 to vector<16xi32>
        %add3A_334 = arith.addi %broadcast_in_dim3A_333, %iota3A : vector<16xi32>
        %select_n3A_335 = arith.select %gt3A_304, %add3A_334, %scan3A_104 : vector<16xi1>, vector<16xi32>
        %select_n3A_336 = arith.select %gt3A_305, %min3A_282, %scan3A_101 : vector<16xi1>, vector<16xf32>
        %mul3A_337 = arith.constant 8 : i32
        %mul3A_338 = arith.muli %scan3A_97, %mul3A_337 : i32
        %add3A_339 = arith.constant 3 : i32
        %add3A_340 = arith.addi %mul3A_338, %add3A_339 : i32
        %mul3A_341 = arith.constant 16 : i32
        %mul3A_342 = arith.muli %add3A_340, %mul3A_341 : i32
        %broadcast_in_dim3A_343 = vector.broadcast %mul3A_342 : i32 to vector<16xi32>
        %add3A_344 = arith.addi %broadcast_in_dim3A_343, %iota3A : vector<16xi32>
        %select_n3A_345 = arith.select %gt3A_305, %add3A_344, %scan3A_105 : vector<16xi1>, vector<16xi32>
        %gt3A_346 = arith.cmpf ogt, %min3A_283, %select_n3A_306 : vector<16xf32>
        %gt3A_347 = arith.cmpf ogt, %min3A_284, %select_n3A_316 : vector<16xf32>
        %gt3A_348 = arith.cmpf ogt, %min3A_285, %select_n3A_326 : vector<16xf32>
        %gt3A_349 = arith.cmpf ogt, %min3A_286, %select_n3A_336 : vector<16xf32>
        %select_n3A_350 = arith.select %gt3A_346, %min3A_283, %select_n3A_306 : vector<16xi1>, vector<16xf32>
        %mul3A_351 = arith.constant 8 : i32
        %mul3A_352 = arith.muli %scan3A_97, %mul3A_351 : i32
        %add3A_353 = arith.constant 4 : i32
        %add3A_354 = arith.addi %mul3A_352, %add3A_353 : i32
        %add3A_355 = arith.constant 0 : i32
        %add3A_356 = arith.addi %add3A_354, %add3A_355 : i32
        %mul3A_357 = arith.constant 16 : i32
        %mul3A_358 = arith.muli %add3A_356, %mul3A_357 : i32
        %broadcast_in_dim3A_359 = vector.broadcast %mul3A_358 : i32 to vector<16xi32>
        %add3A_360 = arith.addi %broadcast_in_dim3A_359, %iota3A : vector<16xi32>
        %select_n3A_361 = arith.select %gt3A_346, %add3A_360, %select_n3A_315 : vector<16xi1>, vector<16xi32>
        %select_n3A_362 = arith.select %gt3A_347, %min3A_284, %select_n3A_316 : vector<16xi1>, vector<16xf32>
        %mul3A_363 = arith.constant 8 : i32
        %mul3A_364 = arith.muli %scan3A_97, %mul3A_363 : i32
        %add3A_365 = arith.constant 4 : i32
        %add3A_366 = arith.addi %mul3A_364, %add3A_365 : i32
        %add3A_367 = arith.constant 1 : i32
        %add3A_368 = arith.addi %add3A_366, %add3A_367 : i32
        %mul3A_369 = arith.constant 16 : i32
        %mul3A_370 = arith.muli %add3A_368, %mul3A_369 : i32
        %broadcast_in_dim3A_371 = vector.broadcast %mul3A_370 : i32 to vector<16xi32>
        %add3A_372 = arith.addi %broadcast_in_dim3A_371, %iota3A : vector<16xi32>
        %select_n3A_373 = arith.select %gt3A_347, %add3A_372, %select_n3A_325 : vector<16xi1>, vector<16xi32>
        %select_n3A_374 = arith.select %gt3A_348, %min3A_285, %select_n3A_326 : vector<16xi1>, vector<16xf32>
        %mul3A_375 = arith.constant 8 : i32
        %mul3A_376 = arith.muli %scan3A_97, %mul3A_375 : i32
        %add3A_377 = arith.constant 4 : i32
        %add3A_378 = arith.addi %mul3A_376, %add3A_377 : i32
        %add3A_379 = arith.constant 2 : i32
        %add3A_380 = arith.addi %add3A_378, %add3A_379 : i32
        %mul3A_381 = arith.constant 16 : i32
        %mul3A_382 = arith.muli %add3A_380, %mul3A_381 : i32
        %broadcast_in_dim3A_383 = vector.broadcast %mul3A_382 : i32 to vector<16xi32>
        %add3A_384 = arith.addi %broadcast_in_dim3A_383, %iota3A : vector<16xi32>
        %select_n3A_385 = arith.select %gt3A_348, %add3A_384, %select_n3A_335 : vector<16xi1>, vector<16xi32>
        %select_n3A_386 = arith.select %gt3A_349, %min3A_286, %select_n3A_336 : vector<16xi1>, vector<16xf32>
        %mul3A_387 = arith.constant 8 : i32
        %mul3A_388 = arith.muli %scan3A_97, %mul3A_387 : i32
        %add3A_389 = arith.constant 4 : i32
        %add3A_390 = arith.addi %mul3A_388, %add3A_389 : i32
        %add3A_391 = arith.constant 3 : i32
        %add3A_392 = arith.addi %add3A_390, %add3A_391 : i32
        %mul3A_393 = arith.constant 16 : i32
        %mul3A_394 = arith.muli %add3A_392, %mul3A_393 : i32
        %broadcast_in_dim3A_395 = vector.broadcast %mul3A_394 : i32 to vector<16xi32>
        %add3A_396 = arith.addi %broadcast_in_dim3A_395, %iota3A : vector<16xi32>
        %select_n3A_397 = arith.select %gt3A_349, %add3A_396, %select_n3A_345 : vector<16xi1>, vector<16xi32>
        scf.yield %select_n3A_350, %select_n3A_362, %select_n3A_374, %select_n3A_386, %select_n3A_361, %select_n3A_373, %select_n3A_385, %select_n3A_397 : vector<16xf32>, vector<16xf32>, vector<16xf32>, vector<16xf32>, vector<16xi32>, vector<16xi32>, vector<16xi32>, vector<16xi32>
      }
      %scan3A_66 = arith.constant 128 : i32
      %gt3A = arith.cmpf ogt, %scan3A_65#1, %scan3A_65#0 : vector<16xf32>
      %eq3A_67 = arith.cmpf oeq, %scan3A_65#1, %scan3A_65#0 : vector<16xf32>
      %lt3A = arith.cmpi slt, %scan3A_65#5, %scan3A_65#4 : vector<16xi32>
      %and3A = arith.andi %eq3A_67, %lt3A : vector<16xi1>
      %or3A = arith.ori %gt3A, %and3A : vector<16xi1>
      %select_n3A = arith.select %or3A, %scan3A_65#1, %scan3A_65#0 : vector<16xi1>, vector<16xf32>
      %select_n3A_68 = arith.select %or3A, %scan3A_65#5, %scan3A_65#4 : vector<16xi1>, vector<16xi32>
      %gt3A_69 = arith.cmpf ogt, %scan3A_65#2, %select_n3A : vector<16xf32>
      %eq3A_70 = arith.cmpf oeq, %scan3A_65#2, %select_n3A : vector<16xf32>
      %lt3A_71 = arith.cmpi slt, %scan3A_65#6, %select_n3A_68 : vector<16xi32>
      %and3A_72 = arith.andi %eq3A_70, %lt3A_71 : vector<16xi1>
      %or3A_73 = arith.ori %gt3A_69, %and3A_72 : vector<16xi1>
      %select_n3A_74 = arith.select %or3A_73, %scan3A_65#2, %select_n3A : vector<16xi1>, vector<16xf32>
      %select_n3A_75 = arith.select %or3A_73, %scan3A_65#6, %select_n3A_68 : vector<16xi1>, vector<16xi32>
      %gt3A_76 = arith.cmpf ogt, %scan3A_65#3, %select_n3A_74 : vector<16xf32>
      %eq3A_77 = arith.cmpf oeq, %scan3A_65#3, %select_n3A_74 : vector<16xf32>
      %lt3A_78 = arith.cmpi slt, %scan3A_65#7, %select_n3A_75 : vector<16xi32>
      %and3A_79 = arith.andi %eq3A_77, %lt3A_78 : vector<16xi1>
      %or3A_80 = arith.ori %gt3A_76, %and3A_79 : vector<16xi1>
      %select_n3A_81 = arith.select %or3A_80, %scan3A_65#3, %select_n3A_74 : vector<16xi1>, vector<16xf32>
      %select_n3A_82 = arith.select %or3A_80, %scan3A_65#7, %select_n3A_75 : vector<16xi1>, vector<16xi32>
      %reduce_max3A = arith.constant true
      %reduce_max3A_83 = vector.broadcast %reduce_max3A : i1 to vector<16xi1>
      %reduce_max3A_84 = tpu.scan <max>, %select_n3A_81 masked %reduce_max3A_83 : vector<16xf32>, vector<16xi1> -> vector<16xf32>
      %reduce_max3A_85 = vector.extract %reduce_max3A_84[15] : f32 from vector<16xf32>
      %eq3A_86 = vector.broadcast %reduce_max3A_85 : f32 to vector<16xf32>
      %eq3A_87 = arith.cmpf oeq, %select_n3A_81, %eq3A_86 : vector<16xf32>
      %jit3A = arith.constant 2147483647 : i32
      %broadcast_in_dim3A_88 = vector.broadcast %jit3A : i32 to vector<16xi32>
      %select_n3A_89 = arith.select %eq3A_87, %select_n3A_82, %broadcast_in_dim3A_88 : vector<16xi1>, vector<16xi32>
      %reduce_min3A = arith.constant true
      %reduce_min3A_90 = vector.broadcast %reduce_min3A : i1 to vector<16xi1>
      %reduce_min3A_91 = arith.constant -2147483648 : i32
      %reduce_min3A_92 = vector.broadcast %reduce_min3A_91 : i32 to vector<16xi32>
      %reduce_min3A_93 = arith.xori %select_n3A_89, %reduce_min3A_92 : vector<16xi32>
      %reduce_min3A_94 = tpu.scan <min>, %reduce_min3A_93 masked %reduce_min3A_90 : vector<16xi32>, vector<16xi1> -> vector<16xi32>
      %reduce_min3A_95 = arith.xori %reduce_min3A_94, %reduce_min3A_92 : vector<16xi32>
      %reduce_min3A_96 = vector.extract %reduce_min3A_95[15] : i32 from vector<16xi32>
      scf.yield %reduce_min3A_96 : i32
    }
    %scan3A_21 = arith.constant 64 : i32
    %scan3A_22 = arith.constant 0 : i32
    %scan3A_23 = arith.constant 0 : i32
    %scan3A_24 = arith.constant 128 : i32
    %scan3A_25 = arith.addi %scan3A_23, %scan3A_24 : i32
    %scan3A_26 = arith.constant 1 : i32
    %scan3A_27 = scf.for %scan3A_40 = %scan3A_23 to %scan3A_25 step %scan3A_26 iter_args(%scan3A_41 = %scan3A_22) -> (i32)  : i32 {
      %mul3A_42 = arith.constant 8 : i32
      %mul3A_43 = arith.muli %scan3A_40, %mul3A_42 : i32
      %add3A_44 = arith.constant 0 : i32
      %add3A_45 = arith.addi %mul3A_43, %add3A_44 : i32
      %mul3A_46 = arith.constant 16 : i32
      %mul3A_47 = arith.muli %add3A_45, %mul3A_46 : i32
      %get3A = arith.index_cast %mul3A_47 : i32 to index
      %get3A_48 = tpu.vector_load %arg5[%get3A] {strides = array<i32>} : memref<16384xf32, #tpu.memory_space<vmem>>, vector<16xf32>,
      %bitcast3A = vector.bitcast %get3A_48 : vector<16xf32> to vector<16xi32>
      %add3A_49 = arith.constant 32767 : i32
      %add3A_50 = vector.broadcast %add3A_49 : i32 to vector<16xi32>
      %add3A_51 = arith.addi %bitcast3A, %add3A_50 : vector<16xi32>
      %shift_right_logical3A = arith.constant 16 : i32
      %shift_right_logical3A_52 = vector.broadcast %shift_right_logical3A : i32 to vector<16xi32>
      %shift_right_logical3A_53 = arith.shrui %bitcast3A, %shift_right_logical3A_52 : vector<16xi32>
      %and3A = arith.constant 1 : i32
      %and3A_54 = vector.broadcast %and3A : i32 to vector<16xi32>
      %and3A_55 = arith.andi %shift_right_logical3A_53, %and3A_54 : vector<16xi32>
      %add3A_56 = arith.addi %add3A_51, %and3A_55 : vector<16xi32>
      %and3A_57 = arith.constant -65536 : i32
      %and3A_58 = vector.broadcast %and3A_57 : i32 to vector<16xi32>
      %and3A_59 = arith.andi %add3A_56, %and3A_58 : vector<16xi32>
      %bitcast3A_60 = vector.bitcast %and3A_59 : vector<16xi32> to vector<16xf32>
      %bitcast3A_61 = vector.bitcast %bitcast3A_60 : vector<16xf32> to vector<16xi32>
      %get3A_62 = arith.index_cast %mul3A_47 : i32 to index
      %get3A_63 = tpu.vector_load %arg6[%get3A_62] {strides = array<i32>} : memref<16384xf32, #tpu.memory_space<vmem>>, vector<16xf32>,
      %bitcast3A_64 = vector.bitcast %get3A_63 : vector<16xf32> to vector<16xi32>
      %add3A_65 = arith.constant 32767 : i32
      %add3A_66 = vector.broadcast %add3A_65 : i32 to vector<16xi32>
      %add3A_67 = arith.addi %bitcast3A_64, %add3A_66 : vector<16xi32>
      %shift_right_logical3A_68 = arith.constant 16 : i32
      %shift_right_logical3A_69 = vector.broadcast %shift_right_logical3A_68 : i32 to vector<16xi32>
      %shift_right_logical3A_70 = arith.shrui %bitcast3A_64, %shift_right_logical3A_69 : vector<16xi32>
      %and3A_71 = arith.constant 1 : i32
      %and3A_72 = vector.broadcast %and3A_71 : i32 to vector<16xi32>
      %and3A_73 = arith.andi %shift_right_logical3A_70, %and3A_72 : vector<16xi32>
      %add3A_74 = arith.addi %add3A_67, %and3A_73 : vector<16xi32>
      %and3A_75 = arith.constant -65536 : i32
      %and3A_76 = vector.broadcast %and3A_75 : i32 to vector<16xi32>
      %and3A_77 = arith.andi %add3A_74, %and3A_76 : vector<16xi32>
      %bitcast3A_78 = vector.bitcast %and3A_77 : vector<16xi32> to vector<16xf32>
      %bitcast3A_79 = vector.bitcast %bitcast3A_78 : vector<16xf32> to vector<16xi32>
      %shift_right_logical3A_80 = arith.constant 16 : i32
      %shift_right_logical3A_81 = vector.broadcast %shift_right_logical3A_80 : i32 to vector<16xi32>
      %shift_right_logical3A_82 = arith.shrui %bitcast3A_79, %shift_right_logical3A_81 : vector<16xi32>
      %or3A = arith.ori %bitcast3A_61, %shift_right_logical3A_82 : vector<16xi32>
      %bitcast3A_83 = vector.bitcast %or3A : vector<16xi32> to vector<16xf32>
      %swap3A = arith.index_cast %mul3A_47 : i32 to index
      %swap3A_84 = tpu.vector_load %arg9[%swap3A] {strides = array<i32>} : memref<16384xf32, #tpu.memory_space<vmem>>, vector<16xf32>,
      tpu.vector_store %arg9[%swap3A], %bitcast3A_83 {strides = array<i32>} : memref<16384xf32, #tpu.memory_space<vmem>>, vector<16xf32>,
      %mul3A_85 = arith.constant 8 : i32
      %mul3A_86 = arith.muli %scan3A_40, %mul3A_85 : i32
      %add3A_87 = arith.constant 1 : i32
      %add3A_88 = arith.addi %mul3A_86, %add3A_87 : i32
      %mul3A_89 = arith.constant 16 : i32
      %mul3A_90 = arith.muli %add3A_88, %mul3A_89 : i32
      %get3A_91 = arith.index_cast %mul3A_90 : i32 to index
      %get3A_92 = tpu.vector_load %arg5[%get3A_91] {strides = array<i32>} : memref<16384xf32, #tpu.memory_space<vmem>>, vector<16xf32>,
      %bitcast3A_93 = vector.bitcast %get3A_92 : vector<16xf32> to vector<16xi32>
      %add3A_94 = arith.constant 32767 : i32
      %add3A_95 = vector.broadcast %add3A_94 : i32 to vector<16xi32>
      %add3A_96 = arith.addi %bitcast3A_93, %add3A_95 : vector<16xi32>
      %shift_right_logical3A_97 = arith.constant 16 : i32
      %shift_right_logical3A_98 = vector.broadcast %shift_right_logical3A_97 : i32 to vector<16xi32>
      %shift_right_logical3A_99 = arith.shrui %bitcast3A_93, %shift_right_logical3A_98 : vector<16xi32>
      %and3A_100 = arith.constant 1 : i32
      %and3A_101 = vector.broadcast %and3A_100 : i32 to vector<16xi32>
      %and3A_102 = arith.andi %shift_right_logical3A_99, %and3A_101 : vector<16xi32>
      %add3A_103 = arith.addi %add3A_96, %and3A_102 : vector<16xi32>
      %and3A_104 = arith.constant -65536 : i32
      %and3A_105 = vector.broadcast %and3A_104 : i32 to vector<16xi32>
      %and3A_106 = arith.andi %add3A_103, %and3A_105 : vector<16xi32>
      %bitcast3A_107 = vector.bitcast %and3A_106 : vector<16xi32> to vector<16xf32>
      %bitcast3A_108 = vector.bitcast %bitcast3A_107 : vector<16xf32> to vector<16xi32>
      %get3A_109 = arith.index_cast %mul3A_90 : i32 to index
      %get3A_110 = tpu.vector_load %arg6[%get3A_109] {strides = array<i32>} : memref<16384xf32, #tpu.memory_space<vmem>>, vector<16xf32>,
      %bitcast3A_111 = vector.bitcast %get3A_110 : vector<16xf32> to vector<16xi32>
      %add3A_112 = arith.constant 32767 : i32
      %add3A_113 = vector.broadcast %add3A_112 : i32 to vector<16xi32>
      %add3A_114 = arith.addi %bitcast3A_111, %add3A_113 : vector<16xi32>
      %shift_right_logical3A_115 = arith.constant 16 : i32
      %shift_right_logical3A_116 = vector.broadcast %shift_right_logical3A_115 : i32 to vector<16xi32>
      %shift_right_logical3A_117 = arith.shrui %bitcast3A_111, %shift_right_logical3A_116 : vector<16xi32>
      %and3A_118 = arith.constant 1 : i32
      %and3A_119 = vector.broadcast %and3A_118 : i32 to vector<16xi32>
      %and3A_120 = arith.andi %shift_right_logical3A_117, %and3A_119 : vector<16xi32>
      %add3A_121 = arith.addi %add3A_114, %and3A_120 : vector<16xi32>
      %and3A_122 = arith.constant -65536 : i32
      %and3A_123 = vector.broadcast %and3A_122 : i32 to vector<16xi32>
      %and3A_124 = arith.andi %add3A_121, %and3A_123 : vector<16xi32>
      %bitcast3A_125 = vector.bitcast %and3A_124 : vector<16xi32> to vector<16xf32>
      %bitcast3A_126 = vector.bitcast %bitcast3A_125 : vector<16xf32> to vector<16xi32>
      %shift_right_logical3A_127 = arith.constant 16 : i32
      %shift_right_logical3A_128 = vector.broadcast %shift_right_logical3A_127 : i32 to vector<16xi32>
      %shift_right_logical3A_129 = arith.shrui %bitcast3A_126, %shift_right_logical3A_128 : vector<16xi32>
      %or3A_130 = arith.ori %bitcast3A_108, %shift_right_logical3A_129 : vector<16xi32>
      %bitcast3A_131 = vector.bitcast %or3A_130 : vector<16xi32> to vector<16xf32>
      %swap3A_132 = arith.index_cast %mul3A_90 : i32 to index
      %swap3A_133 = tpu.vector_load %arg9[%swap3A_132] {strides = array<i32>} : memref<16384xf32, #tpu.memory_space<vmem>>, vector<16xf32>,
      tpu.vector_store %arg9[%swap3A_132], %bitcast3A_131 {strides = array<i32>} : memref<16384xf32, #tpu.memory_space<vmem>>, vector<16xf32>,
      %mul3A_134 = arith.constant 8 : i32
      %mul3A_135 = arith.muli %scan3A_40, %mul3A_134 : i32
      %add3A_136 = arith.constant 2 : i32
      %add3A_137 = arith.addi %mul3A_135, %add3A_136 : i32
      %mul3A_138 = arith.constant 16 : i32
      %mul3A_139 = arith.muli %add3A_137, %mul3A_138 : i32
      %get3A_140 = arith.index_cast %mul3A_139 : i32 to index
      %get3A_141 = tpu.vector_load %arg5[%get3A_140] {strides = array<i32>} : memref<16384xf32, #tpu.memory_space<vmem>>, vector<16xf32>,
      %bitcast3A_142 = vector.bitcast %get3A_141 : vector<16xf32> to vector<16xi32>
      %add3A_143 = arith.constant 32767 : i32
      %add3A_144 = vector.broadcast %add3A_143 : i32 to vector<16xi32>
      %add3A_145 = arith.addi %bitcast3A_142, %add3A_144 : vector<16xi32>
      %shift_right_logical3A_146 = arith.constant 16 : i32
      %shift_right_logical3A_147 = vector.broadcast %shift_right_logical3A_146 : i32 to vector<16xi32>
      %shift_right_logical3A_148 = arith.shrui %bitcast3A_142, %shift_right_logical3A_147 : vector<16xi32>
      %and3A_149 = arith.constant 1 : i32
      %and3A_150 = vector.broadcast %and3A_149 : i32 to vector<16xi32>
      %and3A_151 = arith.andi %shift_right_logical3A_148, %and3A_150 : vector<16xi32>
      %add3A_152 = arith.addi %add3A_145, %and3A_151 : vector<16xi32>
      %and3A_153 = arith.constant -65536 : i32
      %and3A_154 = vector.broadcast %and3A_153 : i32 to vector<16xi32>
      %and3A_155 = arith.andi %add3A_152, %and3A_154 : vector<16xi32>
      %bitcast3A_156 = vector.bitcast %and3A_155 : vector<16xi32> to vector<16xf32>
      %bitcast3A_157 = vector.bitcast %bitcast3A_156 : vector<16xf32> to vector<16xi32>
      %get3A_158 = arith.index_cast %mul3A_139 : i32 to index
      %get3A_159 = tpu.vector_load %arg6[%get3A_158] {strides = array<i32>} : memref<16384xf32, #tpu.memory_space<vmem>>, vector<16xf32>,
      %bitcast3A_160 = vector.bitcast %get3A_159 : vector<16xf32> to vector<16xi32>
      %add3A_161 = arith.constant 32767 : i32
      %add3A_162 = vector.broadcast %add3A_161 : i32 to vector<16xi32>
      %add3A_163 = arith.addi %bitcast3A_160, %add3A_162 : vector<16xi32>
      %shift_right_logical3A_164 = arith.constant 16 : i32
      %shift_right_logical3A_165 = vector.broadcast %shift_right_logical3A_164 : i32 to vector<16xi32>
      %shift_right_logical3A_166 = arith.shrui %bitcast3A_160, %shift_right_logical3A_165 : vector<16xi32>
      %and3A_167 = arith.constant 1 : i32
      %and3A_168 = vector.broadcast %and3A_167 : i32 to vector<16xi32>
      %and3A_169 = arith.andi %shift_right_logical3A_166, %and3A_168 : vector<16xi32>
      %add3A_170 = arith.addi %add3A_163, %and3A_169 : vector<16xi32>
      %and3A_171 = arith.constant -65536 : i32
      %and3A_172 = vector.broadcast %and3A_171 : i32 to vector<16xi32>
      %and3A_173 = arith.andi %add3A_170, %and3A_172 : vector<16xi32>
      %bitcast3A_174 = vector.bitcast %and3A_173 : vector<16xi32> to vector<16xf32>
      %bitcast3A_175 = vector.bitcast %bitcast3A_174 : vector<16xf32> to vector<16xi32>
      %shift_right_logical3A_176 = arith.constant 16 : i32
      %shift_right_logical3A_177 = vector.broadcast %shift_right_logical3A_176 : i32 to vector<16xi32>
      %shift_right_logical3A_178 = arith.shrui %bitcast3A_175, %shift_right_logical3A_177 : vector<16xi32>
      %or3A_179 = arith.ori %bitcast3A_157, %shift_right_logical3A_178 : vector<16xi32>
      %bitcast3A_180 = vector.bitcast %or3A_179 : vector<16xi32> to vector<16xf32>
      %swap3A_181 = arith.index_cast %mul3A_139 : i32 to index
      %swap3A_182 = tpu.vector_load %arg9[%swap3A_181] {strides = array<i32>} : memref<16384xf32, #tpu.memory_space<vmem>>, vector<16xf32>,
      tpu.vector_store %arg9[%swap3A_181], %bitcast3A_180 {strides = array<i32>} : memref<16384xf32, #tpu.memory_space<vmem>>, vector<16xf32>,
      %mul3A_183 = arith.constant 8 : i32
      %mul3A_184 = arith.muli %scan3A_40, %mul3A_183 : i32
      %add3A_185 = arith.constant 3 : i32
      %add3A_186 = arith.addi %mul3A_184, %add3A_185 : i32
      %mul3A_187 = arith.constant 16 : i32
      %mul3A_188 = arith.muli %add3A_186, %mul3A_187 : i32
      %get3A_189 = arith.index_cast %mul3A_188 : i32 to index
      %get3A_190 = tpu.vector_load %arg5[%get3A_189] {strides = array<i32>} : memref<16384xf32, #tpu.memory_space<vmem>>, vector<16xf32>,
      %bitcast3A_191 = vector.bitcast %get3A_190 : vector<16xf32> to vector<16xi32>
      %add3A_192 = arith.constant 32767 : i32
      %add3A_193 = vector.broadcast %add3A_192 : i32 to vector<16xi32>
      %add3A_194 = arith.addi %bitcast3A_191, %add3A_193 : vector<16xi32>
      %shift_right_logical3A_195 = arith.constant 16 : i32
      %shift_right_logical3A_196 = vector.broadcast %shift_right_logical3A_195 : i32 to vector<16xi32>
      %shift_right_logical3A_197 = arith.shrui %bitcast3A_191, %shift_right_logical3A_196 : vector<16xi32>
      %and3A_198 = arith.constant 1 : i32
      %and3A_199 = vector.broadcast %and3A_198 : i32 to vector<16xi32>
      %and3A_200 = arith.andi %shift_right_logical3A_197, %and3A_199 : vector<16xi32>
      %add3A_201 = arith.addi %add3A_194, %and3A_200 : vector<16xi32>
      %and3A_202 = arith.constant -65536 : i32
      %and3A_203 = vector.broadcast %and3A_202 : i32 to vector<16xi32>
      %and3A_204 = arith.andi %add3A_201, %and3A_203 : vector<16xi32>
      %bitcast3A_205 = vector.bitcast %and3A_204 : vector<16xi32> to vector<16xf32>
      %bitcast3A_206 = vector.bitcast %bitcast3A_205 : vector<16xf32> to vector<16xi32>
      %get3A_207 = arith.index_cast %mul3A_188 : i32 to index
      %get3A_208 = tpu.vector_load %arg6[%get3A_207] {strides = array<i32>} : memref<16384xf32, #tpu.memory_space<vmem>>, vector<16xf32>,
      %bitcast3A_209 = vector.bitcast %get3A_208 : vector<16xf32> to vector<16xi32>
      %add3A_210 = arith.constant 32767 : i32
      %add3A_211 = vector.broadcast %add3A_210 : i32 to vector<16xi32>
      %add3A_212 = arith.addi %bitcast3A_209, %add3A_211 : vector<16xi32>
      %shift_right_logical3A_213 = arith.constant 16 : i32
      %shift_right_logical3A_214 = vector.broadcast %shift_right_logical3A_213 : i32 to vector<16xi32>
      %shift_right_logical3A_215 = arith.shrui %bitcast3A_209, %shift_right_logical3A_214 : vector<16xi32>
      %and3A_216 = arith.constant 1 : i32
      %and3A_217 = vector.broadcast %and3A_216 : i32 to vector<16xi32>
      %and3A_218 = arith.andi %shift_right_logical3A_215, %and3A_217 : vector<16xi32>
      %add3A_219 = arith.addi %add3A_212, %and3A_218 : vector<16xi32>
      %and3A_220 = arith.constant -65536 : i32
      %and3A_221 = vector.broadcast %and3A_220 : i32 to vector<16xi32>
      %and3A_222 = arith.andi %add3A_219, %and3A_221 : vector<16xi32>
      %bitcast3A_223 = vector.bitcast %and3A_222 : vector<16xi32> to vector<16xf32>
      %bitcast3A_224 = vector.bitcast %bitcast3A_223 : vector<16xf32> to vector<16xi32>
      %shift_right_logical3A_225 = arith.constant 16 : i32
      %shift_right_logical3A_226 = vector.broadcast %shift_right_logical3A_225 : i32 to vector<16xi32>
      %shift_right_logical3A_227 = arith.shrui %bitcast3A_224, %shift_right_logical3A_226 : vector<16xi32>
      %or3A_228 = arith.ori %bitcast3A_206, %shift_right_logical3A_227 : vector<16xi32>
      %bitcast3A_229 = vector.bitcast %or3A_228 : vector<16xi32> to vector<16xf32>
      %swap3A_230 = arith.index_cast %mul3A_188 : i32 to index
      %swap3A_231 = tpu.vector_load %arg9[%swap3A_230] {strides = array<i32>} : memref<16384xf32, #tpu.memory_space<vmem>>, vector<16xf32>,
      tpu.vector_store %arg9[%swap3A_230], %bitcast3A_229 {strides = array<i32>} : memref<16384xf32, #tpu.memory_space<vmem>>, vector<16xf32>,
      %mul3A_232 = arith.constant 8 : i32
      %mul3A_233 = arith.muli %scan3A_40, %mul3A_232 : i32
      %add3A_234 = arith.constant 4 : i32
      %add3A_235 = arith.addi %mul3A_233, %add3A_234 : i32
      %mul3A_236 = arith.constant 16 : i32
      %mul3A_237 = arith.muli %add3A_235, %mul3A_236 : i32
      %get3A_238 = arith.index_cast %mul3A_237 : i32 to index
      %get3A_239 = tpu.vector_load %arg5[%get3A_238] {strides = array<i32>} : memref<16384xf32, #tpu.memory_space<vmem>>, vector<16xf32>,
      %bitcast3A_240 = vector.bitcast %get3A_239 : vector<16xf32> to vector<16xi32>
      %add3A_241 = arith.constant 32767 : i32
      %add3A_242 = vector.broadcast %add3A_241 : i32 to vector<16xi32>
      %add3A_243 = arith.addi %bitcast3A_240, %add3A_242 : vector<16xi32>
      %shift_right_logical3A_244 = arith.constant 16 : i32
      %shift_right_logical3A_245 = vector.broadcast %shift_right_logical3A_244 : i32 to vector<16xi32>
      %shift_right_logical3A_246 = arith.shrui %bitcast3A_240, %shift_right_logical3A_245 : vector<16xi32>
      %and3A_247 = arith.constant 1 : i32
      %and3A_248 = vector.broadcast %and3A_247 : i32 to vector<16xi32>
      %and3A_249 = arith.andi %shift_right_logical3A_246, %and3A_248 : vector<16xi32>
      %add3A_250 = arith.addi %add3A_243, %and3A_249 : vector<16xi32>
      %and3A_251 = arith.constant -65536 : i32
      %and3A_252 = vector.broadcast %and3A_251 : i32 to vector<16xi32>
      %and3A_253 = arith.andi %add3A_250, %and3A_252 : vector<16xi32>
      %bitcast3A_254 = vector.bitcast %and3A_253 : vector<16xi32> to vector<16xf32>
      %bitcast3A_255 = vector.bitcast %bitcast3A_254 : vector<16xf32> to vector<16xi32>
      %get3A_256 = arith.index_cast %mul3A_237 : i32 to index
      %get3A_257 = tpu.vector_load %arg6[%get3A_256] {strides = array<i32>} : memref<16384xf32, #tpu.memory_space<vmem>>, vector<16xf32>,
      %bitcast3A_258 = vector.bitcast %get3A_257 : vector<16xf32> to vector<16xi32>
      %add3A_259 = arith.constant 32767 : i32
      %add3A_260 = vector.broadcast %add3A_259 : i32 to vector<16xi32>
      %add3A_261 = arith.addi %bitcast3A_258, %add3A_260 : vector<16xi32>
      %shift_right_logical3A_262 = arith.constant 16 : i32
      %shift_right_logical3A_263 = vector.broadcast %shift_right_logical3A_262 : i32 to vector<16xi32>
      %shift_right_logical3A_264 = arith.shrui %bitcast3A_258, %shift_right_logical3A_263 : vector<16xi32>
      %and3A_265 = arith.constant 1 : i32
      %and3A_266 = vector.broadcast %and3A_265 : i32 to vector<16xi32>
      %and3A_267 = arith.andi %shift_right_logical3A_264, %and3A_266 : vector<16xi32>
      %add3A_268 = arith.addi %add3A_261, %and3A_267 : vector<16xi32>
      %and3A_269 = arith.constant -65536 : i32
      %and3A_270 = vector.broadcast %and3A_269 : i32 to vector<16xi32>
      %and3A_271 = arith.andi %add3A_268, %and3A_270 : vector<16xi32>
      %bitcast3A_272 = vector.bitcast %and3A_271 : vector<16xi32> to vector<16xf32>
      %bitcast3A_273 = vector.bitcast %bitcast3A_272 : vector<16xf32> to vector<16xi32>
      %shift_right_logical3A_274 = arith.constant 16 : i32
      %shift_right_logical3A_275 = vector.broadcast %shift_right_logical3A_274 : i32 to vector<16xi32>
      %shift_right_logical3A_276 = arith.shrui %bitcast3A_273, %shift_right_logical3A_275 : vector<16xi32>
      %or3A_277 = arith.ori %bitcast3A_255, %shift_right_logical3A_276 : vector<16xi32>
      %bitcast3A_278 = vector.bitcast %or3A_277 : vector<16xi32> to vector<16xf32>
      %swap3A_279 = arith.index_cast %mul3A_237 : i32 to index
      %swap3A_280 = tpu.vector_load %arg9[%swap3A_279] {strides = array<i32>} : memref<16384xf32, #tpu.memory_space<vmem>>, vector<16xf32>,
      tpu.vector_store %arg9[%swap3A_279], %bitcast3A_278 {strides = array<i32>} : memref<16384xf32, #tpu.memory_space<vmem>>, vector<16xf32>,
      %mul3A_281 = arith.constant 8 : i32
      %mul3A_282 = arith.muli %scan3A_40, %mul3A_281 : i32
      %add3A_283 = arith.constant 5 : i32
      %add3A_284 = arith.addi %mul3A_282, %add3A_283 : i32
      %mul3A_285 = arith.constant 16 : i32
      %mul3A_286 = arith.muli %add3A_284, %mul3A_285 : i32
      %get3A_287 = arith.index_cast %mul3A_286 : i32 to index
      %get3A_288 = tpu.vector_load %arg5[%get3A_287] {strides = array<i32>} : memref<16384xf32, #tpu.memory_space<vmem>>, vector<16xf32>,
      %bitcast3A_289 = vector.bitcast %get3A_288 : vector<16xf32> to vector<16xi32>
      %add3A_290 = arith.constant 32767 : i32
      %add3A_291 = vector.broadcast %add3A_290 : i32 to vector<16xi32>
      %add3A_292 = arith.addi %bitcast3A_289, %add3A_291 : vector<16xi32>
      %shift_right_logical3A_293 = arith.constant 16 : i32
      %shift_right_logical3A_294 = vector.broadcast %shift_right_logical3A_293 : i32 to vector<16xi32>
      %shift_right_logical3A_295 = arith.shrui %bitcast3A_289, %shift_right_logical3A_294 : vector<16xi32>
      %and3A_296 = arith.constant 1 : i32
      %and3A_297 = vector.broadcast %and3A_296 : i32 to vector<16xi32>
      %and3A_298 = arith.andi %shift_right_logical3A_295, %and3A_297 : vector<16xi32>
      %add3A_299 = arith.addi %add3A_292, %and3A_298 : vector<16xi32>
      %and3A_300 = arith.constant -65536 : i32
      %and3A_301 = vector.broadcast %and3A_300 : i32 to vector<16xi32>
      %and3A_302 = arith.andi %add3A_299, %and3A_301 : vector<16xi32>
      %bitcast3A_303 = vector.bitcast %and3A_302 : vector<16xi32> to vector<16xf32>
      %bitcast3A_304 = vector.bitcast %bitcast3A_303 : vector<16xf32> to vector<16xi32>
      %get3A_305 = arith.index_cast %mul3A_286 : i32 to index
      %get3A_306 = tpu.vector_load %arg6[%get3A_305] {strides = array<i32>} : memref<16384xf32, #tpu.memory_space<vmem>>, vector<16xf32>,
      %bitcast3A_307 = vector.bitcast %get3A_306 : vector<16xf32> to vector<16xi32>
      %add3A_308 = arith.constant 32767 : i32
      %add3A_309 = vector.broadcast %add3A_308 : i32 to vector<16xi32>
      %add3A_310 = arith.addi %bitcast3A_307, %add3A_309 : vector<16xi32>
      %shift_right_logical3A_311 = arith.constant 16 : i32
      %shift_right_logical3A_312 = vector.broadcast %shift_right_logical3A_311 : i32 to vector<16xi32>
      %shift_right_logical3A_313 = arith.shrui %bitcast3A_307, %shift_right_logical3A_312 : vector<16xi32>
      %and3A_314 = arith.constant 1 : i32
      %and3A_315 = vector.broadcast %and3A_314 : i32 to vector<16xi32>
      %and3A_316 = arith.andi %shift_right_logical3A_313, %and3A_315 : vector<16xi32>
      %add3A_317 = arith.addi %add3A_310, %and3A_316 : vector<16xi32>
      %and3A_318 = arith.constant -65536 : i32
      %and3A_319 = vector.broadcast %and3A_318 : i32 to vector<16xi32>
      %and3A_320 = arith.andi %add3A_317, %and3A_319 : vector<16xi32>
      %bitcast3A_321 = vector.bitcast %and3A_320 : vector<16xi32> to vector<16xf32>
      %bitcast3A_322 = vector.bitcast %bitcast3A_321 : vector<16xf32> to vector<16xi32>
      %shift_right_logical3A_323 = arith.constant 16 : i32
      %shift_right_logical3A_324 = vector.broadcast %shift_right_logical3A_323 : i32 to vector<16xi32>
      %shift_right_logical3A_325 = arith.shrui %bitcast3A_322, %shift_right_logical3A_324 : vector<16xi32>
      %or3A_326 = arith.ori %bitcast3A_304, %shift_right_logical3A_325 : vector<16xi32>
      %bitcast3A_327 = vector.bitcast %or3A_326 : vector<16xi32> to vector<16xf32>
      %swap3A_328 = arith.index_cast %mul3A_286 : i32 to index
      %swap3A_329 = tpu.vector_load %arg9[%swap3A_328] {strides = array<i32>} : memref<16384xf32, #tpu.memory_space<vmem>>, vector<16xf32>,
      tpu.vector_store %arg9[%swap3A_328], %bitcast3A_327 {strides = array<i32>} : memref<16384xf32, #tpu.memory_space<vmem>>, vector<16xf32>,
      %mul3A_330 = arith.constant 8 : i32
      %mul3A_331 = arith.muli %scan3A_40, %mul3A_330 : i32
      %add3A_332 = arith.constant 6 : i32
      %add3A_333 = arith.addi %mul3A_331, %add3A_332 : i32
      %mul3A_334 = arith.constant 16 : i32
      %mul3A_335 = arith.muli %add3A_333, %mul3A_334 : i32
      %get3A_336 = arith.index_cast %mul3A_335 : i32 to index
      %get3A_337 = tpu.vector_load %arg5[%get3A_336] {strides = array<i32>} : memref<16384xf32, #tpu.memory_space<vmem>>, vector<16xf32>,
      %bitcast3A_338 = vector.bitcast %get3A_337 : vector<16xf32> to vector<16xi32>
      %add3A_339 = arith.constant 32767 : i32
      %add3A_340 = vector.broadcast %add3A_339 : i32 to vector<16xi32>
      %add3A_341 = arith.addi %bitcast3A_338, %add3A_340 : vector<16xi32>
      %shift_right_logical3A_342 = arith.constant 16 : i32
      %shift_right_logical3A_343 = vector.broadcast %shift_right_logical3A_342 : i32 to vector<16xi32>
      %shift_right_logical3A_344 = arith.shrui %bitcast3A_338, %shift_right_logical3A_343 : vector<16xi32>
      %and3A_345 = arith.constant 1 : i32
      %and3A_346 = vector.broadcast %and3A_345 : i32 to vector<16xi32>
      %and3A_347 = arith.andi %shift_right_logical3A_344, %and3A_346 : vector<16xi32>
      %add3A_348 = arith.addi %add3A_341, %and3A_347 : vector<16xi32>
      %and3A_349 = arith.constant -65536 : i32
      %and3A_350 = vector.broadcast %and3A_349 : i32 to vector<16xi32>
      %and3A_351 = arith.andi %add3A_348, %and3A_350 : vector<16xi32>
      %bitcast3A_352 = vector.bitcast %and3A_351 : vector<16xi32> to vector<16xf32>
      %bitcast3A_353 = vector.bitcast %bitcast3A_352 : vector<16xf32> to vector<16xi32>
      %get3A_354 = arith.index_cast %mul3A_335 : i32 to index
      %get3A_355 = tpu.vector_load %arg6[%get3A_354] {strides = array<i32>} : memref<16384xf32, #tpu.memory_space<vmem>>, vector<16xf32>,
      %bitcast3A_356 = vector.bitcast %get3A_355 : vector<16xf32> to vector<16xi32>
      %add3A_357 = arith.constant 32767 : i32
      %add3A_358 = vector.broadcast %add3A_357 : i32 to vector<16xi32>
      %add3A_359 = arith.addi %bitcast3A_356, %add3A_358 : vector<16xi32>
      %shift_right_logical3A_360 = arith.constant 16 : i32
      %shift_right_logical3A_361 = vector.broadcast %shift_right_logical3A_360 : i32 to vector<16xi32>
      %shift_right_logical3A_362 = arith.shrui %bitcast3A_356, %shift_right_logical3A_361 : vector<16xi32>
      %and3A_363 = arith.constant 1 : i32
      %and3A_364 = vector.broadcast %and3A_363 : i32 to vector<16xi32>
      %and3A_365 = arith.andi %shift_right_logical3A_362, %and3A_364 : vector<16xi32>
      %add3A_366 = arith.addi %add3A_359, %and3A_365 : vector<16xi32>
      %and3A_367 = arith.constant -65536 : i32
      %and3A_368 = vector.broadcast %and3A_367 : i32 to vector<16xi32>
      %and3A_369 = arith.andi %add3A_366, %and3A_368 : vector<16xi32>
      %bitcast3A_370 = vector.bitcast %and3A_369 : vector<16xi32> to vector<16xf32>
      %bitcast3A_371 = vector.bitcast %bitcast3A_370 : vector<16xf32> to vector<16xi32>
      %shift_right_logical3A_372 = arith.constant 16 : i32
      %shift_right_logical3A_373 = vector.broadcast %shift_right_logical3A_372 : i32 to vector<16xi32>
      %shift_right_logical3A_374 = arith.shrui %bitcast3A_371, %shift_right_logical3A_373 : vector<16xi32>
      %or3A_375 = arith.ori %bitcast3A_353, %shift_right_logical3A_374 : vector<16xi32>
      %bitcast3A_376 = vector.bitcast %or3A_375 : vector<16xi32> to vector<16xf32>
      %swap3A_377 = arith.index_cast %mul3A_335 : i32 to index
      %swap3A_378 = tpu.vector_load %arg9[%swap3A_377] {strides = array<i32>} : memref<16384xf32, #tpu.memory_space<vmem>>, vector<16xf32>,
      tpu.vector_store %arg9[%swap3A_377], %bitcast3A_376 {strides = array<i32>} : memref<16384xf32, #tpu.memory_space<vmem>>, vector<16xf32>,
      %mul3A_379 = arith.constant 8 : i32
      %mul3A_380 = arith.muli %scan3A_40, %mul3A_379 : i32
      %add3A_381 = arith.constant 7 : i32
      %add3A_382 = arith.addi %mul3A_380, %add3A_381 : i32
      %mul3A_383 = arith.constant 16 : i32
      %mul3A_384 = arith.muli %add3A_382, %mul3A_383 : i32
      %get3A_385 = arith.index_cast %mul3A_384 : i32 to index
      %get3A_386 = tpu.vector_load %arg5[%get3A_385] {strides = array<i32>} : memref<16384xf32, #tpu.memory_space<vmem>>, vector<16xf32>,
      %bitcast3A_387 = vector.bitcast %get3A_386 : vector<16xf32> to vector<16xi32>
      %add3A_388 = arith.constant 32767 : i32
      %add3A_389 = vector.broadcast %add3A_388 : i32 to vector<16xi32>
      %add3A_390 = arith.addi %bitcast3A_387, %add3A_389 : vector<16xi32>
      %shift_right_logical3A_391 = arith.constant 16 : i32
      %shift_right_logical3A_392 = vector.broadcast %shift_right_logical3A_391 : i32 to vector<16xi32>
      %shift_right_logical3A_393 = arith.shrui %bitcast3A_387, %shift_right_logical3A_392 : vector<16xi32>
      %and3A_394 = arith.constant 1 : i32
      %and3A_395 = vector.broadcast %and3A_394 : i32 to vector<16xi32>
      %and3A_396 = arith.andi %shift_right_logical3A_393, %and3A_395 : vector<16xi32>
      %add3A_397 = arith.addi %add3A_390, %and3A_396 : vector<16xi32>
      %and3A_398 = arith.constant -65536 : i32
      %and3A_399 = vector.broadcast %and3A_398 : i32 to vector<16xi32>
      %and3A_400 = arith.andi %add3A_397, %and3A_399 : vector<16xi32>
      %bitcast3A_401 = vector.bitcast %and3A_400 : vector<16xi32> to vector<16xf32>
      %bitcast3A_402 = vector.bitcast %bitcast3A_401 : vector<16xf32> to vector<16xi32>
      %get3A_403 = arith.index_cast %mul3A_384 : i32 to index
      %get3A_404 = tpu.vector_load %arg6[%get3A_403] {strides = array<i32>} : memref<16384xf32, #tpu.memory_space<vmem>>, vector<16xf32>,
      %bitcast3A_405 = vector.bitcast %get3A_404 : vector<16xf32> to vector<16xi32>
      %add3A_406 = arith.constant 32767 : i32
      %add3A_407 = vector.broadcast %add3A_406 : i32 to vector<16xi32>
      %add3A_408 = arith.addi %bitcast3A_405, %add3A_407 : vector<16xi32>
      %shift_right_logical3A_409 = arith.constant 16 : i32
      %shift_right_logical3A_410 = vector.broadcast %shift_right_logical3A_409 : i32 to vector<16xi32>
      %shift_right_logical3A_411 = arith.shrui %bitcast3A_405, %shift_right_logical3A_410 : vector<16xi32>
      %and3A_412 = arith.constant 1 : i32
      %and3A_413 = vector.broadcast %and3A_412 : i32 to vector<16xi32>
      %and3A_414 = arith.andi %shift_right_logical3A_411, %and3A_413 : vector<16xi32>
      %add3A_415 = arith.addi %add3A_408, %and3A_414 : vector<16xi32>
      %and3A_416 = arith.constant -65536 : i32
      %and3A_417 = vector.broadcast %and3A_416 : i32 to vector<16xi32>
      %and3A_418 = arith.andi %add3A_415, %and3A_417 : vector<16xi32>
      %bitcast3A_419 = vector.bitcast %and3A_418 : vector<16xi32> to vector<16xf32>
      %bitcast3A_420 = vector.bitcast %bitcast3A_419 : vector<16xf32> to vector<16xi32>
      %shift_right_logical3A_421 = arith.constant 16 : i32
      %shift_right_logical3A_422 = vector.broadcast %shift_right_logical3A_421 : i32 to vector<16xi32>
      %shift_right_logical3A_423 = arith.shrui %bitcast3A_420, %shift_right_logical3A_422 : vector<16xi32>
      %or3A_424 = arith.ori %bitcast3A_402, %shift_right_logical3A_423 : vector<16xi32>
      %bitcast3A_425 = vector.bitcast %or3A_424 : vector<16xi32> to vector<16xf32>
      %swap3A_426 = arith.index_cast %mul3A_384 : i32 to index
      %swap3A_427 = tpu.vector_load %arg9[%swap3A_426] {strides = array<i32>} : memref<16384xf32, #tpu.memory_space<vmem>>, vector<16xf32>,
      tpu.vector_store %arg9[%swap3A_426], %bitcast3A_425 {strides = array<i32>} : memref<16384xf32, #tpu.memory_space<vmem>>, vector<16xf32>,
      %scan3A_428 = arith.constant 0 : i32
      scf.yield %scan3A_428 : i32
    }
    %scan3A_28 = arith.constant 128 : i32
    %scan3A_29 = arith.constant 0 : i32
    %scan3A_30 = arith.constant 0 : i32
    %scan3A_31 = arith.constant 64 : i32
    %scan3A_32 = arith.addi %scan3A_30, %scan3A_31 : i32
    %scan3A_33 = arith.constant 1 : i32
    %scan3A_34 = scf.for %scan3A_40 = %scan3A_30 to %scan3A_32 step %scan3A_33 iter_args(%scan3A_41 = %scan3A_29) -> (i32)  : i32 {
      %mul3A_42 = arith.constant 3 : i32
      %mul3A_43 = arith.muli %scan3A_40, %mul3A_42 : i32
      %broadcast_in_dim3A = vector.broadcast %mul3A_43 : i32 to vector<16xi32>
      %gather3A = tpu.vector_load_idx %arg14[%broadcast_in_dim3A] : memref<192xf32, #tpu.memory_space<vmem>>[vector<16xi32>], vector<16xf32>,
      %mul3A_44 = arith.constant 3 : i32
      %mul3A_45 = arith.muli %scan3A_40, %mul3A_44 : i32
      %add3A_46 = arith.constant 1 : i32
      %add3A_47 = arith.addi %mul3A_45, %add3A_46 : i32
      %broadcast_in_dim3A_48 = vector.broadcast %add3A_47 : i32 to vector<16xi32>
      %gather3A_49 = tpu.vector_load_idx %arg14[%broadcast_in_dim3A_48] : memref<192xf32, #tpu.memory_space<vmem>>[vector<16xi32>], vector<16xf32>,
      %mul3A_50 = arith.constant 3 : i32
      %mul3A_51 = arith.muli %scan3A_40, %mul3A_50 : i32
      %add3A_52 = arith.constant 2 : i32
      %add3A_53 = arith.addi %mul3A_51, %add3A_52 : i32
      %broadcast_in_dim3A_54 = vector.broadcast %add3A_53 : i32 to vector<16xi32>
      %gather3A_55 = tpu.vector_load_idx %arg14[%broadcast_in_dim3A_54] : memref<192xf32, #tpu.memory_space<vmem>>[vector<16xi32>], vector<16xf32>,
      %mul3A_56 = arith.mulf %gather3A, %gather3A : vector<16xf32>
      %mul3A_57 = arith.mulf %gather3A_49, %gather3A_49 : vector<16xf32>
      %add3A_58 = arith.addf %mul3A_56, %mul3A_57 : vector<16xf32>
      %mul3A_59 = arith.mulf %gather3A_55, %gather3A_55 : vector<16xf32>
      %add3A_60 = arith.addf %add3A_58, %mul3A_59 : vector<16xf32>
      %bitcast3A = vector.bitcast %gather3A : vector<16xf32> to vector<16xi32>
      %add3A_61 = arith.constant 32767 : i32
      %add3A_62 = vector.broadcast %add3A_61 : i32 to vector<16xi32>
      %add3A_63 = arith.addi %bitcast3A, %add3A_62 : vector<16xi32>
      %shift_right_logical3A = arith.constant 16 : i32
      %shift_right_logical3A_64 = vector.broadcast %shift_right_logical3A : i32 to vector<16xi32>
      %shift_right_logical3A_65 = arith.shrui %bitcast3A, %shift_right_logical3A_64 : vector<16xi32>
      %and3A = arith.constant 1 : i32
      %and3A_66 = vector.broadcast %and3A : i32 to vector<16xi32>
      %and3A_67 = arith.andi %shift_right_logical3A_65, %and3A_66 : vector<16xi32>
      %add3A_68 = arith.addi %add3A_63, %and3A_67 : vector<16xi32>
      %and3A_69 = arith.constant -65536 : i32
      %and3A_70 = vector.broadcast %and3A_69 : i32 to vector<16xi32>
      %and3A_71 = arith.andi %add3A_68, %and3A_70 : vector<16xi32>
      %bitcast3A_72 = vector.bitcast %and3A_71 : vector<16xi32> to vector<16xf32>
      %bitcast3A_73 = vector.bitcast %gather3A_49 : vector<16xf32> to vector<16xi32>
      %add3A_74 = arith.constant 32767 : i32
      %add3A_75 = vector.broadcast %add3A_74 : i32 to vector<16xi32>
      %add3A_76 = arith.addi %bitcast3A_73, %add3A_75 : vector<16xi32>
      %shift_right_logical3A_77 = arith.constant 16 : i32
      %shift_right_logical3A_78 = vector.broadcast %shift_right_logical3A_77 : i32 to vector<16xi32>
      %shift_right_logical3A_79 = arith.shrui %bitcast3A_73, %shift_right_logical3A_78 : vector<16xi32>
      %and3A_80 = arith.constant 1 : i32
      %and3A_81 = vector.broadcast %and3A_80 : i32 to vector<16xi32>
      %and3A_82 = arith.andi %shift_right_logical3A_79, %and3A_81 : vector<16xi32>
      %add3A_83 = arith.addi %add3A_76, %and3A_82 : vector<16xi32>
      %and3A_84 = arith.constant -65536 : i32
      %and3A_85 = vector.broadcast %and3A_84 : i32 to vector<16xi32>
      %and3A_86 = arith.andi %add3A_83, %and3A_85 : vector<16xi32>
      %bitcast3A_87 = vector.bitcast %and3A_86 : vector<16xi32> to vector<16xf32>
      %bitcast3A_88 = vector.bitcast %gather3A_55 : vector<16xf32> to vector<16xi32>
      %add3A_89 = arith.constant 32767 : i32
      %add3A_90 = vector.broadcast %add3A_89 : i32 to vector<16xi32>
      %add3A_91 = arith.addi %bitcast3A_88, %add3A_90 : vector<16xi32>
      %shift_right_logical3A_92 = arith.constant 16 : i32
      %shift_right_logical3A_93 = vector.broadcast %shift_right_logical3A_92 : i32 to vector<16xi32>
      %shift_right_logical3A_94 = arith.shrui %bitcast3A_88, %shift_right_logical3A_93 : vector<16xi32>
      %and3A_95 = arith.constant 1 : i32
      %and3A_96 = vector.broadcast %and3A_95 : i32 to vector<16xi32>
      %and3A_97 = arith.andi %shift_right_logical3A_94, %and3A_96 : vector<16xi32>
      %add3A_98 = arith.addi %add3A_91, %and3A_97 : vector<16xi32>
      %and3A_99 = arith.constant -65536 : i32
      %and3A_100 = vector.broadcast %and3A_99 : i32 to vector<16xi32>
      %and3A_101 = arith.andi %add3A_98, %and3A_100 : vector<16xi32>
      %bitcast3A_102 = vector.bitcast %and3A_101 : vector<16xi32> to vector<16xf32>
      %scan3A_103 = arith.constant 0 : i32
      %scan3A_104 = arith.constant 0 : i32
      %scan3A_105 = arith.constant 64 : i32
      %scan3A_106 = arith.addi %scan3A_104, %scan3A_105 : i32
      %scan3A_107 = arith.constant 1 : i32
      %scan3A_108 = scf.for %scan3A_190 = %scan3A_104 to %scan3A_106 step %scan3A_107 iter_args(%scan3A_191 = %scan3A_103) -> (i32)  : i32 {
        %broadcast_in_dim3A_192 = arith.constant 0 : i32
        %broadcast_in_dim3A_193 = vector.broadcast %broadcast_in_dim3A_192 : i32 to vector<16xi32>
        %mul3A_194 = arith.constant 8 : i32
        %mul3A_195 = arith.muli %scan3A_190, %mul3A_194 : i32
        %add3A_196 = arith.constant 0 : i32
        %add3A_197 = arith.addi %mul3A_195, %add3A_196 : i32
        %mul3A_198 = arith.constant 16 : i32
        %mul3A_199 = arith.muli %add3A_197, %mul3A_198 : i32
        %swap3A_200 = arith.index_cast %mul3A_199 : i32 to index
        %swap3A_201 = tpu.vector_load %arg11[%swap3A_200] {strides = array<i32>} : memref<8192xi32, #tpu.memory_space<vmem>>, vector<16xi32>,
        tpu.vector_store %arg11[%swap3A_200], %broadcast_in_dim3A_193 {strides = array<i32>} : memref<8192xi32, #tpu.memory_space<vmem>>, vector<16xi32>,
        %broadcast_in_dim3A_202 = arith.constant 0 : i32
        %broadcast_in_dim3A_203 = vector.broadcast %broadcast_in_dim3A_202 : i32 to vector<16xi32>
        %mul3A_204 = arith.constant 8 : i32
        %mul3A_205 = arith.muli %scan3A_190, %mul3A_204 : i32
        %add3A_206 = arith.constant 1 : i32
        %add3A_207 = arith.addi %mul3A_205, %add3A_206 : i32
        %mul3A_208 = arith.constant 16 : i32
        %mul3A_209 = arith.muli %add3A_207, %mul3A_208 : i32
        %swap3A_210 = arith.index_cast %mul3A_209 : i32 to index
        %swap3A_211 = tpu.vector_load %arg11[%swap3A_210] {strides = array<i32>} : memref<8192xi32, #tpu.memory_space<vmem>>, vector<16xi32>,
        tpu.vector_store %arg11[%swap3A_210], %broadcast_in_dim3A_203 {strides = array<i32>} : memref<8192xi32, #tpu.memory_space<vmem>>, vector<16xi32>,
        %broadcast_in_dim3A_212 = arith.constant 0 : i32
        %broadcast_in_dim3A_213 = vector.broadcast %broadcast_in_dim3A_212 : i32 to vector<16xi32>
        %mul3A_214 = arith.constant 8 : i32
        %mul3A_215 = arith.muli %scan3A_190, %mul3A_214 : i32
        %add3A_216 = arith.constant 2 : i32
        %add3A_217 = arith.addi %mul3A_215, %add3A_216 : i32
        %mul3A_218 = arith.constant 16 : i32
        %mul3A_219 = arith.muli %add3A_217, %mul3A_218 : i32
        %swap3A_220 = arith.index_cast %mul3A_219 : i32 to index
        %swap3A_221 = tpu.vector_load %arg11[%swap3A_220] {strides = array<i32>} : memref<8192xi32, #tpu.memory_space<vmem>>, vector<16xi32>,
        tpu.vector_store %arg11[%swap3A_220], %broadcast_in_dim3A_213 {strides = array<i32>} : memref<8192xi32, #tpu.memory_space<vmem>>, vector<16xi32>,
        %broadcast_in_dim3A_222 = arith.constant 0 : i32
        %broadcast_in_dim3A_223 = vector.broadcast %broadcast_in_dim3A_222 : i32 to vector<16xi32>
        %mul3A_224 = arith.constant 8 : i32
        %mul3A_225 = arith.muli %scan3A_190, %mul3A_224 : i32
        %add3A_226 = arith.constant 3 : i32
        %add3A_227 = arith.addi %mul3A_225, %add3A_226 : i32
        %mul3A_228 = arith.constant 16 : i32
        %mul3A_229 = arith.muli %add3A_227, %mul3A_228 : i32
        %swap3A_230 = arith.index_cast %mul3A_229 : i32 to index
        %swap3A_231 = tpu.vector_load %arg11[%swap3A_230] {strides = array<i32>} : memref<8192xi32, #tpu.memory_space<vmem>>, vector<16xi32>,
        tpu.vector_store %arg11[%swap3A_230], %broadcast_in_dim3A_223 {strides = array<i32>} : memref<8192xi32, #tpu.memory_space<vmem>>, vector<16xi32>,
        %broadcast_in_dim3A_232 = arith.constant 0 : i32
        %broadcast_in_dim3A_233 = vector.broadcast %broadcast_in_dim3A_232 : i32 to vector<16xi32>
        %mul3A_234 = arith.constant 8 : i32
        %mul3A_235 = arith.muli %scan3A_190, %mul3A_234 : i32
        %add3A_236 = arith.constant 4 : i32
        %add3A_237 = arith.addi %mul3A_235, %add3A_236 : i32
        %mul3A_238 = arith.constant 16 : i32
        %mul3A_239 = arith.muli %add3A_237, %mul3A_238 : i32
        %swap3A_240 = arith.index_cast %mul3A_239 : i32 to index
        %swap3A_241 = tpu.vector_load %arg11[%swap3A_240] {strides = array<i32>} : memref<8192xi32, #tpu.memory_space<vmem>>, vector<16xi32>,
        tpu.vector_store %arg11[%swap3A_240], %broadcast_in_dim3A_233 {strides = array<i32>} : memref<8192xi32, #tpu.memory_space<vmem>>, vector<16xi32>,
        %broadcast_in_dim3A_242 = arith.constant 0 : i32
        %broadcast_in_dim3A_243 = vector.broadcast %broadcast_in_dim3A_242 : i32 to vector<16xi32>
        %mul3A_244 = arith.constant 8 : i32
        %mul3A_245 = arith.muli %scan3A_190, %mul3A_244 : i32
        %add3A_246 = arith.constant 5 : i32
        %add3A_247 = arith.addi %mul3A_245, %add3A_246 : i32
        %mul3A_248 = arith.constant 16 : i32
        %mul3A_249 = arith.muli %add3A_247, %mul3A_248 : i32
        %swap3A_250 = arith.index_cast %mul3A_249 : i32 to index
        %swap3A_251 = tpu.vector_load %arg11[%swap3A_250] {strides = array<i32>} : memref<8192xi32, #tpu.memory_space<vmem>>, vector<16xi32>,
        tpu.vector_store %arg11[%swap3A_250], %broadcast_in_dim3A_243 {strides = array<i32>} : memref<8192xi32, #tpu.memory_space<vmem>>, vector<16xi32>,
        %broadcast_in_dim3A_252 = arith.constant 0 : i32
        %broadcast_in_dim3A_253 = vector.broadcast %broadcast_in_dim3A_252 : i32 to vector<16xi32>
        %mul3A_254 = arith.constant 8 : i32
        %mul3A_255 = arith.muli %scan3A_190, %mul3A_254 : i32
        %add3A_256 = arith.constant 6 : i32
        %add3A_257 = arith.addi %mul3A_255, %add3A_256 : i32
        %mul3A_258 = arith.constant 16 : i32
        %mul3A_259 = arith.muli %add3A_257, %mul3A_258 : i32
        %swap3A_260 = arith.index_cast %mul3A_259 : i32 to index
        %swap3A_261 = tpu.vector_load %arg11[%swap3A_260] {strides = array<i32>} : memref<8192xi32, #tpu.memory_space<vmem>>, vector<16xi32>,
        tpu.vector_store %arg11[%swap3A_260], %broadcast_in_dim3A_253 {strides = array<i32>} : memref<8192xi32, #tpu.memory_space<vmem>>, vector<16xi32>,
        %broadcast_in_dim3A_262 = arith.constant 0 : i32
        %broadcast_in_dim3A_263 = vector.broadcast %broadcast_in_dim3A_262 : i32 to vector<16xi32>
        %mul3A_264 = arith.constant 8 : i32
        %mul3A_265 = arith.muli %scan3A_190, %mul3A_264 : i32
        %add3A_266 = arith.constant 7 : i32
        %add3A_267 = arith.addi %mul3A_265, %add3A_266 : i32
        %mul3A_268 = arith.constant 16 : i32
        %mul3A_269 = arith.muli %add3A_267, %mul3A_268 : i32
        %swap3A_270 = arith.index_cast %mul3A_269 : i32 to index
        %swap3A_271 = tpu.vector_load %arg11[%swap3A_270] {strides = array<i32>} : memref<8192xi32, #tpu.memory_space<vmem>>, vector<16xi32>,
        tpu.vector_store %arg11[%swap3A_270], %broadcast_in_dim3A_263 {strides = array<i32>} : memref<8192xi32, #tpu.memory_space<vmem>>, vector<16xi32>,
        %scan3A_272 = arith.constant 0 : i32
        scf.yield %scan3A_272 : i32
      }
      %scan3A_109 = arith.constant 64 : i32
      %broadcast_in_dim3A_110 = arith.constant 1 : i32
      %broadcast_in_dim3A_111 = vector.broadcast %broadcast_in_dim3A_110 : i32 to vector<16xi32>
      %broadcast_in_dim3A_112 = arith.constant 0.000000e+00 : f32
      %broadcast_in_dim3A_113 = vector.broadcast %broadcast_in_dim3A_112 : f32 to vector<16xf32>
      %broadcast_in_dim3A_114 = arith.constant 511 : i32
      %broadcast_in_dim3A_115 = vector.broadcast %broadcast_in_dim3A_114 : i32 to vector<16xi32>
      %broadcast_in_dim3A_116 = arith.constant 0x7F800000 : f32
      %broadcast_in_dim3A_117 = vector.broadcast %broadcast_in_dim3A_116 : f32 to vector<16xf32>
      %scan3A_118 = arith.constant 0 : i32
      %scan3A_119 = arith.constant 128 : i32
      %scan3A_120 = arith.addi %scan3A_118, %scan3A_119 : i32
      %scan3A_121 = arith.constant 1 : i32
      %scan3A_122 = scf.for %scan3A_190 = %scan3A_118 to %scan3A_120 step %scan3A_121 iter_args(%scan3A_191 = %broadcast_in_dim3A_117) -> (vector<16xf32>)  : i32 {
        %mul3A_192 = arith.constant 8 : i32
        %mul3A_193 = arith.muli %scan3A_190, %mul3A_192 : i32
        %add3A_194 = arith.constant 0 : i32
        %add3A_195 = arith.addi %mul3A_193, %add3A_194 : i32
        %mul3A_196 = arith.constant 16 : i32
        %mul3A_197 = arith.muli %add3A_195, %mul3A_196 : i32
        %mul3A_198 = arith.constant 8 : i32
        %mul3A_199 = arith.muli %scan3A_190, %mul3A_198 : i32
        %add3A_200 = arith.constant 1 : i32
        %add3A_201 = arith.addi %mul3A_199, %add3A_200 : i32
        %mul3A_202 = arith.constant 16 : i32
        %mul3A_203 = arith.muli %add3A_201, %mul3A_202 : i32
        %mul3A_204 = arith.constant 8 : i32
        %mul3A_205 = arith.muli %scan3A_190, %mul3A_204 : i32
        %add3A_206 = arith.constant 2 : i32
        %add3A_207 = arith.addi %mul3A_205, %add3A_206 : i32
        %mul3A_208 = arith.constant 16 : i32
        %mul3A_209 = arith.muli %add3A_207, %mul3A_208 : i32
        %mul3A_210 = arith.constant 8 : i32
        %mul3A_211 = arith.muli %scan3A_190, %mul3A_210 : i32
        %add3A_212 = arith.constant 3 : i32
        %add3A_213 = arith.addi %mul3A_211, %add3A_212 : i32
        %mul3A_214 = arith.constant 16 : i32
        %mul3A_215 = arith.muli %add3A_213, %mul3A_214 : i32
        %mul3A_216 = arith.constant 8 : i32
        %mul3A_217 = arith.muli %scan3A_190, %mul3A_216 : i32
        %add3A_218 = arith.constant 4 : i32
        %add3A_219 = arith.addi %mul3A_217, %add3A_218 : i32
        %mul3A_220 = arith.constant 16 : i32
        %mul3A_221 = arith.muli %add3A_219, %mul3A_220 : i32
        %mul3A_222 = arith.constant 8 : i32
        %mul3A_223 = arith.muli %scan3A_190, %mul3A_222 : i32
        %add3A_224 = arith.constant 5 : i32
        %add3A_225 = arith.addi %mul3A_223, %add3A_224 : i32
        %mul3A_226 = arith.constant 16 : i32
        %mul3A_227 = arith.muli %add3A_225, %mul3A_226 : i32
        %mul3A_228 = arith.constant 8 : i32
        %mul3A_229 = arith.muli %scan3A_190, %mul3A_228 : i32
        %add3A_230 = arith.constant 6 : i32
        %add3A_231 = arith.addi %mul3A_229, %add3A_230 : i32
        %mul3A_232 = arith.constant 16 : i32
        %mul3A_233 = arith.muli %add3A_231, %mul3A_232 : i32
        %mul3A_234 = arith.constant 8 : i32
        %mul3A_235 = arith.muli %scan3A_190, %mul3A_234 : i32
        %add3A_236 = arith.constant 7 : i32
        %add3A_237 = arith.addi %mul3A_235, %add3A_236 : i32
        %mul3A_238 = arith.constant 16 : i32
        %mul3A_239 = arith.muli %add3A_237, %mul3A_238 : i32
        %get3A = arith.index_cast %mul3A_197 : i32 to index
        %get3A_240 = tpu.vector_load %arg9[%get3A] {strides = array<i32>} : memref<16384xf32, #tpu.memory_space<vmem>>, vector<16xf32>,
        %bitcast3A_241 = vector.bitcast %get3A_240 : vector<16xf32> to vector<16xi32>
        %get3A_242 = arith.index_cast %mul3A_203 : i32 to index
        %get3A_243 = tpu.vector_load %arg9[%get3A_242] {strides = array<i32>} : memref<16384xf32, #tpu.memory_space<vmem>>, vector<16xf32>,
        %bitcast3A_244 = vector.bitcast %get3A_243 : vector<16xf32> to vector<16xi32>
        %get3A_245 = arith.index_cast %mul3A_209 : i32 to index
        %get3A_246 = tpu.vector_load %arg9[%get3A_245] {strides = array<i32>} : memref<16384xf32, #tpu.memory_space<vmem>>, vector<16xf32>,
        %bitcast3A_247 = vector.bitcast %get3A_246 : vector<16xf32> to vector<16xi32>
        %get3A_248 = arith.index_cast %mul3A_215 : i32 to index
        %get3A_249 = tpu.vector_load %arg9[%get3A_248] {strides = array<i32>} : memref<16384xf32, #tpu.memory_space<vmem>>, vector<16xf32>,
        %bitcast3A_250 = vector.bitcast %get3A_249 : vector<16xf32> to vector<16xi32>
        %get3A_251 = arith.index_cast %mul3A_221 : i32 to index
        %get3A_252 = tpu.vector_load %arg9[%get3A_251] {strides = array<i32>} : memref<16384xf32, #tpu.memory_space<vmem>>, vector<16xf32>,
        %bitcast3A_253 = vector.bitcast %get3A_252 : vector<16xf32> to vector<16xi32>
        %get3A_254 = arith.index_cast %mul3A_227 : i32 to index
        %get3A_255 = tpu.vector_load %arg9[%get3A_254] {strides = array<i32>} : memref<16384xf32, #tpu.memory_space<vmem>>, vector<16xf32>,
        %bitcast3A_256 = vector.bitcast %get3A_255 : vector<16xf32> to vector<16xi32>
        %get3A_257 = arith.index_cast %mul3A_233 : i32 to index
        %get3A_258 = tpu.vector_load %arg9[%get3A_257] {strides = array<i32>} : memref<16384xf32, #tpu.memory_space<vmem>>, vector<16xf32>,
        %bitcast3A_259 = vector.bitcast %get3A_258 : vector<16xf32> to vector<16xi32>
        %get3A_260 = arith.index_cast %mul3A_239 : i32 to index
        %get3A_261 = tpu.vector_load %arg9[%get3A_260] {strides = array<i32>} : memref<16384xf32, #tpu.memory_space<vmem>>, vector<16xf32>,
        %bitcast3A_262 = vector.bitcast %get3A_261 : vector<16xf32> to vector<16xi32>
        %get3A_263 = arith.index_cast %mul3A_197 : i32 to index
        %get3A_264 = tpu.vector_load %arg7[%get3A_263] {strides = array<i32>} : memref<16384xf32, #tpu.memory_space<vmem>>, vector<16xf32>,
        %get3A_265 = arith.index_cast %mul3A_203 : i32 to index
        %get3A_266 = tpu.vector_load %arg7[%get3A_265] {strides = array<i32>} : memref<16384xf32, #tpu.memory_space<vmem>>, vector<16xf32>,
        %get3A_267 = arith.index_cast %mul3A_209 : i32 to index
        %get3A_268 = tpu.vector_load %arg7[%get3A_267] {strides = array<i32>} : memref<16384xf32, #tpu.memory_space<vmem>>, vector<16xf32>,
        %get3A_269 = arith.index_cast %mul3A_215 : i32 to index
        %get3A_270 = tpu.vector_load %arg7[%get3A_269] {strides = array<i32>} : memref<16384xf32, #tpu.memory_space<vmem>>, vector<16xf32>,
        %get3A_271 = arith.index_cast %mul3A_221 : i32 to index
        %get3A_272 = tpu.vector_load %arg7[%get3A_271] {strides = array<i32>} : memref<16384xf32, #tpu.memory_space<vmem>>, vector<16xf32>,
        %get3A_273 = arith.index_cast %mul3A_227 : i32 to index
        %get3A_274 = tpu.vector_load %arg7[%get3A_273] {strides = array<i32>} : memref<16384xf32, #tpu.memory_space<vmem>>, vector<16xf32>,
        %get3A_275 = arith.index_cast %mul3A_233 : i32 to index
        %get3A_276 = tpu.vector_load %arg7[%get3A_275] {strides = array<i32>} : memref<16384xf32, #tpu.memory_space<vmem>>, vector<16xf32>,
        %get3A_277 = arith.index_cast %mul3A_239 : i32 to index
        %get3A_278 = tpu.vector_load %arg7[%get3A_277] {strides = array<i32>} : memref<16384xf32, #tpu.memory_space<vmem>>, vector<16xf32>,
        %get3A_279 = arith.index_cast %mul3A_197 : i32 to index
        %get3A_280 = tpu.vector_load %arg8[%get3A_279] {strides = array<i32>} : memref<16384xf32, #tpu.memory_space<vmem>>, vector<16xf32>,
        %get3A_281 = arith.index_cast %mul3A_203 : i32 to index
        %get3A_282 = tpu.vector_load %arg8[%get3A_281] {strides = array<i32>} : memref<16384xf32, #tpu.memory_space<vmem>>, vector<16xf32>,
        %get3A_283 = arith.index_cast %mul3A_209 : i32 to index
        %get3A_284 = tpu.vector_load %arg8[%get3A_283] {strides = array<i32>} : memref<16384xf32, #tpu.memory_space<vmem>>, vector<16xf32>,
        %get3A_285 = arith.index_cast %mul3A_215 : i32 to index
        %get3A_286 = tpu.vector_load %arg8[%get3A_285] {strides = array<i32>} : memref<16384xf32, #tpu.memory_space<vmem>>, vector<16xf32>,
        %get3A_287 = arith.index_cast %mul3A_221 : i32 to index
        %get3A_288 = tpu.vector_load %arg8[%get3A_287] {strides = array<i32>} : memref<16384xf32, #tpu.memory_space<vmem>>, vector<16xf32>,
        %get3A_289 = arith.index_cast %mul3A_227 : i32 to index
        %get3A_290 = tpu.vector_load %arg8[%get3A_289] {strides = array<i32>} : memref<16384xf32, #tpu.memory_space<vmem>>, vector<16xf32>,
        %get3A_291 = arith.index_cast %mul3A_233 : i32 to index
        %get3A_292 = tpu.vector_load %arg8[%get3A_291] {strides = array<i32>} : memref<16384xf32, #tpu.memory_space<vmem>>, vector<16xf32>,
        %get3A_293 = arith.index_cast %mul3A_239 : i32 to index
        %get3A_294 = tpu.vector_load %arg8[%get3A_293] {strides = array<i32>} : memref<16384xf32, #tpu.memory_space<vmem>>, vector<16xf32>,
        %and3A_295 = arith.constant -65536 : i32
        %and3A_296 = vector.broadcast %and3A_295 : i32 to vector<16xi32>
        %and3A_297 = arith.andi %bitcast3A_241, %and3A_296 : vector<16xi32>
        %bitcast3A_298 = vector.bitcast %and3A_297 : vector<16xi32> to vector<16xf32>
        %and3A_299 = arith.constant -65536 : i32
        %and3A_300 = vector.broadcast %and3A_299 : i32 to vector<16xi32>
        %and3A_301 = arith.andi %bitcast3A_244, %and3A_300 : vector<16xi32>
        %bitcast3A_302 = vector.bitcast %and3A_301 : vector<16xi32> to vector<16xf32>
        %and3A_303 = arith.constant -65536 : i32
        %and3A_304 = vector.broadcast %and3A_303 : i32 to vector<16xi32>
        %and3A_305 = arith.andi %bitcast3A_247, %and3A_304 : vector<16xi32>
        %bitcast3A_306 = vector.bitcast %and3A_305 : vector<16xi32> to vector<16xf32>
        %and3A_307 = arith.constant -65536 : i32
        %and3A_308 = vector.broadcast %and3A_307 : i32 to vector<16xi32>
        %and3A_309 = arith.andi %bitcast3A_250, %and3A_308 : vector<16xi32>
        %bitcast3A_310 = vector.bitcast %and3A_309 : vector<16xi32> to vector<16xf32>
        %and3A_311 = arith.constant -65536 : i32
        %and3A_312 = vector.broadcast %and3A_311 : i32 to vector<16xi32>
        %and3A_313 = arith.andi %bitcast3A_253, %and3A_312 : vector<16xi32>
        %bitcast3A_314 = vector.bitcast %and3A_313 : vector<16xi32> to vector<16xf32>
        %and3A_315 = arith.constant -65536 : i32
        %and3A_316 = vector.broadcast %and3A_315 : i32 to vector<16xi32>
        %and3A_317 = arith.andi %bitcast3A_256, %and3A_316 : vector<16xi32>
        %bitcast3A_318 = vector.bitcast %and3A_317 : vector<16xi32> to vector<16xf32>
        %and3A_319 = arith.constant -65536 : i32
        %and3A_320 = vector.broadcast %and3A_319 : i32 to vector<16xi32>
        %and3A_321 = arith.andi %bitcast3A_259, %and3A_320 : vector<16xi32>
        %bitcast3A_322 = vector.bitcast %and3A_321 : vector<16xi32> to vector<16xf32>
        %and3A_323 = arith.constant -65536 : i32
        %and3A_324 = vector.broadcast %and3A_323 : i32 to vector<16xi32>
        %and3A_325 = arith.andi %bitcast3A_262, %and3A_324 : vector<16xi32>
        %bitcast3A_326 = vector.bitcast %and3A_325 : vector<16xi32> to vector<16xf32>
        %shift_left3A_327 = arith.constant 16 : i32
        %shift_left3A_328 = vector.broadcast %shift_left3A_327 : i32 to vector<16xi32>
        %shift_left3A_329 = arith.shli %bitcast3A_241, %shift_left3A_328 : vector<16xi32>
        %bitcast3A_330 = vector.bitcast %shift_left3A_329 : vector<16xi32> to vector<16xf32>
        %shift_left3A_331 = arith.constant 16 : i32
        %shift_left3A_332 = vector.broadcast %shift_left3A_331 : i32 to vector<16xi32>
        %shift_left3A_333 = arith.shli %bitcast3A_244, %shift_left3A_332 : vector<16xi32>
        %bitcast3A_334 = vector.bitcast %shift_left3A_333 : vector<16xi32> to vector<16xf32>
        %shift_left3A_335 = arith.constant 16 : i32
        %shift_left3A_336 = vector.broadcast %shift_left3A_335 : i32 to vector<16xi32>
        %shift_left3A_337 = arith.shli %bitcast3A_247, %shift_left3A_336 : vector<16xi32>
        %bitcast3A_338 = vector.bitcast %shift_left3A_337 : vector<16xi32> to vector<16xf32>
        %shift_left3A_339 = arith.constant 16 : i32
        %shift_left3A_340 = vector.broadcast %shift_left3A_339 : i32 to vector<16xi32>
        %shift_left3A_341 = arith.shli %bitcast3A_250, %shift_left3A_340 : vector<16xi32>
        %bitcast3A_342 = vector.bitcast %shift_left3A_341 : vector<16xi32> to vector<16xf32>
        %shift_left3A_343 = arith.constant 16 : i32
        %shift_left3A_344 = vector.broadcast %shift_left3A_343 : i32 to vector<16xi32>
        %shift_left3A_345 = arith.shli %bitcast3A_253, %shift_left3A_344 : vector<16xi32>
        %bitcast3A_346 = vector.bitcast %shift_left3A_345 : vector<16xi32> to vector<16xf32>
        %shift_left3A_347 = arith.constant 16 : i32
        %shift_left3A_348 = vector.broadcast %shift_left3A_347 : i32 to vector<16xi32>
        %shift_left3A_349 = arith.shli %bitcast3A_256, %shift_left3A_348 : vector<16xi32>
        %bitcast3A_350 = vector.bitcast %shift_left3A_349 : vector<16xi32> to vector<16xf32>
        %shift_left3A_351 = arith.constant 16 : i32
        %shift_left3A_352 = vector.broadcast %shift_left3A_351 : i32 to vector<16xi32>
        %shift_left3A_353 = arith.shli %bitcast3A_259, %shift_left3A_352 : vector<16xi32>
        %bitcast3A_354 = vector.bitcast %shift_left3A_353 : vector<16xi32> to vector<16xf32>
        %shift_left3A_355 = arith.constant 16 : i32
        %shift_left3A_356 = vector.broadcast %shift_left3A_355 : i32 to vector<16xi32>
        %shift_left3A_357 = arith.shli %bitcast3A_262, %shift_left3A_356 : vector<16xi32>
        %bitcast3A_358 = vector.bitcast %shift_left3A_357 : vector<16xi32> to vector<16xf32>
        %bitcast3A_359 = vector.bitcast %get3A_264 : vector<16xf32> to vector<16xi32>
        %add3A_360 = arith.constant 32767 : i32
        %add3A_361 = vector.broadcast %add3A_360 : i32 to vector<16xi32>
        %add3A_362 = arith.addi %bitcast3A_359, %add3A_361 : vector<16xi32>
        %shift_right_logical3A_363 = arith.constant 16 : i32
        %shift_right_logical3A_364 = vector.broadcast %shift_right_logical3A_363 : i32 to vector<16xi32>
        %shift_right_logical3A_365 = arith.shrui %bitcast3A_359, %shift_right_logical3A_364 : vector<16xi32>
        %and3A_366 = arith.constant 1 : i32
        %and3A_367 = vector.broadcast %and3A_366 : i32 to vector<16xi32>
        %and3A_368 = arith.andi %shift_right_logical3A_365, %and3A_367 : vector<16xi32>
        %add3A_369 = arith.addi %add3A_362, %and3A_368 : vector<16xi32>
        %and3A_370 = arith.constant -65536 : i32
        %and3A_371 = vector.broadcast %and3A_370 : i32 to vector<16xi32>
        %and3A_372 = arith.andi %add3A_369, %and3A_371 : vector<16xi32>
        %bitcast3A_373 = vector.bitcast %and3A_372 : vector<16xi32> to vector<16xf32>
        %bitcast3A_374 = vector.bitcast %get3A_266 : vector<16xf32> to vector<16xi32>
        %add3A_375 = arith.constant 32767 : i32
        %add3A_376 = vector.broadcast %add3A_375 : i32 to vector<16xi32>
        %add3A_377 = arith.addi %bitcast3A_374, %add3A_376 : vector<16xi32>
        %shift_right_logical3A_378 = arith.constant 16 : i32
        %shift_right_logical3A_379 = vector.broadcast %shift_right_logical3A_378 : i32 to vector<16xi32>
        %shift_right_logical3A_380 = arith.shrui %bitcast3A_374, %shift_right_logical3A_379 : vector<16xi32>
        %and3A_381 = arith.constant 1 : i32
        %and3A_382 = vector.broadcast %and3A_381 : i32 to vector<16xi32>
        %and3A_383 = arith.andi %shift_right_logical3A_380, %and3A_382 : vector<16xi32>
        %add3A_384 = arith.addi %add3A_377, %and3A_383 : vector<16xi32>
        %and3A_385 = arith.constant -65536 : i32
        %and3A_386 = vector.broadcast %and3A_385 : i32 to vector<16xi32>
        %and3A_387 = arith.andi %add3A_384, %and3A_386 : vector<16xi32>
        %bitcast3A_388 = vector.bitcast %and3A_387 : vector<16xi32> to vector<16xf32>
        %bitcast3A_389 = vector.bitcast %get3A_268 : vector<16xf32> to vector<16xi32>
        %add3A_390 = arith.constant 32767 : i32
        %add3A_391 = vector.broadcast %add3A_390 : i32 to vector<16xi32>
        %add3A_392 = arith.addi %bitcast3A_389, %add3A_391 : vector<16xi32>
        %shift_right_logical3A_393 = arith.constant 16 : i32
        %shift_right_logical3A_394 = vector.broadcast %shift_right_logical3A_393 : i32 to vector<16xi32>
        %shift_right_logical3A_395 = arith.shrui %bitcast3A_389, %shift_right_logical3A_394 : vector<16xi32>
        %and3A_396 = arith.constant 1 : i32
        %and3A_397 = vector.broadcast %and3A_396 : i32 to vector<16xi32>
        %and3A_398 = arith.andi %shift_right_logical3A_395, %and3A_397 : vector<16xi32>
        %add3A_399 = arith.addi %add3A_392, %and3A_398 : vector<16xi32>
        %and3A_400 = arith.constant -65536 : i32
        %and3A_401 = vector.broadcast %and3A_400 : i32 to vector<16xi32>
        %and3A_402 = arith.andi %add3A_399, %and3A_401 : vector<16xi32>
        %bitcast3A_403 = vector.bitcast %and3A_402 : vector<16xi32> to vector<16xf32>
        %bitcast3A_404 = vector.bitcast %get3A_270 : vector<16xf32> to vector<16xi32>
        %add3A_405 = arith.constant 32767 : i32
        %add3A_406 = vector.broadcast %add3A_405 : i32 to vector<16xi32>
        %add3A_407 = arith.addi %bitcast3A_404, %add3A_406 : vector<16xi32>
        %shift_right_logical3A_408 = arith.constant 16 : i32
        %shift_right_logical3A_409 = vector.broadcast %shift_right_logical3A_408 : i32 to vector<16xi32>
        %shift_right_logical3A_410 = arith.shrui %bitcast3A_404, %shift_right_logical3A_409 : vector<16xi32>
        %and3A_411 = arith.constant 1 : i32
        %and3A_412 = vector.broadcast %and3A_411 : i32 to vector<16xi32>
        %and3A_413 = arith.andi %shift_right_logical3A_410, %and3A_412 : vector<16xi32>
        %add3A_414 = arith.addi %add3A_407, %and3A_413 : vector<16xi32>
        %and3A_415 = arith.constant -65536 : i32
        %and3A_416 = vector.broadcast %and3A_415 : i32 to vector<16xi32>
        %and3A_417 = arith.andi %add3A_414, %and3A_416 : vector<16xi32>
        %bitcast3A_418 = vector.bitcast %and3A_417 : vector<16xi32> to vector<16xf32>
        %bitcast3A_419 = vector.bitcast %get3A_272 : vector<16xf32> to vector<16xi32>
        %add3A_420 = arith.constant 32767 : i32
        %add3A_421 = vector.broadcast %add3A_420 : i32 to vector<16xi32>
        %add3A_422 = arith.addi %bitcast3A_419, %add3A_421 : vector<16xi32>
        %shift_right_logical3A_423 = arith.constant 16 : i32
        %shift_right_logical3A_424 = vector.broadcast %shift_right_logical3A_423 : i32 to vector<16xi32>
        %shift_right_logical3A_425 = arith.shrui %bitcast3A_419, %shift_right_logical3A_424 : vector<16xi32>
        %and3A_426 = arith.constant 1 : i32
        %and3A_427 = vector.broadcast %and3A_426 : i32 to vector<16xi32>
        %and3A_428 = arith.andi %shift_right_logical3A_425, %and3A_427 : vector<16xi32>
        %add3A_429 = arith.addi %add3A_422, %and3A_428 : vector<16xi32>
        %and3A_430 = arith.constant -65536 : i32
        %and3A_431 = vector.broadcast %and3A_430 : i32 to vector<16xi32>
        %and3A_432 = arith.andi %add3A_429, %and3A_431 : vector<16xi32>
        %bitcast3A_433 = vector.bitcast %and3A_432 : vector<16xi32> to vector<16xf32>
        %bitcast3A_434 = vector.bitcast %get3A_274 : vector<16xf32> to vector<16xi32>
        %add3A_435 = arith.constant 32767 : i32
        %add3A_436 = vector.broadcast %add3A_435 : i32 to vector<16xi32>
        %add3A_437 = arith.addi %bitcast3A_434, %add3A_436 : vector<16xi32>
        %shift_right_logical3A_438 = arith.constant 16 : i32
        %shift_right_logical3A_439 = vector.broadcast %shift_right_logical3A_438 : i32 to vector<16xi32>
        %shift_right_logical3A_440 = arith.shrui %bitcast3A_434, %shift_right_logical3A_439 : vector<16xi32>
        %and3A_441 = arith.constant 1 : i32
        %and3A_442 = vector.broadcast %and3A_441 : i32 to vector<16xi32>
        %and3A_443 = arith.andi %shift_right_logical3A_440, %and3A_442 : vector<16xi32>
        %add3A_444 = arith.addi %add3A_437, %and3A_443 : vector<16xi32>
        %and3A_445 = arith.constant -65536 : i32
        %and3A_446 = vector.broadcast %and3A_445 : i32 to vector<16xi32>
        %and3A_447 = arith.andi %add3A_444, %and3A_446 : vector<16xi32>
        %bitcast3A_448 = vector.bitcast %and3A_447 : vector<16xi32> to vector<16xf32>
        %bitcast3A_449 = vector.bitcast %get3A_276 : vector<16xf32> to vector<16xi32>
        %add3A_450 = arith.constant 32767 : i32
        %add3A_451 = vector.broadcast %add3A_450 : i32 to vector<16xi32>
        %add3A_452 = arith.addi %bitcast3A_449, %add3A_451 : vector<16xi32>
        %shift_right_logical3A_453 = arith.constant 16 : i32
        %shift_right_logical3A_454 = vector.broadcast %shift_right_logical3A_453 : i32 to vector<16xi32>
        %shift_right_logical3A_455 = arith.shrui %bitcast3A_449, %shift_right_logical3A_454 : vector<16xi32>
        %and3A_456 = arith.constant 1 : i32
        %and3A_457 = vector.broadcast %and3A_456 : i32 to vector<16xi32>
        %and3A_458 = arith.andi %shift_right_logical3A_455, %and3A_457 : vector<16xi32>
        %add3A_459 = arith.addi %add3A_452, %and3A_458 : vector<16xi32>
        %and3A_460 = arith.constant -65536 : i32
        %and3A_461 = vector.broadcast %and3A_460 : i32 to vector<16xi32>
        %and3A_462 = arith.andi %add3A_459, %and3A_461 : vector<16xi32>
        %bitcast3A_463 = vector.bitcast %and3A_462 : vector<16xi32> to vector<16xf32>
        %bitcast3A_464 = vector.bitcast %get3A_278 : vector<16xf32> to vector<16xi32>
        %add3A_465 = arith.constant 32767 : i32
        %add3A_466 = vector.broadcast %add3A_465 : i32 to vector<16xi32>
        %add3A_467 = arith.addi %bitcast3A_464, %add3A_466 : vector<16xi32>
        %shift_right_logical3A_468 = arith.constant 16 : i32
        %shift_right_logical3A_469 = vector.broadcast %shift_right_logical3A_468 : i32 to vector<16xi32>
        %shift_right_logical3A_470 = arith.shrui %bitcast3A_464, %shift_right_logical3A_469 : vector<16xi32>
        %and3A_471 = arith.constant 1 : i32
        %and3A_472 = vector.broadcast %and3A_471 : i32 to vector<16xi32>
        %and3A_473 = arith.andi %shift_right_logical3A_470, %and3A_472 : vector<16xi32>
        %add3A_474 = arith.addi %add3A_467, %and3A_473 : vector<16xi32>
        %and3A_475 = arith.constant -65536 : i32
        %and3A_476 = vector.broadcast %and3A_475 : i32 to vector<16xi32>
        %and3A_477 = arith.andi %add3A_474, %and3A_476 : vector<16xi32>
        %bitcast3A_478 = vector.bitcast %and3A_477 : vector<16xi32> to vector<16xf32>
        %mul3A_479 = arith.mulf %bitcast3A_72, %bitcast3A_298 : vector<16xf32>
        %mul3A_480 = arith.mulf %bitcast3A_87, %bitcast3A_330 : vector<16xf32>
        %add3A_481 = arith.addf %mul3A_479, %mul3A_480 : vector<16xf32>
        %mul3A_482 = arith.mulf %bitcast3A_72, %bitcast3A_302 : vector<16xf32>
        %mul3A_483 = arith.mulf %bitcast3A_87, %bitcast3A_334 : vector<16xf32>
        %add3A_484 = arith.addf %mul3A_482, %mul3A_483 : vector<16xf32>
        %mul3A_485 = arith.mulf %bitcast3A_72, %bitcast3A_306 : vector<16xf32>
        %mul3A_486 = arith.mulf %bitcast3A_87, %bitcast3A_338 : vector<16xf32>
        %add3A_487 = arith.addf %mul3A_485, %mul3A_486 : vector<16xf32>
        %mul3A_488 = arith.mulf %bitcast3A_72, %bitcast3A_310 : vector<16xf32>
        %mul3A_489 = arith.mulf %bitcast3A_87, %bitcast3A_342 : vector<16xf32>
        %add3A_490 = arith.addf %mul3A_488, %mul3A_489 : vector<16xf32>
        %mul3A_491 = arith.mulf %bitcast3A_72, %bitcast3A_314 : vector<16xf32>
        %mul3A_492 = arith.mulf %bitcast3A_87, %bitcast3A_346 : vector<16xf32>
        %add3A_493 = arith.addf %mul3A_491, %mul3A_492 : vector<16xf32>
        %mul3A_494 = arith.mulf %bitcast3A_72, %bitcast3A_318 : vector<16xf32>
        %mul3A_495 = arith.mulf %bitcast3A_87, %bitcast3A_350 : vector<16xf32>
        %add3A_496 = arith.addf %mul3A_494, %mul3A_495 : vector<16xf32>
        %mul3A_497 = arith.mulf %bitcast3A_72, %bitcast3A_322 : vector<16xf32>
        %mul3A_498 = arith.mulf %bitcast3A_87, %bitcast3A_354 : vector<16xf32>
        %add3A_499 = arith.addf %mul3A_497, %mul3A_498 : vector<16xf32>
        %mul3A_500 = arith.mulf %bitcast3A_72, %bitcast3A_326 : vector<16xf32>
        %mul3A_501 = arith.mulf %bitcast3A_87, %bitcast3A_358 : vector<16xf32>
        %add3A_502 = arith.addf %mul3A_500, %mul3A_501 : vector<16xf32>
        %mul3A_503 = arith.mulf %bitcast3A_102, %bitcast3A_373 : vector<16xf32>
        %add3A_504 = arith.addf %add3A_481, %mul3A_503 : vector<16xf32>
        %mul3A_505 = arith.mulf %bitcast3A_102, %bitcast3A_388 : vector<16xf32>
        %add3A_506 = arith.addf %add3A_484, %mul3A_505 : vector<16xf32>
        %mul3A_507 = arith.mulf %bitcast3A_102, %bitcast3A_403 : vector<16xf32>
        %add3A_508 = arith.addf %add3A_487, %mul3A_507 : vector<16xf32>
        %mul3A_509 = arith.mulf %bitcast3A_102, %bitcast3A_418 : vector<16xf32>
        %add3A_510 = arith.addf %add3A_490, %mul3A_509 : vector<16xf32>
        %mul3A_511 = arith.mulf %bitcast3A_102, %bitcast3A_433 : vector<16xf32>
        %add3A_512 = arith.addf %add3A_493, %mul3A_511 : vector<16xf32>
        %mul3A_513 = arith.mulf %bitcast3A_102, %bitcast3A_448 : vector<16xf32>
        %add3A_514 = arith.addf %add3A_496, %mul3A_513 : vector<16xf32>
        %mul3A_515 = arith.mulf %bitcast3A_102, %bitcast3A_463 : vector<16xf32>
        %add3A_516 = arith.addf %add3A_499, %mul3A_515 : vector<16xf32>
        %mul3A_517 = arith.mulf %bitcast3A_102, %bitcast3A_478 : vector<16xf32>
        %add3A_518 = arith.addf %add3A_502, %mul3A_517 : vector<16xf32>
        %add3A_519 = arith.addf %add3A_60, %get3A_280 : vector<16xf32>
        %add3A_520 = arith.addf %add3A_504, %add3A_504 : vector<16xf32>
        %sub3A = arith.subf %add3A_519, %add3A_520 : vector<16xf32>
        %add3A_521 = arith.addf %add3A_60, %get3A_282 : vector<16xf32>
        %add3A_522 = arith.addf %add3A_506, %add3A_506 : vector<16xf32>
        %sub3A_523 = arith.subf %add3A_521, %add3A_522 : vector<16xf32>
        %add3A_524 = arith.addf %add3A_60, %get3A_284 : vector<16xf32>
        %add3A_525 = arith.addf %add3A_508, %add3A_508 : vector<16xf32>
        %sub3A_526 = arith.subf %add3A_524, %add3A_525 : vector<16xf32>
        %add3A_527 = arith.addf %add3A_60, %get3A_286 : vector<16xf32>
        %add3A_528 = arith.addf %add3A_510, %add3A_510 : vector<16xf32>
        %sub3A_529 = arith.subf %add3A_527, %add3A_528 : vector<16xf32>
        %add3A_530 = arith.addf %add3A_60, %get3A_288 : vector<16xf32>
        %add3A_531 = arith.addf %add3A_512, %add3A_512 : vector<16xf32>
        %sub3A_532 = arith.subf %add3A_530, %add3A_531 : vector<16xf32>
        %add3A_533 = arith.addf %add3A_60, %get3A_290 : vector<16xf32>
        %add3A_534 = arith.addf %add3A_514, %add3A_514 : vector<16xf32>
        %sub3A_535 = arith.subf %add3A_533, %add3A_534 : vector<16xf32>
        %add3A_536 = arith.addf %add3A_60, %get3A_292 : vector<16xf32>
        %add3A_537 = arith.addf %add3A_516, %add3A_516 : vector<16xf32>
        %sub3A_538 = arith.subf %add3A_536, %add3A_537 : vector<16xf32>
        %add3A_539 = arith.addf %add3A_60, %get3A_294 : vector<16xf32>
        %add3A_540 = arith.addf %add3A_518, %add3A_518 : vector<16xf32>
        %sub3A_541 = arith.subf %add3A_539, %add3A_540 : vector<16xf32>
        %bitcast3A_542 = vector.bitcast %sub3A : vector<16xf32> to vector<16xi32>
        %bitcast3A_543 = vector.bitcast %sub3A_523 : vector<16xf32> to vector<16xi32>
        %bitcast3A_544 = vector.bitcast %sub3A_526 : vector<16xf32> to vector<16xi32>
        %bitcast3A_545 = vector.bitcast %sub3A_529 : vector<16xf32> to vector<16xi32>
        %bitcast3A_546 = vector.bitcast %sub3A_532 : vector<16xf32> to vector<16xi32>
        %bitcast3A_547 = vector.bitcast %sub3A_535 : vector<16xf32> to vector<16xi32>
        %bitcast3A_548 = vector.bitcast %sub3A_538 : vector<16xf32> to vector<16xi32>
        %bitcast3A_549 = vector.bitcast %sub3A_541 : vector<16xf32> to vector<16xi32>
        %shift_right_arithmetic3A_550 = arith.constant 31 : i32
        %shift_right_arithmetic3A_551 = vector.broadcast %shift_right_arithmetic3A_550 : i32 to vector<16xi32>
        %shift_right_arithmetic3A_552 = arith.shrsi %bitcast3A_542, %shift_right_arithmetic3A_551 : vector<16xi32>
        %shift_right_logical3A_553 = arith.constant 1 : i32
        %shift_right_logical3A_554 = vector.broadcast %shift_right_logical3A_553 : i32 to vector<16xi32>
        %shift_right_logical3A_555 = arith.shrui %shift_right_arithmetic3A_552, %shift_right_logical3A_554 : vector<16xi32>
        %xor3A = arith.xori %bitcast3A_542, %shift_right_logical3A_555 : vector<16xi32>
        %shift_right_arithmetic3A_556 = arith.constant 31 : i32
        %shift_right_arithmetic3A_557 = vector.broadcast %shift_right_arithmetic3A_556 : i32 to vector<16xi32>
        %shift_right_arithmetic3A_558 = arith.shrsi %bitcast3A_543, %shift_right_arithmetic3A_557 : vector<16xi32>
        %shift_right_logical3A_559 = arith.constant 1 : i32
        %shift_right_logical3A_560 = vector.broadcast %shift_right_logical3A_559 : i32 to vector<16xi32>
        %shift_right_logical3A_561 = arith.shrui %shift_right_arithmetic3A_558, %shift_right_logical3A_560 : vector<16xi32>
        %xor3A_562 = arith.xori %bitcast3A_543, %shift_right_logical3A_561 : vector<16xi32>
        %shift_right_arithmetic3A_563 = arith.constant 31 : i32
        %shift_right_arithmetic3A_564 = vector.broadcast %shift_right_arithmetic3A_563 : i32 to vector<16xi32>
        %shift_right_arithmetic3A_565 = arith.shrsi %bitcast3A_544, %shift_right_arithmetic3A_564 : vector<16xi32>
        %shift_right_logical3A_566 = arith.constant 1 : i32
        %shift_right_logical3A_567 = vector.broadcast %shift_right_logical3A_566 : i32 to vector<16xi32>
        %shift_right_logical3A_568 = arith.shrui %shift_right_arithmetic3A_565, %shift_right_logical3A_567 : vector<16xi32>
        %xor3A_569 = arith.xori %bitcast3A_544, %shift_right_logical3A_568 : vector<16xi32>
        %shift_right_arithmetic3A_570 = arith.constant 31 : i32
        %shift_right_arithmetic3A_571 = vector.broadcast %shift_right_arithmetic3A_570 : i32 to vector<16xi32>
        %shift_right_arithmetic3A_572 = arith.shrsi %bitcast3A_545, %shift_right_arithmetic3A_571 : vector<16xi32>
        %shift_right_logical3A_573 = arith.constant 1 : i32
        %shift_right_logical3A_574 = vector.broadcast %shift_right_logical3A_573 : i32 to vector<16xi32>
        %shift_right_logical3A_575 = arith.shrui %shift_right_arithmetic3A_572, %shift_right_logical3A_574 : vector<16xi32>
        %xor3A_576 = arith.xori %bitcast3A_545, %shift_right_logical3A_575 : vector<16xi32>
        %shift_right_arithmetic3A_577 = arith.constant 31 : i32
        %shift_right_arithmetic3A_578 = vector.broadcast %shift_right_arithmetic3A_577 : i32 to vector<16xi32>
        %shift_right_arithmetic3A_579 = arith.shrsi %bitcast3A_546, %shift_right_arithmetic3A_578 : vector<16xi32>
        %shift_right_logical3A_580 = arith.constant 1 : i32
        %shift_right_logical3A_581 = vector.broadcast %shift_right_logical3A_580 : i32 to vector<16xi32>
        %shift_right_logical3A_582 = arith.shrui %shift_right_arithmetic3A_579, %shift_right_logical3A_581 : vector<16xi32>
        %xor3A_583 = arith.xori %bitcast3A_546, %shift_right_logical3A_582 : vector<16xi32>
        %shift_right_arithmetic3A_584 = arith.constant 31 : i32
        %shift_right_arithmetic3A_585 = vector.broadcast %shift_right_arithmetic3A_584 : i32 to vector<16xi32>
        %shift_right_arithmetic3A_586 = arith.shrsi %bitcast3A_547, %shift_right_arithmetic3A_585 : vector<16xi32>
        %shift_right_logical3A_587 = arith.constant 1 : i32
        %shift_right_logical3A_588 = vector.broadcast %shift_right_logical3A_587 : i32 to vector<16xi32>
        %shift_right_logical3A_589 = arith.shrui %shift_right_arithmetic3A_586, %shift_right_logical3A_588 : vector<16xi32>
        %xor3A_590 = arith.xori %bitcast3A_547, %shift_right_logical3A_589 : vector<16xi32>
        %shift_right_arithmetic3A_591 = arith.constant 31 : i32
        %shift_right_arithmetic3A_592 = vector.broadcast %shift_right_arithmetic3A_591 : i32 to vector<16xi32>
        %shift_right_arithmetic3A_593 = arith.shrsi %bitcast3A_548, %shift_right_arithmetic3A_592 : vector<16xi32>
        %shift_right_logical3A_594 = arith.constant 1 : i32
        %shift_right_logical3A_595 = vector.broadcast %shift_right_logical3A_594 : i32 to vector<16xi32>
        %shift_right_logical3A_596 = arith.shrui %shift_right_arithmetic3A_593, %shift_right_logical3A_595 : vector<16xi32>
        %xor3A_597 = arith.xori %bitcast3A_548, %shift_right_logical3A_596 : vector<16xi32>
        %shift_right_arithmetic3A_598 = arith.constant 31 : i32
        %shift_right_arithmetic3A_599 = vector.broadcast %shift_right_arithmetic3A_598 : i32 to vector<16xi32>
        %shift_right_arithmetic3A_600 = arith.shrsi %bitcast3A_549, %shift_right_arithmetic3A_599 : vector<16xi32>
        %shift_right_logical3A_601 = arith.constant 1 : i32
        %shift_right_logical3A_602 = vector.broadcast %shift_right_logical3A_601 : i32 to vector<16xi32>
        %shift_right_logical3A_603 = arith.shrui %shift_right_arithmetic3A_600, %shift_right_logical3A_602 : vector<16xi32>
        %xor3A_604 = arith.xori %bitcast3A_549, %shift_right_logical3A_603 : vector<16xi32>
        %swap3A_605 = arith.index_cast %mul3A_197 : i32 to index
        %swap3A_606 = tpu.vector_load %arg10[%swap3A_605] {strides = array<i32>} : memref<16384xi32, #tpu.memory_space<vmem>>, vector<16xi32>,
        tpu.vector_store %arg10[%swap3A_605], %xor3A {strides = array<i32>} : memref<16384xi32, #tpu.memory_space<vmem>>, vector<16xi32>,
        %swap3A_607 = arith.index_cast %mul3A_203 : i32 to index
        %swap3A_608 = tpu.vector_load %arg10[%swap3A_607] {strides = array<i32>} : memref<16384xi32, #tpu.memory_space<vmem>>, vector<16xi32>,
        tpu.vector_store %arg10[%swap3A_607], %xor3A_562 {strides = array<i32>} : memref<16384xi32, #tpu.memory_space<vmem>>, vector<16xi32>,
        %swap3A_609 = arith.index_cast %mul3A_209 : i32 to index
        %swap3A_610 = tpu.vector_load %arg10[%swap3A_609] {strides = array<i32>} : memref<16384xi32, #tpu.memory_space<vmem>>, vector<16xi32>,
        tpu.vector_store %arg10[%swap3A_609], %xor3A_569 {strides = array<i32>} : memref<16384xi32, #tpu.memory_space<vmem>>, vector<16xi32>,
        %swap3A_611 = arith.index_cast %mul3A_215 : i32 to index
        %swap3A_612 = tpu.vector_load %arg10[%swap3A_611] {strides = array<i32>} : memref<16384xi32, #tpu.memory_space<vmem>>, vector<16xi32>,
        tpu.vector_store %arg10[%swap3A_611], %xor3A_576 {strides = array<i32>} : memref<16384xi32, #tpu.memory_space<vmem>>, vector<16xi32>,
        %swap3A_613 = arith.index_cast %mul3A_221 : i32 to index
        %swap3A_614 = tpu.vector_load %arg10[%swap3A_613] {strides = array<i32>} : memref<16384xi32, #tpu.memory_space<vmem>>, vector<16xi32>,
        tpu.vector_store %arg10[%swap3A_613], %xor3A_583 {strides = array<i32>} : memref<16384xi32, #tpu.memory_space<vmem>>, vector<16xi32>,
        %swap3A_615 = arith.index_cast %mul3A_227 : i32 to index
        %swap3A_616 = tpu.vector_load %arg10[%swap3A_615] {strides = array<i32>} : memref<16384xi32, #tpu.memory_space<vmem>>, vector<16xi32>,
        tpu.vector_store %arg10[%swap3A_615], %xor3A_590 {strides = array<i32>} : memref<16384xi32, #tpu.memory_space<vmem>>, vector<16xi32>,
        %swap3A_617 = arith.index_cast %mul3A_233 : i32 to index
        %swap3A_618 = tpu.vector_load %arg10[%swap3A_617] {strides = array<i32>} : memref<16384xi32, #tpu.memory_space<vmem>>, vector<16xi32>,
        tpu.vector_store %arg10[%swap3A_617], %xor3A_597 {strides = array<i32>} : memref<16384xi32, #tpu.memory_space<vmem>>, vector<16xi32>,
        %swap3A_619 = arith.index_cast %mul3A_239 : i32 to index
        %swap3A_620 = tpu.vector_load %arg10[%swap3A_619] {strides = array<i32>} : memref<16384xi32, #tpu.memory_space<vmem>>, vector<16xi32>,
        tpu.vector_store %arg10[%swap3A_619], %xor3A_604 {strides = array<i32>} : memref<16384xi32, #tpu.memory_space<vmem>>, vector<16xi32>,
        %max3A_621 = arith.maximumf %sub3A, %broadcast_in_dim3A_113 : vector<16xf32>
        %bitcast3A_622 = vector.bitcast %max3A_621 : vector<16xf32> to vector<16xi32>
        %shift_right_arithmetic3A_623 = arith.constant 22 : i32
        %shift_right_arithmetic3A_624 = vector.broadcast %shift_right_arithmetic3A_623 : i32 to vector<16xi32>
        %shift_right_arithmetic3A_625 = arith.shrsi %bitcast3A_622, %shift_right_arithmetic3A_624 : vector<16xi32>
        %min3A_626 = arith.minsi %shift_right_arithmetic3A_625, %broadcast_in_dim3A_115 : vector<16xi32>
        %max3A_627 = arith.maximumf %sub3A_523, %broadcast_in_dim3A_113 : vector<16xf32>
        %bitcast3A_628 = vector.bitcast %max3A_627 : vector<16xf32> to vector<16xi32>
        %shift_right_arithmetic3A_629 = arith.constant 22 : i32
        %shift_right_arithmetic3A_630 = vector.broadcast %shift_right_arithmetic3A_629 : i32 to vector<16xi32>
        %shift_right_arithmetic3A_631 = arith.shrsi %bitcast3A_628, %shift_right_arithmetic3A_630 : vector<16xi32>
        %min3A_632 = arith.minsi %shift_right_arithmetic3A_631, %broadcast_in_dim3A_115 : vector<16xi32>
        %max3A_633 = arith.maximumf %sub3A_526, %broadcast_in_dim3A_113 : vector<16xf32>
        %bitcast3A_634 = vector.bitcast %max3A_633 : vector<16xf32> to vector<16xi32>
        %shift_right_arithmetic3A_635 = arith.constant 22 : i32
        %shift_right_arithmetic3A_636 = vector.broadcast %shift_right_arithmetic3A_635 : i32 to vector<16xi32>
        %shift_right_arithmetic3A_637 = arith.shrsi %bitcast3A_634, %shift_right_arithmetic3A_636 : vector<16xi32>
        %min3A_638 = arith.minsi %shift_right_arithmetic3A_637, %broadcast_in_dim3A_115 : vector<16xi32>
        %max3A_639 = arith.maximumf %sub3A_529, %broadcast_in_dim3A_113 : vector<16xf32>
        %bitcast3A_640 = vector.bitcast %max3A_639 : vector<16xf32> to vector<16xi32>
        %shift_right_arithmetic3A_641 = arith.constant 22 : i32
        %shift_right_arithmetic3A_642 = vector.broadcast %shift_right_arithmetic3A_641 : i32 to vector<16xi32>
        %shift_right_arithmetic3A_643 = arith.shrsi %bitcast3A_640, %shift_right_arithmetic3A_642 : vector<16xi32>
        %min3A_644 = arith.minsi %shift_right_arithmetic3A_643, %broadcast_in_dim3A_115 : vector<16xi32>
        %max3A_645 = arith.maximumf %sub3A_532, %broadcast_in_dim3A_113 : vector<16xf32>
        %bitcast3A_646 = vector.bitcast %max3A_645 : vector<16xf32> to vector<16xi32>
        %shift_right_arithmetic3A_647 = arith.constant 22 : i32
        %shift_right_arithmetic3A_648 = vector.broadcast %shift_right_arithmetic3A_647 : i32 to vector<16xi32>
        %shift_right_arithmetic3A_649 = arith.shrsi %bitcast3A_646, %shift_right_arithmetic3A_648 : vector<16xi32>
        %min3A_650 = arith.minsi %shift_right_arithmetic3A_649, %broadcast_in_dim3A_115 : vector<16xi32>
        %max3A_651 = arith.maximumf %sub3A_535, %broadcast_in_dim3A_113 : vector<16xf32>
        %bitcast3A_652 = vector.bitcast %max3A_651 : vector<16xf32> to vector<16xi32>
        %shift_right_arithmetic3A_653 = arith.constant 22 : i32
        %shift_right_arithmetic3A_654 = vector.broadcast %shift_right_arithmetic3A_653 : i32 to vector<16xi32>
        %shift_right_arithmetic3A_655 = arith.shrsi %bitcast3A_652, %shift_right_arithmetic3A_654 : vector<16xi32>
        %min3A_656 = arith.minsi %shift_right_arithmetic3A_655, %broadcast_in_dim3A_115 : vector<16xi32>
        %max3A_657 = arith.maximumf %sub3A_538, %broadcast_in_dim3A_113 : vector<16xf32>
        %bitcast3A_658 = vector.bitcast %max3A_657 : vector<16xf32> to vector<16xi32>
        %shift_right_arithmetic3A_659 = arith.constant 22 : i32
        %shift_right_arithmetic3A_660 = vector.broadcast %shift_right_arithmetic3A_659 : i32 to vector<16xi32>
        %shift_right_arithmetic3A_661 = arith.shrsi %bitcast3A_658, %shift_right_arithmetic3A_660 : vector<16xi32>
        %min3A_662 = arith.minsi %shift_right_arithmetic3A_661, %broadcast_in_dim3A_115 : vector<16xi32>
        %max3A_663 = arith.maximumf %sub3A_541, %broadcast_in_dim3A_113 : vector<16xf32>
        %bitcast3A_664 = vector.bitcast %max3A_663 : vector<16xf32> to vector<16xi32>
        %shift_right_arithmetic3A_665 = arith.constant 22 : i32
        %shift_right_arithmetic3A_666 = vector.broadcast %shift_right_arithmetic3A_665 : i32 to vector<16xi32>
        %shift_right_arithmetic3A_667 = arith.shrsi %bitcast3A_664, %shift_right_arithmetic3A_666 : vector<16xi32>
        %min3A_668 = arith.minsi %shift_right_arithmetic3A_667, %broadcast_in_dim3A_115 : vector<16xi32>
        %shift_left3A_669 = arith.constant 4 : i32
        %shift_left3A_670 = vector.broadcast %shift_left3A_669 : i32 to vector<16xi32>
        %shift_left3A_671 = arith.shli %min3A_626, %shift_left3A_670 : vector<16xi32>
        %add3A_672 = arith.addi %shift_left3A_671, %iota3A : vector<16xi32>
        tpu.vector_store_idx %arg11[%add3A_672], %broadcast_in_dim3A_111 {add = true} : memref<8192xi32, #tpu.memory_space<vmem>>[vector<16xi32>], vector<16xi32>,
        %shift_left3A_673 = arith.constant 4 : i32
        %shift_left3A_674 = vector.broadcast %shift_left3A_673 : i32 to vector<16xi32>
        %shift_left3A_675 = arith.shli %min3A_632, %shift_left3A_674 : vector<16xi32>
        %add3A_676 = arith.addi %shift_left3A_675, %iota3A : vector<16xi32>
        tpu.vector_store_idx %arg11[%add3A_676], %broadcast_in_dim3A_111 {add = true} : memref<8192xi32, #tpu.memory_space<vmem>>[vector<16xi32>], vector<16xi32>,
        %shift_left3A_677 = arith.constant 4 : i32
        %shift_left3A_678 = vector.broadcast %shift_left3A_677 : i32 to vector<16xi32>
        %shift_left3A_679 = arith.shli %min3A_638, %shift_left3A_678 : vector<16xi32>
        %add3A_680 = arith.addi %shift_left3A_679, %iota3A : vector<16xi32>
        tpu.vector_store_idx %arg11[%add3A_680], %broadcast_in_dim3A_111 {add = true} : memref<8192xi32, #tpu.memory_space<vmem>>[vector<16xi32>], vector<16xi32>,
        %shift_left3A_681 = arith.constant 4 : i32
        %shift_left3A_682 = vector.broadcast %shift_left3A_681 : i32 to vector<16xi32>
        %shift_left3A_683 = arith.shli %min3A_644, %shift_left3A_682 : vector<16xi32>
        %add3A_684 = arith.addi %shift_left3A_683, %iota3A : vector<16xi32>
        tpu.vector_store_idx %arg11[%add3A_684], %broadcast_in_dim3A_111 {add = true} : memref<8192xi32, #tpu.memory_space<vmem>>[vector<16xi32>], vector<16xi32>,
        %shift_left3A_685 = arith.constant 4 : i32
        %shift_left3A_686 = vector.broadcast %shift_left3A_685 : i32 to vector<16xi32>
        %shift_left3A_687 = arith.shli %min3A_650, %shift_left3A_686 : vector<16xi32>
        %add3A_688 = arith.addi %shift_left3A_687, %iota3A : vector<16xi32>
        tpu.vector_store_idx %arg11[%add3A_688], %broadcast_in_dim3A_111 {add = true} : memref<8192xi32, #tpu.memory_space<vmem>>[vector<16xi32>], vector<16xi32>,
        %shift_left3A_689 = arith.constant 4 : i32
        %shift_left3A_690 = vector.broadcast %shift_left3A_689 : i32 to vector<16xi32>
        %shift_left3A_691 = arith.shli %min3A_656, %shift_left3A_690 : vector<16xi32>
        %add3A_692 = arith.addi %shift_left3A_691, %iota3A : vector<16xi32>
        tpu.vector_store_idx %arg11[%add3A_692], %broadcast_in_dim3A_111 {add = true} : memref<8192xi32, #tpu.memory_space<vmem>>[vector<16xi32>], vector<16xi32>,
        %shift_left3A_693 = arith.constant 4 : i32
        %shift_left3A_694 = vector.broadcast %shift_left3A_693 : i32 to vector<16xi32>
        %shift_left3A_695 = arith.shli %min3A_662, %shift_left3A_694 : vector<16xi32>
        %add3A_696 = arith.addi %shift_left3A_695, %iota3A : vector<16xi32>
        tpu.vector_store_idx %arg11[%add3A_696], %broadcast_in_dim3A_111 {add = true} : memref<8192xi32, #tpu.memory_space<vmem>>[vector<16xi32>], vector<16xi32>,
        %shift_left3A_697 = arith.constant 4 : i32
        %shift_left3A_698 = vector.broadcast %shift_left3A_697 : i32 to vector<16xi32>
        %shift_left3A_699 = arith.shli %min3A_668, %shift_left3A_698 : vector<16xi32>
        %add3A_700 = arith.addi %shift_left3A_699, %iota3A : vector<16xi32>
        tpu.vector_store_idx %arg11[%add3A_700], %broadcast_in_dim3A_111 {add = true} : memref<8192xi32, #tpu.memory_space<vmem>>[vector<16xi32>], vector<16xi32>,
        %min3A_701 = arith.minimumf %sub3A, %sub3A_523 : vector<16xf32>
        %min3A_702 = arith.minimumf %sub3A_526, %sub3A_529 : vector<16xf32>
        %min3A_703 = arith.minimumf %sub3A_532, %sub3A_535 : vector<16xf32>
        %min3A_704 = arith.minimumf %sub3A_538, %sub3A_541 : vector<16xf32>
        %min3A_705 = arith.minimumf %min3A_701, %min3A_702 : vector<16xf32>
        %min3A_706 = arith.minimumf %min3A_703, %min3A_704 : vector<16xf32>
        %min3A_707 = arith.minimumf %min3A_705, %min3A_706 : vector<16xf32>
        %min3A_708 = arith.minimumf %scan3A_191, %min3A_707 : vector<16xf32>
        scf.yield %min3A_708 : vector<16xf32>
      }
      %scan3A_123 = arith.constant 128 : i32
      %max3A = arith.maximumf %scan3A_122, %broadcast_in_dim3A_113 : vector<16xf32>
      %bitcast3A_124 = vector.bitcast %max3A : vector<16xf32> to vector<16xi32>
      %shift_right_arithmetic3A = arith.constant 22 : i32
      %shift_right_arithmetic3A_125 = vector.broadcast %shift_right_arithmetic3A : i32 to vector<16xi32>
      %shift_right_arithmetic3A_126 = arith.shrsi %bitcast3A_124, %shift_right_arithmetic3A_125 : vector<16xi32>
      %min3A = arith.minsi %shift_right_arithmetic3A_126, %broadcast_in_dim3A_115 : vector<16xi32>
      %reduce_min3A = arith.constant true
      %reduce_min3A_127 = vector.broadcast %reduce_min3A : i1 to vector<16xi1>
      %reduce_min3A_128 = arith.constant -2147483648 : i32
      %reduce_min3A_129 = vector.broadcast %reduce_min3A_128 : i32 to vector<16xi32>
      %reduce_min3A_130 = arith.xori %min3A, %reduce_min3A_129 : vector<16xi32>
      %reduce_min3A_131 = tpu.scan <min>, %reduce_min3A_130 masked %reduce_min3A_127 : vector<16xi32>, vector<16xi1> -> vector<16xi32>
      %reduce_min3A_132 = arith.xori %reduce_min3A_131, %reduce_min3A_129 : vector<16xi32>
      %reduce_min3A_133 = vector.extract %reduce_min3A_132[15] : i32 from vector<16xi32>
      %while3A = arith.constant 0 : i32
      %while3A_134:2 = scf.while (%while3A_190 = %reduce_min3A_133, %while3A_191 = %while3A) : (i32, i32) -> (i32, i32) {
        %lt3A = arith.constant 32 : i32
        %lt3A_192 = arith.cmpi slt, %while3A_191, %lt3A : i32
        %lt3A_193 = arith.constant 512 : i32
        %lt3A_194 = arith.cmpi slt, %while3A_190, %lt3A_193 : i32
        %and3A_195 = arith.andi %lt3A_192, %lt3A_194 : i1
        scf.condition(%and3A_195) %while3A_190, %while3A_191 : i32, i32
      } do {
      ^bb0(%while3A_190: i32, %while3A_191: i32):
        %mul3A_192 = arith.constant 16 : i32
        %mul3A_193 = arith.muli %while3A_190, %mul3A_192 : i32
        %get3A = arith.index_cast %mul3A_193 : i32 to index
        %get3A_194 = tpu.vector_load %arg11[%get3A] {strides = array<i32>} : memref<8192xi32, #tpu.memory_space<vmem>>, vector<16xi32>,
        %add3A_195 = arith.constant 1 : i32
        %add3A_196 = arith.addi %while3A_190, %add3A_195 : i32
        %reduce_sum3A = arith.constant true
        %reduce_sum3A_197 = vector.broadcast %reduce_sum3A : i1 to vector<16xi1>
        %reduce_sum3A_198 = tpu.scan <sum>, %get3A_194 masked %reduce_sum3A_197 : vector<16xi32>, vector<16xi1> -> vector<16xi32>
        %reduce_sum3A_199 = vector.extract %reduce_sum3A_198[15] : i32 from vector<16xi32>
        %add3A_200 = arith.addi %while3A_191, %reduce_sum3A_199 : i32
        scf.yield %add3A_196, %add3A_200 : i32, i32
      }
      %shift_left3A = arith.constant 22 : i32
      %shift_left3A_135 = arith.shli %while3A_134#0, %shift_left3A : i32
      %broadcast_in_dim3A_136 = vector.broadcast %shift_left3A_135 : i32 to vector<16xi32>
      %broadcast_in_dim3A_137 = arith.constant 0 : i32
      %broadcast_in_dim3A_138 = vector.broadcast %broadcast_in_dim3A_137 : i32 to vector<16xi32>
      %scan3A_139 = arith.constant 0 : i32
      %scan3A_140 = arith.constant 128 : i32
      %scan3A_141 = arith.addi %scan3A_139, %scan3A_140 : i32
      %scan3A_142 = arith.constant 1 : i32
      %scan3A_143 = scf.for %scan3A_190 = %scan3A_139 to %scan3A_141 step %scan3A_142 iter_args(%scan3A_191 = %broadcast_in_dim3A_138) -> (vector<16xi32>)  : i32 {
        %mul3A_192 = arith.constant 8 : i32
        %mul3A_193 = arith.muli %scan3A_190, %mul3A_192 : i32
        %add3A_194 = arith.constant 0 : i32
        %add3A_195 = arith.addi %mul3A_193, %add3A_194 : i32
        %mul3A_196 = arith.constant 16 : i32
        %mul3A_197 = arith.muli %add3A_195, %mul3A_196 : i32
        %mul3A_198 = arith.constant 8 : i32
        %mul3A_199 = arith.muli %scan3A_190, %mul3A_198 : i32
        %add3A_200 = arith.constant 1 : i32
        %add3A_201 = arith.addi %mul3A_199, %add3A_200 : i32
        %mul3A_202 = arith.constant 16 : i32
        %mul3A_203 = arith.muli %add3A_201, %mul3A_202 : i32
        %mul3A_204 = arith.constant 8 : i32
        %mul3A_205 = arith.muli %scan3A_190, %mul3A_204 : i32
        %add3A_206 = arith.constant 2 : i32
        %add3A_207 = arith.addi %mul3A_205, %add3A_206 : i32
        %mul3A_208 = arith.constant 16 : i32
        %mul3A_209 = arith.muli %add3A_207, %mul3A_208 : i32
        %mul3A_210 = arith.constant 8 : i32
        %mul3A_211 = arith.muli %scan3A_190, %mul3A_210 : i32
        %add3A_212 = arith.constant 3 : i32
        %add3A_213 = arith.addi %mul3A_211, %add3A_212 : i32
        %mul3A_214 = arith.constant 16 : i32
        %mul3A_215 = arith.muli %add3A_213, %mul3A_214 : i32
        %mul3A_216 = arith.constant 8 : i32
        %mul3A_217 = arith.muli %scan3A_190, %mul3A_216 : i32
        %add3A_218 = arith.constant 4 : i32
        %add3A_219 = arith.addi %mul3A_217, %add3A_218 : i32
        %mul3A_220 = arith.constant 16 : i32
        %mul3A_221 = arith.muli %add3A_219, %mul3A_220 : i32
        %mul3A_222 = arith.constant 8 : i32
        %mul3A_223 = arith.muli %scan3A_190, %mul3A_222 : i32
        %add3A_224 = arith.constant 5 : i32
        %add3A_225 = arith.addi %mul3A_223, %add3A_224 : i32
        %mul3A_226 = arith.constant 16 : i32
        %mul3A_227 = arith.muli %add3A_225, %mul3A_226 : i32
        %mul3A_228 = arith.constant 8 : i32
        %mul3A_229 = arith.muli %scan3A_190, %mul3A_228 : i32
        %add3A_230 = arith.constant 6 : i32
        %add3A_231 = arith.addi %mul3A_229, %add3A_230 : i32
        %mul3A_232 = arith.constant 16 : i32
        %mul3A_233 = arith.muli %add3A_231, %mul3A_232 : i32
        %mul3A_234 = arith.constant 8 : i32
        %mul3A_235 = arith.muli %scan3A_190, %mul3A_234 : i32
        %add3A_236 = arith.constant 7 : i32
        %add3A_237 = arith.addi %mul3A_235, %add3A_236 : i32
        %mul3A_238 = arith.constant 16 : i32
        %mul3A_239 = arith.muli %add3A_237, %mul3A_238 : i32
        %get3A = arith.index_cast %mul3A_197 : i32 to index
        %get3A_240 = tpu.vector_load %arg10[%get3A] {strides = array<i32>} : memref<16384xi32, #tpu.memory_space<vmem>>, vector<16xi32>,
        %get3A_241 = arith.index_cast %mul3A_203 : i32 to index
        %get3A_242 = tpu.vector_load %arg10[%get3A_241] {strides = array<i32>} : memref<16384xi32, #tpu.memory_space<vmem>>, vector<16xi32>,
        %get3A_243 = arith.index_cast %mul3A_209 : i32 to index
        %get3A_244 = tpu.vector_load %arg10[%get3A_243] {strides = array<i32>} : memref<16384xi32, #tpu.memory_space<vmem>>, vector<16xi32>,
        %get3A_245 = arith.index_cast %mul3A_215 : i32 to index
        %get3A_246 = tpu.vector_load %arg10[%get3A_245] {strides = array<i32>} : memref<16384xi32, #tpu.memory_space<vmem>>, vector<16xi32>,
        %get3A_247 = arith.index_cast %mul3A_221 : i32 to index
        %get3A_248 = tpu.vector_load %arg10[%get3A_247] {strides = array<i32>} : memref<16384xi32, #tpu.memory_space<vmem>>, vector<16xi32>,
        %get3A_249 = arith.index_cast %mul3A_227 : i32 to index
        %get3A_250 = tpu.vector_load %arg10[%get3A_249] {strides = array<i32>} : memref<16384xi32, #tpu.memory_space<vmem>>, vector<16xi32>,
        %get3A_251 = arith.index_cast %mul3A_233 : i32 to index
        %get3A_252 = tpu.vector_load %arg10[%get3A_251] {strides = array<i32>} : memref<16384xi32, #tpu.memory_space<vmem>>, vector<16xi32>,
        %get3A_253 = arith.index_cast %mul3A_239 : i32 to index
        %get3A_254 = tpu.vector_load %arg10[%get3A_253] {strides = array<i32>} : memref<16384xi32, #tpu.memory_space<vmem>>, vector<16xi32>,
        %lt3A = arith.cmpi slt, %get3A_240, %broadcast_in_dim3A_136 : vector<16xi32>
        %lt3A_255 = arith.cmpi slt, %get3A_242, %broadcast_in_dim3A_136 : vector<16xi32>
        %lt3A_256 = arith.cmpi slt, %get3A_244, %broadcast_in_dim3A_136 : vector<16xi32>
        %lt3A_257 = arith.cmpi slt, %get3A_246, %broadcast_in_dim3A_136 : vector<16xi32>
        %lt3A_258 = arith.cmpi slt, %get3A_248, %broadcast_in_dim3A_136 : vector<16xi32>
        %lt3A_259 = arith.cmpi slt, %get3A_250, %broadcast_in_dim3A_136 : vector<16xi32>
        %lt3A_260 = arith.cmpi slt, %get3A_252, %broadcast_in_dim3A_136 : vector<16xi32>
        %lt3A_261 = arith.cmpi slt, %get3A_254, %broadcast_in_dim3A_136 : vector<16xi32>
        %jit3A = arith.constant 1 : i32
        %jit3A_262 = arith.constant 0 : i32
        %broadcast_in_dim3A_263 = vector.broadcast %jit3A : i32 to vector<16xi32>
        %broadcast_in_dim3A_264 = vector.broadcast %jit3A_262 : i32 to vector<16xi32>
        %select_n3A = arith.select %lt3A, %broadcast_in_dim3A_263, %broadcast_in_dim3A_264 : vector<16xi1>, vector<16xi32>
        %broadcast_in_dim3A_265 = arith.constant true
        %broadcast_in_dim3A_266 = vector.broadcast %broadcast_in_dim3A_265 : i1 to vector<16xi1>
        %masked_cumsum3A = tpu.scan <sum>, %select_n3A masked %broadcast_in_dim3A_266 : vector<16xi32>, vector<16xi1> -> vector<16xi32>
        %jit3A_267 = arith.constant 1 : i32
        %jit3A_268 = arith.constant 0 : i32
        %broadcast_in_dim3A_269 = vector.broadcast %jit3A_267 : i32 to vector<16xi32>
        %broadcast_in_dim3A_270 = vector.broadcast %jit3A_268 : i32 to vector<16xi32>
        %select_n3A_271 = arith.select %lt3A_255, %broadcast_in_dim3A_269, %broadcast_in_dim3A_270 : vector<16xi1>, vector<16xi32>
        %broadcast_in_dim3A_272 = arith.constant true
        %broadcast_in_dim3A_273 = vector.broadcast %broadcast_in_dim3A_272 : i1 to vector<16xi1>
        %masked_cumsum3A_274 = tpu.scan <sum>, %select_n3A_271 masked %broadcast_in_dim3A_273 : vector<16xi32>, vector<16xi1> -> vector<16xi32>
        %jit3A_275 = arith.constant 1 : i32
        %jit3A_276 = arith.constant 0 : i32
        %broadcast_in_dim3A_277 = vector.broadcast %jit3A_275 : i32 to vector<16xi32>
        %broadcast_in_dim3A_278 = vector.broadcast %jit3A_276 : i32 to vector<16xi32>
        %select_n3A_279 = arith.select %lt3A_256, %broadcast_in_dim3A_277, %broadcast_in_dim3A_278 : vector<16xi1>, vector<16xi32>
        %broadcast_in_dim3A_280 = arith.constant true
        %broadcast_in_dim3A_281 = vector.broadcast %broadcast_in_dim3A_280 : i1 to vector<16xi1>
        %masked_cumsum3A_282 = tpu.scan <sum>, %select_n3A_279 masked %broadcast_in_dim3A_281 : vector<16xi32>, vector<16xi1> -> vector<16xi32>
        %jit3A_283 = arith.constant 1 : i32
        %jit3A_284 = arith.constant 0 : i32
        %broadcast_in_dim3A_285 = vector.broadcast %jit3A_283 : i32 to vector<16xi32>
        %broadcast_in_dim3A_286 = vector.broadcast %jit3A_284 : i32 to vector<16xi32>
        %select_n3A_287 = arith.select %lt3A_257, %broadcast_in_dim3A_285, %broadcast_in_dim3A_286 : vector<16xi1>, vector<16xi32>
        %broadcast_in_dim3A_288 = arith.constant true
        %broadcast_in_dim3A_289 = vector.broadcast %broadcast_in_dim3A_288 : i1 to vector<16xi1>
        %masked_cumsum3A_290 = tpu.scan <sum>, %select_n3A_287 masked %broadcast_in_dim3A_289 : vector<16xi32>, vector<16xi1> -> vector<16xi32>
        %jit3A_291 = arith.constant 1 : i32
        %jit3A_292 = arith.constant 0 : i32
        %broadcast_in_dim3A_293 = vector.broadcast %jit3A_291 : i32 to vector<16xi32>
        %broadcast_in_dim3A_294 = vector.broadcast %jit3A_292 : i32 to vector<16xi32>
        %select_n3A_295 = arith.select %lt3A_258, %broadcast_in_dim3A_293, %broadcast_in_dim3A_294 : vector<16xi1>, vector<16xi32>
        %broadcast_in_dim3A_296 = arith.constant true
        %broadcast_in_dim3A_297 = vector.broadcast %broadcast_in_dim3A_296 : i1 to vector<16xi1>
        %masked_cumsum3A_298 = tpu.scan <sum>, %select_n3A_295 masked %broadcast_in_dim3A_297 : vector<16xi32>, vector<16xi1> -> vector<16xi32>
        %jit3A_299 = arith.constant 1 : i32
        %jit3A_300 = arith.constant 0 : i32
        %broadcast_in_dim3A_301 = vector.broadcast %jit3A_299 : i32 to vector<16xi32>
        %broadcast_in_dim3A_302 = vector.broadcast %jit3A_300 : i32 to vector<16xi32>
        %select_n3A_303 = arith.select %lt3A_259, %broadcast_in_dim3A_301, %broadcast_in_dim3A_302 : vector<16xi1>, vector<16xi32>
        %broadcast_in_dim3A_304 = arith.constant true
        %broadcast_in_dim3A_305 = vector.broadcast %broadcast_in_dim3A_304 : i1 to vector<16xi1>
        %masked_cumsum3A_306 = tpu.scan <sum>, %select_n3A_303 masked %broadcast_in_dim3A_305 : vector<16xi32>, vector<16xi1> -> vector<16xi32>
        %jit3A_307 = arith.constant 1 : i32
        %jit3A_308 = arith.constant 0 : i32
        %broadcast_in_dim3A_309 = vector.broadcast %jit3A_307 : i32 to vector<16xi32>
        %broadcast_in_dim3A_310 = vector.broadcast %jit3A_308 : i32 to vector<16xi32>
        %select_n3A_311 = arith.select %lt3A_260, %broadcast_in_dim3A_309, %broadcast_in_dim3A_310 : vector<16xi1>, vector<16xi32>
        %broadcast_in_dim3A_312 = arith.constant true
        %broadcast_in_dim3A_313 = vector.broadcast %broadcast_in_dim3A_312 : i1 to vector<16xi1>
        %masked_cumsum3A_314 = tpu.scan <sum>, %select_n3A_311 masked %broadcast_in_dim3A_313 : vector<16xi32>, vector<16xi1> -> vector<16xi32>
        %jit3A_315 = arith.constant 1 : i32
        %jit3A_316 = arith.constant 0 : i32
        %broadcast_in_dim3A_317 = vector.broadcast %jit3A_315 : i32 to vector<16xi32>
        %broadcast_in_dim3A_318 = vector.broadcast %jit3A_316 : i32 to vector<16xi32>
        %select_n3A_319 = arith.select %lt3A_261, %broadcast_in_dim3A_317, %broadcast_in_dim3A_318 : vector<16xi1>, vector<16xi32>
        %broadcast_in_dim3A_320 = arith.constant true
        %broadcast_in_dim3A_321 = vector.broadcast %broadcast_in_dim3A_320 : i1 to vector<16xi1>
        %masked_cumsum3A_322 = tpu.scan <sum>, %select_n3A_319 masked %broadcast_in_dim3A_321 : vector<16xi32>, vector<16xi1> -> vector<16xi32>
        %all_reduce_population_count3A = tpu.all_reduce %lt3A {dim = 0 : i64, kind = #tpu.reduction_kind<sum>} : vector<16xi1> -> vector<16xi32>
        %all_reduce_population_count3A_323 = tpu.all_reduce %lt3A_255 {dim = 0 : i64, kind = #tpu.reduction_kind<sum>} : vector<16xi1> -> vector<16xi32>
        %all_reduce_population_count3A_324 = tpu.all_reduce %lt3A_256 {dim = 0 : i64, kind = #tpu.reduction_kind<sum>} : vector<16xi1> -> vector<16xi32>
        %all_reduce_population_count3A_325 = tpu.all_reduce %lt3A_257 {dim = 0 : i64, kind = #tpu.reduction_kind<sum>} : vector<16xi1> -> vector<16xi32>
        %all_reduce_population_count3A_326 = tpu.all_reduce %lt3A_258 {dim = 0 : i64, kind = #tpu.reduction_kind<sum>} : vector<16xi1> -> vector<16xi32>
        %all_reduce_population_count3A_327 = tpu.all_reduce %lt3A_259 {dim = 0 : i64, kind = #tpu.reduction_kind<sum>} : vector<16xi1> -> vector<16xi32>
        %all_reduce_population_count3A_328 = tpu.all_reduce %lt3A_260 {dim = 0 : i64, kind = #tpu.reduction_kind<sum>} : vector<16xi1> -> vector<16xi32>
        %all_reduce_population_count3A_329 = tpu.all_reduce %lt3A_261 {dim = 0 : i64, kind = #tpu.reduction_kind<sum>} : vector<16xi1> -> vector<16xi32>
        %add3A_330 = arith.addi %scan3A_191, %all_reduce_population_count3A : vector<16xi32>
        %add3A_331 = arith.addi %add3A_330, %all_reduce_population_count3A_323 : vector<16xi32>
        %add3A_332 = arith.addi %add3A_331, %all_reduce_population_count3A_324 : vector<16xi32>
        %add3A_333 = arith.addi %add3A_332, %all_reduce_population_count3A_325 : vector<16xi32>
        %add3A_334 = arith.addi %add3A_333, %all_reduce_population_count3A_326 : vector<16xi32>
        %add3A_335 = arith.addi %add3A_334, %all_reduce_population_count3A_327 : vector<16xi32>
        %add3A_336 = arith.addi %add3A_335, %all_reduce_population_count3A_328 : vector<16xi32>
        %add3A_337 = arith.addi %add3A_336, %all_reduce_population_count3A_329 : vector<16xi32>
        %broadcast_in_dim3A_338 = arith.constant 1039 : i32
        %broadcast_in_dim3A_339 = vector.broadcast %broadcast_in_dim3A_338 : i32 to vector<16xi32>
        %sub3A = arith.constant 1 : i32
        %sub3A_340 = vector.broadcast %sub3A : i32 to vector<16xi32>
        %sub3A_341 = arith.subi %masked_cumsum3A, %sub3A_340 : vector<16xi32>
        %add3A_342 = arith.addi %scan3A_191, %sub3A_341 : vector<16xi32>
        %min3A_343 = arith.minsi %add3A_342, %broadcast_in_dim3A_339 : vector<16xi32>
        %sub3A_344 = arith.constant 1 : i32
        %sub3A_345 = vector.broadcast %sub3A_344 : i32 to vector<16xi32>
        %sub3A_346 = arith.subi %masked_cumsum3A_274, %sub3A_345 : vector<16xi32>
        %add3A_347 = arith.addi %add3A_330, %sub3A_346 : vector<16xi32>
        %min3A_348 = arith.minsi %add3A_347, %broadcast_in_dim3A_339 : vector<16xi32>
        %sub3A_349 = arith.constant 1 : i32
        %sub3A_350 = vector.broadcast %sub3A_349 : i32 to vector<16xi32>
        %sub3A_351 = arith.subi %masked_cumsum3A_282, %sub3A_350 : vector<16xi32>
        %add3A_352 = arith.addi %add3A_331, %sub3A_351 : vector<16xi32>
        %min3A_353 = arith.minsi %add3A_352, %broadcast_in_dim3A_339 : vector<16xi32>
        %sub3A_354 = arith.constant 1 : i32
        %sub3A_355 = vector.broadcast %sub3A_354 : i32 to vector<16xi32>
        %sub3A_356 = arith.subi %masked_cumsum3A_290, %sub3A_355 : vector<16xi32>
        %add3A_357 = arith.addi %add3A_332, %sub3A_356 : vector<16xi32>
        %min3A_358 = arith.minsi %add3A_357, %broadcast_in_dim3A_339 : vector<16xi32>
        %sub3A_359 = arith.constant 1 : i32
        %sub3A_360 = vector.broadcast %sub3A_359 : i32 to vector<16xi32>
        %sub3A_361 = arith.subi %masked_cumsum3A_298, %sub3A_360 : vector<16xi32>
        %add3A_362 = arith.addi %add3A_333, %sub3A_361 : vector<16xi32>
        %min3A_363 = arith.minsi %add3A_362, %broadcast_in_dim3A_339 : vector<16xi32>
        %sub3A_364 = arith.constant 1 : i32
        %sub3A_365 = vector.broadcast %sub3A_364 : i32 to vector<16xi32>
        %sub3A_366 = arith.subi %masked_cumsum3A_306, %sub3A_365 : vector<16xi32>
        %add3A_367 = arith.addi %add3A_334, %sub3A_366 : vector<16xi32>
        %min3A_368 = arith.minsi %add3A_367, %broadcast_in_dim3A_339 : vector<16xi32>
        %sub3A_369 = arith.constant 1 : i32
        %sub3A_370 = vector.broadcast %sub3A_369 : i32 to vector<16xi32>
        %sub3A_371 = arith.subi %masked_cumsum3A_314, %sub3A_370 : vector<16xi32>
        %add3A_372 = arith.addi %add3A_335, %sub3A_371 : vector<16xi32>
        %min3A_373 = arith.minsi %add3A_372, %broadcast_in_dim3A_339 : vector<16xi32>
        %sub3A_374 = arith.constant 1 : i32
        %sub3A_375 = vector.broadcast %sub3A_374 : i32 to vector<16xi32>
        %sub3A_376 = arith.subi %masked_cumsum3A_322, %sub3A_375 : vector<16xi32>
        %add3A_377 = arith.addi %add3A_336, %sub3A_376 : vector<16xi32>
        %min3A_378 = arith.minsi %add3A_377, %broadcast_in_dim3A_339 : vector<16xi32>
        tpu.vector_store_idx %arg12[%min3A_343], %get3A_240 masked %lt3A : memref<1120xi32, #tpu.memory_space<vmem>>[vector<16xi32>], vector<16xi32>, vector<16xi1>
        %mul3A_379 = arith.constant 8 : i32
        %mul3A_380 = arith.muli %scan3A_190, %mul3A_379 : i32
        %add3A_381 = arith.constant 0 : i32
        %add3A_382 = arith.addi %mul3A_380, %add3A_381 : i32
        %mul3A_383 = arith.constant 16 : i32
        %mul3A_384 = arith.muli %add3A_382, %mul3A_383 : i32
        %broadcast_in_dim3A_385 = vector.broadcast %mul3A_384 : i32 to vector<16xi32>
        %add3A_386 = arith.addi %broadcast_in_dim3A_385, %iota3A : vector<16xi32>
        tpu.vector_store_idx %arg13[%min3A_343], %add3A_386 masked %lt3A : memref<1120xi32, #tpu.memory_space<vmem>>[vector<16xi32>], vector<16xi32>, vector<16xi1>
        tpu.vector_store_idx %arg12[%min3A_348], %get3A_242 masked %lt3A_255 : memref<1120xi32, #tpu.memory_space<vmem>>[vector<16xi32>], vector<16xi32>, vector<16xi1>
        %mul3A_387 = arith.constant 8 : i32
        %mul3A_388 = arith.muli %scan3A_190, %mul3A_387 : i32
        %add3A_389 = arith.constant 1 : i32
        %add3A_390 = arith.addi %mul3A_388, %add3A_389 : i32
        %mul3A_391 = arith.constant 16 : i32
        %mul3A_392 = arith.muli %add3A_390, %mul3A_391 : i32
        %broadcast_in_dim3A_393 = vector.broadcast %mul3A_392 : i32 to vector<16xi32>
        %add3A_394 = arith.addi %broadcast_in_dim3A_393, %iota3A : vector<16xi32>
        tpu.vector_store_idx %arg13[%min3A_348], %add3A_394 masked %lt3A_255 : memref<1120xi32, #tpu.memory_space<vmem>>[vector<16xi32>], vector<16xi32>, vector<16xi1>
        tpu.vector_store_idx %arg12[%min3A_353], %get3A_244 masked %lt3A_256 : memref<1120xi32, #tpu.memory_space<vmem>>[vector<16xi32>], vector<16xi32>, vector<16xi1>
        %mul3A_395 = arith.constant 8 : i32
        %mul3A_396 = arith.muli %scan3A_190, %mul3A_395 : i32
        %add3A_397 = arith.constant 2 : i32
        %add3A_398 = arith.addi %mul3A_396, %add3A_397 : i32
        %mul3A_399 = arith.constant 16 : i32
        %mul3A_400 = arith.muli %add3A_398, %mul3A_399 : i32
        %broadcast_in_dim3A_401 = vector.broadcast %mul3A_400 : i32 to vector<16xi32>
        %add3A_402 = arith.addi %broadcast_in_dim3A_401, %iota3A : vector<16xi32>
        tpu.vector_store_idx %arg13[%min3A_353], %add3A_402 masked %lt3A_256 : memref<1120xi32, #tpu.memory_space<vmem>>[vector<16xi32>], vector<16xi32>, vector<16xi1>
        tpu.vector_store_idx %arg12[%min3A_358], %get3A_246 masked %lt3A_257 : memref<1120xi32, #tpu.memory_space<vmem>>[vector<16xi32>], vector<16xi32>, vector<16xi1>
        %mul3A_403 = arith.constant 8 : i32
        %mul3A_404 = arith.muli %scan3A_190, %mul3A_403 : i32
        %add3A_405 = arith.constant 3 : i32
        %add3A_406 = arith.addi %mul3A_404, %add3A_405 : i32
        %mul3A_407 = arith.constant 16 : i32
        %mul3A_408 = arith.muli %add3A_406, %mul3A_407 : i32
        %broadcast_in_dim3A_409 = vector.broadcast %mul3A_408 : i32 to vector<16xi32>
        %add3A_410 = arith.addi %broadcast_in_dim3A_409, %iota3A : vector<16xi32>
        tpu.vector_store_idx %arg13[%min3A_358], %add3A_410 masked %lt3A_257 : memref<1120xi32, #tpu.memory_space<vmem>>[vector<16xi32>], vector<16xi32>, vector<16xi1>
        tpu.vector_store_idx %arg12[%min3A_363], %get3A_248 masked %lt3A_258 : memref<1120xi32, #tpu.memory_space<vmem>>[vector<16xi32>], vector<16xi32>, vector<16xi1>
        %mul3A_411 = arith.constant 8 : i32
        %mul3A_412 = arith.muli %scan3A_190, %mul3A_411 : i32
        %add3A_413 = arith.constant 4 : i32
        %add3A_414 = arith.addi %mul3A_412, %add3A_413 : i32
        %mul3A_415 = arith.constant 16 : i32
        %mul3A_416 = arith.muli %add3A_414, %mul3A_415 : i32
        %broadcast_in_dim3A_417 = vector.broadcast %mul3A_416 : i32 to vector<16xi32>
        %add3A_418 = arith.addi %broadcast_in_dim3A_417, %iota3A : vector<16xi32>
        tpu.vector_store_idx %arg13[%min3A_363], %add3A_418 masked %lt3A_258 : memref<1120xi32, #tpu.memory_space<vmem>>[vector<16xi32>], vector<16xi32>, vector<16xi1>
        tpu.vector_store_idx %arg12[%min3A_368], %get3A_250 masked %lt3A_259 : memref<1120xi32, #tpu.memory_space<vmem>>[vector<16xi32>], vector<16xi32>, vector<16xi1>
        %mul3A_419 = arith.constant 8 : i32
        %mul3A_420 = arith.muli %scan3A_190, %mul3A_419 : i32
        %add3A_421 = arith.constant 5 : i32
        %add3A_422 = arith.addi %mul3A_420, %add3A_421 : i32
        %mul3A_423 = arith.constant 16 : i32
        %mul3A_424 = arith.muli %add3A_422, %mul3A_423 : i32
        %broadcast_in_dim3A_425 = vector.broadcast %mul3A_424 : i32 to vector<16xi32>
        %add3A_426 = arith.addi %broadcast_in_dim3A_425, %iota3A : vector<16xi32>
        tpu.vector_store_idx %arg13[%min3A_368], %add3A_426 masked %lt3A_259 : memref<1120xi32, #tpu.memory_space<vmem>>[vector<16xi32>], vector<16xi32>, vector<16xi1>
        tpu.vector_store_idx %arg12[%min3A_373], %get3A_252 masked %lt3A_260 : memref<1120xi32, #tpu.memory_space<vmem>>[vector<16xi32>], vector<16xi32>, vector<16xi1>
        %mul3A_427 = arith.constant 8 : i32
        %mul3A_428 = arith.muli %scan3A_190, %mul3A_427 : i32
        %add3A_429 = arith.constant 6 : i32
        %add3A_430 = arith.addi %mul3A_428, %add3A_429 : i32
        %mul3A_431 = arith.constant 16 : i32
        %mul3A_432 = arith.muli %add3A_430, %mul3A_431 : i32
        %broadcast_in_dim3A_433 = vector.broadcast %mul3A_432 : i32 to vector<16xi32>
        %add3A_434 = arith.addi %broadcast_in_dim3A_433, %iota3A : vector<16xi32>
        tpu.vector_store_idx %arg13[%min3A_373], %add3A_434 masked %lt3A_260 : memref<1120xi32, #tpu.memory_space<vmem>>[vector<16xi32>], vector<16xi32>, vector<16xi1>
        tpu.vector_store_idx %arg12[%min3A_378], %get3A_254 masked %lt3A_261 : memref<1120xi32, #tpu.memory_space<vmem>>[vector<16xi32>], vector<16xi32>, vector<16xi1>
        %mul3A_435 = arith.constant 8 : i32
        %mul3A_436 = arith.muli %scan3A_190, %mul3A_435 : i32
        %add3A_437 = arith.constant 7 : i32
        %add3A_438 = arith.addi %mul3A_436, %add3A_437 : i32
        %mul3A_439 = arith.constant 16 : i32
        %mul3A_440 = arith.muli %add3A_438, %mul3A_439 : i32
        %broadcast_in_dim3A_441 = vector.broadcast %mul3A_440 : i32 to vector<16xi32>
        %add3A_442 = arith.addi %broadcast_in_dim3A_441, %iota3A : vector<16xi32>
        tpu.vector_store_idx %arg13[%min3A_378], %add3A_442 masked %lt3A_261 : memref<1120xi32, #tpu.memory_space<vmem>>[vector<16xi32>], vector<16xi32>, vector<16xi1>
        scf.yield %add3A_337 : vector<16xi32>
      }
      %scan3A_144 = arith.constant 128 : i32
      %reduce_max3A = arith.constant true
      %reduce_max3A_145 = vector.broadcast %reduce_max3A : i1 to vector<16xi1>
      %reduce_max3A_146 = arith.constant -2147483648 : i32
      %reduce_max3A_147 = vector.broadcast %reduce_max3A_146 : i32 to vector<16xi32>
      %reduce_max3A_148 = arith.xori %scan3A_143, %reduce_max3A_147 : vector<16xi32>
      %reduce_max3A_149 = tpu.scan <max>, %reduce_max3A_148 masked %reduce_max3A_145 : vector<16xi32>, vector<16xi1> -> vector<16xi32>
      %reduce_max3A_150 = arith.xori %reduce_max3A_149, %reduce_max3A_147 : vector<16xi32>
      %reduce_max3A_151 = vector.extract %reduce_max3A_150[15] : i32 from vector<16xi32>
      %min3A_152 = arith.constant 1024 : i32
      %min3A_153 = arith.minsi %reduce_max3A_151, %min3A_152 : i32
      %broadcast_in_dim3A_154 = arith.constant 2147483647 : i32
      %broadcast_in_dim3A_155 = vector.broadcast %broadcast_in_dim3A_154 : i32 to vector<16xi32>
      %add3A_156 = arith.constant 0 : i32
      %add3A_157 = arith.addi %min3A_153, %add3A_156 : i32
      %swap3A = arith.index_cast %add3A_157 : i32 to index
      %swap3A_158 = tpu.vector_load %arg12[%swap3A] {strides = array<i32>} : memref<1120xi32, #tpu.memory_space<vmem>>, vector<16xi32>,
      tpu.vector_store %arg12[%swap3A], %broadcast_in_dim3A_155 {strides = array<i32>} : memref<1120xi32, #tpu.memory_space<vmem>>, vector<16xi32>,
      %broadcast_in_dim3A_159 = arith.constant 2147483647 : i32
      %broadcast_in_dim3A_160 = vector.broadcast %broadcast_in_dim3A_159 : i32 to vector<16xi32>
      %add3A_161 = arith.constant 16 : i32
      %add3A_162 = arith.addi %min3A_153, %add3A_161 : i32
      %swap3A_163 = arith.index_cast %add3A_162 : i32 to index
      %swap3A_164 = tpu.vector_load %arg12[%swap3A_163] {strides = array<i32>} : memref<1120xi32, #tpu.memory_space<vmem>>, vector<16xi32>,
      tpu.vector_store %arg12[%swap3A_163], %broadcast_in_dim3A_160 {strides = array<i32>} : memref<1120xi32, #tpu.memory_space<vmem>>, vector<16xi32>,
      %broadcast_in_dim3A_165 = arith.constant 2147483647 : i32
      %broadcast_in_dim3A_166 = vector.broadcast %broadcast_in_dim3A_165 : i32 to vector<16xi32>
      %add3A_167 = arith.constant 32 : i32
      %add3A_168 = arith.addi %min3A_153, %add3A_167 : i32
      %swap3A_169 = arith.index_cast %add3A_168 : i32 to index
      %swap3A_170 = tpu.vector_load %arg12[%swap3A_169] {strides = array<i32>} : memref<1120xi32, #tpu.memory_space<vmem>>, vector<16xi32>,
      tpu.vector_store %arg12[%swap3A_169], %broadcast_in_dim3A_166 {strides = array<i32>} : memref<1120xi32, #tpu.memory_space<vmem>>, vector<16xi32>,
      %broadcast_in_dim3A_171 = arith.constant 2147483647 : i32
      %broadcast_in_dim3A_172 = vector.broadcast %broadcast_in_dim3A_171 : i32 to vector<16xi32>
      %add3A_173 = arith.constant 48 : i32
      %add3A_174 = arith.addi %min3A_153, %add3A_173 : i32
      %swap3A_175 = arith.index_cast %add3A_174 : i32 to index
      %swap3A_176 = tpu.vector_load %arg12[%swap3A_175] {strides = array<i32>} : memref<1120xi32, #tpu.memory_space<vmem>>, vector<16xi32>,
      tpu.vector_store %arg12[%swap3A_175], %broadcast_in_dim3A_172 {strides = array<i32>} : memref<1120xi32, #tpu.memory_space<vmem>>, vector<16xi32>,
      %add3A_177 = arith.constant 63 : i32
      %add3A_178 = arith.addi %min3A_153, %add3A_177 : i32
      %shift_right_arithmetic3A_179 = arith.constant 6 : i32
      %shift_right_arithmetic3A_180 = arith.shrsi %add3A_178, %shift_right_arithmetic3A_179 : i32
      %scan3A_181 = arith.constant 2147483647 : i32
      %scan3A_182 = arith.constant -1 : i32
      %scan3A_183 = arith.constant 0 : i32
      %scan3A_184 = arith.constant 32 : i32
      %scan3A_185 = arith.addi %scan3A_183, %scan3A_184 : i32
      %scan3A_186 = arith.constant 1 : i32
      %scan3A_187:2 = scf.for %scan3A_190 = %scan3A_183 to %scan3A_185 step %scan3A_186 iter_args(%scan3A_191 = %scan3A_181, %scan3A_192 = %scan3A_182) -> (i32, i32)  : i32 {
        %broadcast_in_dim3A_193 = vector.broadcast %scan3A_191 : i32 to vector<16xi32>
        %broadcast_in_dim3A_194 = vector.broadcast %scan3A_192 : i32 to vector<16xi32>
        %broadcast_in_dim3A_195 = arith.constant 2147483647 : i32
        %broadcast_in_dim3A_196 = vector.broadcast %broadcast_in_dim3A_195 : i32 to vector<16xi32>
        %broadcast_in_dim3A_197 = arith.constant 2147483647 : i32
        %broadcast_in_dim3A_198 = vector.broadcast %broadcast_in_dim3A_197 : i32 to vector<16xi32>
        %while3A_199 = arith.constant 0 : i32
        %while3A_200 = arith.subi %shift_right_arithmetic3A_180, %while3A_199 : i32
        %while3A_201 = arith.addi %while3A_199, %while3A_200 : i32
        %while3A_202 = arith.constant 1 : i32
        %while3A_203 = arith.divsi %while3A_200, %while3A_202 : i32
        %while3A_204 = arith.muli %while3A_203, %while3A_202 : i32
        %while3A_205 = arith.addi %while3A_199, %while3A_204 : i32
        %while3A_206 = arith.constant 1 : i32
        %while3A_207:2 = scf.for %while3A_249 = %while3A_199 to %while3A_205 step %while3A_206 iter_args(%while3A_250 = %broadcast_in_dim3A_196, %while3A_251 = %broadcast_in_dim3A_198) -> (vector<16xi32>, vector<16xi32>)  : i32 {
          %mul3A_252 = arith.constant 4 : i32
          %mul3A_253 = arith.muli %while3A_249, %mul3A_252 : i32
          %add3A_254 = arith.constant 0 : i32
          %add3A_255 = arith.addi %mul3A_253, %add3A_254 : i32
          %mul3A_256 = arith.constant 16 : i32
          %mul3A_257 = arith.muli %add3A_255, %mul3A_256 : i32
          %mul3A_258 = arith.constant 4 : i32
          %mul3A_259 = arith.muli %while3A_249, %mul3A_258 : i32
          %add3A_260 = arith.constant 1 : i32
          %add3A_261 = arith.addi %mul3A_259, %add3A_260 : i32
          %mul3A_262 = arith.constant 16 : i32
          %mul3A_263 = arith.muli %add3A_261, %mul3A_262 : i32
          %mul3A_264 = arith.constant 4 : i32
          %mul3A_265 = arith.muli %while3A_249, %mul3A_264 : i32
          %add3A_266 = arith.constant 2 : i32
          %add3A_267 = arith.addi %mul3A_265, %add3A_266 : i32
          %mul3A_268 = arith.constant 16 : i32
          %mul3A_269 = arith.muli %add3A_267, %mul3A_268 : i32
          %mul3A_270 = arith.constant 4 : i32
          %mul3A_271 = arith.muli %while3A_249, %mul3A_270 : i32
          %add3A_272 = arith.constant 3 : i32
          %add3A_273 = arith.addi %mul3A_271, %add3A_272 : i32
          %mul3A_274 = arith.constant 16 : i32
          %mul3A_275 = arith.muli %add3A_273, %mul3A_274 : i32
          %get3A = arith.index_cast %mul3A_257 : i32 to index
          %get3A_276 = tpu.vector_load %arg12[%get3A] {strides = array<i32>} : memref<1120xi32, #tpu.memory_space<vmem>>, vector<16xi32>,
          %get3A_277 = arith.index_cast %mul3A_263 : i32 to index
          %get3A_278 = tpu.vector_load %arg12[%get3A_277] {strides = array<i32>} : memref<1120xi32, #tpu.memory_space<vmem>>, vector<16xi32>,
          %get3A_279 = arith.index_cast %mul3A_269 : i32 to index
          %get3A_280 = tpu.vector_load %arg12[%get3A_279] {strides = array<i32>} : memref<1120xi32, #tpu.memory_space<vmem>>, vector<16xi32>,
          %get3A_281 = arith.index_cast %mul3A_275 : i32 to index
          %get3A_282 = tpu.vector_load %arg12[%get3A_281] {strides = array<i32>} : memref<1120xi32, #tpu.memory_space<vmem>>, vector<16xi32>,
          %get3A_283 = arith.index_cast %mul3A_257 : i32 to index
          %get3A_284 = tpu.vector_load %arg13[%get3A_283] {strides = array<i32>} : memref<1120xi32, #tpu.memory_space<vmem>>, vector<16xi32>,
          %get3A_285 = arith.index_cast %mul3A_263 : i32 to index
          %get3A_286 = tpu.vector_load %arg13[%get3A_285] {strides = array<i32>} : memref<1120xi32, #tpu.memory_space<vmem>>, vector<16xi32>,
          %get3A_287 = arith.index_cast %mul3A_269 : i32 to index
          %get3A_288 = tpu.vector_load %arg13[%get3A_287] {strides = array<i32>} : memref<1120xi32, #tpu.memory_space<vmem>>, vector<16xi32>,
          %get3A_289 = arith.index_cast %mul3A_275 : i32 to index
          %get3A_290 = tpu.vector_load %arg13[%get3A_289] {strides = array<i32>} : memref<1120xi32, #tpu.memory_space<vmem>>, vector<16xi32>,
          %eq3A_291 = arith.cmpi eq, %get3A_276, %broadcast_in_dim3A_193 : vector<16xi32>
          %eq3A_292 = arith.cmpi eq, %get3A_284, %broadcast_in_dim3A_194 : vector<16xi32>
          %and3A_293 = arith.andi %eq3A_291, %eq3A_292 : vector<16xi1>
          %eq3A_294 = arith.cmpi eq, %get3A_278, %broadcast_in_dim3A_193 : vector<16xi32>
          %eq3A_295 = arith.cmpi eq, %get3A_286, %broadcast_in_dim3A_194 : vector<16xi32>
          %and3A_296 = arith.andi %eq3A_294, %eq3A_295 : vector<16xi1>
          %eq3A_297 = arith.cmpi eq, %get3A_280, %broadcast_in_dim3A_193 : vector<16xi32>
          %eq3A_298 = arith.cmpi eq, %get3A_288, %broadcast_in_dim3A_194 : vector<16xi32>
          %and3A_299 = arith.andi %eq3A_297, %eq3A_298 : vector<16xi1>
          %eq3A_300 = arith.cmpi eq, %get3A_282, %broadcast_in_dim3A_193 : vector<16xi32>
          %eq3A_301 = arith.cmpi eq, %get3A_290, %broadcast_in_dim3A_194 : vector<16xi32>
          %and3A_302 = arith.andi %eq3A_300, %eq3A_301 : vector<16xi1>
          %jit3A_303 = arith.constant 2147483647 : i32
          %broadcast_in_dim3A_304 = vector.broadcast %jit3A_303 : i32 to vector<16xi32>
          %select_n3A_305 = arith.select %and3A_293, %broadcast_in_dim3A_304, %get3A_276 : vector<16xi1>, vector<16xi32>
          %jit3A_306 = arith.constant 2147483647 : i32
          %broadcast_in_dim3A_307 = vector.broadcast %jit3A_306 : i32 to vector<16xi32>
          %select_n3A_308 = arith.select %and3A_296, %broadcast_in_dim3A_307, %get3A_278 : vector<16xi1>, vector<16xi32>
          %jit3A_309 = arith.constant 2147483647 : i32
          %broadcast_in_dim3A_310 = vector.broadcast %jit3A_309 : i32 to vector<16xi32>
          %select_n3A_311 = arith.select %and3A_299, %broadcast_in_dim3A_310, %get3A_280 : vector<16xi1>, vector<16xi32>
          %jit3A_312 = arith.constant 2147483647 : i32
          %broadcast_in_dim3A_313 = vector.broadcast %jit3A_312 : i32 to vector<16xi32>
          %select_n3A_314 = arith.select %and3A_302, %broadcast_in_dim3A_313, %get3A_282 : vector<16xi1>, vector<16xi32>
          %swap3A_315 = arith.index_cast %mul3A_257 : i32 to index
          %swap3A_316 = tpu.vector_load %arg12[%swap3A_315] {strides = array<i32>} : memref<1120xi32, #tpu.memory_space<vmem>>, vector<16xi32>,
          tpu.vector_store %arg12[%swap3A_315], %select_n3A_305 {strides = array<i32>} : memref<1120xi32, #tpu.memory_space<vmem>>, vector<16xi32>,
          %swap3A_317 = arith.index_cast %mul3A_263 : i32 to index
          %swap3A_318 = tpu.vector_load %arg12[%swap3A_317] {strides = array<i32>} : memref<1120xi32, #tpu.memory_space<vmem>>, vector<16xi32>,
          tpu.vector_store %arg12[%swap3A_317], %select_n3A_308 {strides = array<i32>} : memref<1120xi32, #tpu.memory_space<vmem>>, vector<16xi32>,
          %swap3A_319 = arith.index_cast %mul3A_269 : i32 to index
          %swap3A_320 = tpu.vector_load %arg12[%swap3A_319] {strides = array<i32>} : memref<1120xi32, #tpu.memory_space<vmem>>, vector<16xi32>,
          tpu.vector_store %arg12[%swap3A_319], %select_n3A_311 {strides = array<i32>} : memref<1120xi32, #tpu.memory_space<vmem>>, vector<16xi32>,
          %swap3A_321 = arith.index_cast %mul3A_275 : i32 to index
          %swap3A_322 = tpu.vector_load %arg12[%swap3A_321] {strides = array<i32>} : memref<1120xi32, #tpu.memory_space<vmem>>, vector<16xi32>,
          tpu.vector_store %arg12[%swap3A_321], %select_n3A_314 {strides = array<i32>} : memref<1120xi32, #tpu.memory_space<vmem>>, vector<16xi32>,
          %lt3A = arith.cmpi slt, %select_n3A_308, %select_n3A_305 : vector<16xi32>
          %eq3A_323 = arith.cmpi eq, %select_n3A_308, %select_n3A_305 : vector<16xi32>
          %lt3A_324 = arith.cmpi slt, %get3A_286, %get3A_284 : vector<16xi32>
          %and3A_325 = arith.andi %eq3A_323, %lt3A_324 : vector<16xi1>
          %or3A = arith.ori %lt3A, %and3A_325 : vector<16xi1>
          %select_n3A_326 = arith.select %or3A, %select_n3A_308, %select_n3A_305 : vector<16xi1>, vector<16xi32>
          %select_n3A_327 = arith.select %or3A, %get3A_286, %get3A_284 : vector<16xi1>, vector<16xi32>
          %lt3A_328 = arith.cmpi slt, %select_n3A_314, %select_n3A_311 : vector<16xi32>
          %eq3A_329 = arith.cmpi eq, %select_n3A_314, %select_n3A_311 : vector<16xi32>
          %lt3A_330 = arith.cmpi slt, %get3A_290, %get3A_288 : vector<16xi32>
          %and3A_331 = arith.andi %eq3A_329, %lt3A_330 : vector<16xi1>
          %or3A_332 = arith.ori %lt3A_328, %and3A_331 : vector<16xi1>
          %select_n3A_333 = arith.select %or3A_332, %select_n3A_314, %select_n3A_311 : vector<16xi1>, vector<16xi32>
          %select_n3A_334 = arith.select %or3A_332, %get3A_290, %get3A_288 : vector<16xi1>, vector<16xi32>
          %lt3A_335 = arith.cmpi slt, %select_n3A_333, %select_n3A_326 : vector<16xi32>
          %eq3A_336 = arith.cmpi eq, %select_n3A_333, %select_n3A_326 : vector<16xi32>
          %lt3A_337 = arith.cmpi slt, %select_n3A_334, %select_n3A_327 : vector<16xi32>
          %and3A_338 = arith.andi %eq3A_336, %lt3A_337 : vector<16xi1>
          %or3A_339 = arith.ori %lt3A_335, %and3A_338 : vector<16xi1>
          %select_n3A_340 = arith.select %or3A_339, %select_n3A_333, %select_n3A_326 : vector<16xi1>, vector<16xi32>
          %select_n3A_341 = arith.select %or3A_339, %select_n3A_334, %select_n3A_327 : vector<16xi1>, vector<16xi32>
          %lt3A_342 = arith.cmpi slt, %select_n3A_340, %while3A_250 : vector<16xi32>
          %eq3A_343 = arith.cmpi eq, %select_n3A_340, %while3A_250 : vector<16xi32>
          %lt3A_344 = arith.cmpi slt, %select_n3A_341, %while3A_251 : vector<16xi32>
          %and3A_345 = arith.andi %eq3A_343, %lt3A_344 : vector<16xi1>
          %or3A_346 = arith.ori %lt3A_342, %and3A_345 : vector<16xi1>
          %select_n3A_347 = arith.select %or3A_346, %select_n3A_340, %while3A_250 : vector<16xi1>, vector<16xi32>
          %select_n3A_348 = arith.select %or3A_346, %select_n3A_341, %while3A_251 : vector<16xi1>, vector<16xi32>
          scf.yield %select_n3A_347, %select_n3A_348 : vector<16xi32>, vector<16xi32>
        }
        %while3A_208 = arith.constant 1 : i32
        %while3A_209:2 = scf.for %while3A_249 = %while3A_205 to %while3A_201 step %while3A_208 iter_args(%while3A_250 = %while3A_207#0, %while3A_251 = %while3A_207#1) -> (vector<16xi32>, vector<16xi32>)  : i32 {
          %mul3A_252 = arith.constant 4 : i32
          %mul3A_253 = arith.muli %while3A_249, %mul3A_252 : i32
          %add3A_254 = arith.constant 0 : i32
          %add3A_255 = arith.addi %mul3A_253, %add3A_254 : i32
          %mul3A_256 = arith.constant 16 : i32
          %mul3A_257 = arith.muli %add3A_255, %mul3A_256 : i32
          %mul3A_258 = arith.constant 4 : i32
          %mul3A_259 = arith.muli %while3A_249, %mul3A_258 : i32
          %add3A_260 = arith.constant 1 : i32
          %add3A_261 = arith.addi %mul3A_259, %add3A_260 : i32
          %mul3A_262 = arith.constant 16 : i32
          %mul3A_263 = arith.muli %add3A_261, %mul3A_262 : i32
          %mul3A_264 = arith.constant 4 : i32
          %mul3A_265 = arith.muli %while3A_249, %mul3A_264 : i32
          %add3A_266 = arith.constant 2 : i32
          %add3A_267 = arith.addi %mul3A_265, %add3A_266 : i32
          %mul3A_268 = arith.constant 16 : i32
          %mul3A_269 = arith.muli %add3A_267, %mul3A_268 : i32
          %mul3A_270 = arith.constant 4 : i32
          %mul3A_271 = arith.muli %while3A_249, %mul3A_270 : i32
          %add3A_272 = arith.constant 3 : i32
          %add3A_273 = arith.addi %mul3A_271, %add3A_272 : i32
          %mul3A_274 = arith.constant 16 : i32
          %mul3A_275 = arith.muli %add3A_273, %mul3A_274 : i32
          %get3A = arith.index_cast %mul3A_257 : i32 to index
          %get3A_276 = tpu.vector_load %arg12[%get3A] {strides = array<i32>} : memref<1120xi32, #tpu.memory_space<vmem>>, vector<16xi32>,
          %get3A_277 = arith.index_cast %mul3A_263 : i32 to index
          %get3A_278 = tpu.vector_load %arg12[%get3A_277] {strides = array<i32>} : memref<1120xi32, #tpu.memory_space<vmem>>, vector<16xi32>,
          %get3A_279 = arith.index_cast %mul3A_269 : i32 to index
          %get3A_280 = tpu.vector_load %arg12[%get3A_279] {strides = array<i32>} : memref<1120xi32, #tpu.memory_space<vmem>>, vector<16xi32>,
          %get3A_281 = arith.index_cast %mul3A_275 : i32 to index
          %get3A_282 = tpu.vector_load %arg12[%get3A_281] {strides = array<i32>} : memref<1120xi32, #tpu.memory_space<vmem>>, vector<16xi32>,
          %get3A_283 = arith.index_cast %mul3A_257 : i32 to index
          %get3A_284 = tpu.vector_load %arg13[%get3A_283] {strides = array<i32>} : memref<1120xi32, #tpu.memory_space<vmem>>, vector<16xi32>,
          %get3A_285 = arith.index_cast %mul3A_263 : i32 to index
          %get3A_286 = tpu.vector_load %arg13[%get3A_285] {strides = array<i32>} : memref<1120xi32, #tpu.memory_space<vmem>>, vector<16xi32>,
          %get3A_287 = arith.index_cast %mul3A_269 : i32 to index
          %get3A_288 = tpu.vector_load %arg13[%get3A_287] {strides = array<i32>} : memref<1120xi32, #tpu.memory_space<vmem>>, vector<16xi32>,
          %get3A_289 = arith.index_cast %mul3A_275 : i32 to index
          %get3A_290 = tpu.vector_load %arg13[%get3A_289] {strides = array<i32>} : memref<1120xi32, #tpu.memory_space<vmem>>, vector<16xi32>,
          %eq3A_291 = arith.cmpi eq, %get3A_276, %broadcast_in_dim3A_193 : vector<16xi32>
          %eq3A_292 = arith.cmpi eq, %get3A_284, %broadcast_in_dim3A_194 : vector<16xi32>
          %and3A_293 = arith.andi %eq3A_291, %eq3A_292 : vector<16xi1>
          %eq3A_294 = arith.cmpi eq, %get3A_278, %broadcast_in_dim3A_193 : vector<16xi32>
          %eq3A_295 = arith.cmpi eq, %get3A_286, %broadcast_in_dim3A_194 : vector<16xi32>
          %and3A_296 = arith.andi %eq3A_294, %eq3A_295 : vector<16xi1>
          %eq3A_297 = arith.cmpi eq, %get3A_280, %broadcast_in_dim3A_193 : vector<16xi32>
          %eq3A_298 = arith.cmpi eq, %get3A_288, %broadcast_in_dim3A_194 : vector<16xi32>
          %and3A_299 = arith.andi %eq3A_297, %eq3A_298 : vector<16xi1>
          %eq3A_300 = arith.cmpi eq, %get3A_282, %broadcast_in_dim3A_193 : vector<16xi32>
          %eq3A_301 = arith.cmpi eq, %get3A_290, %broadcast_in_dim3A_194 : vector<16xi32>
          %and3A_302 = arith.andi %eq3A_300, %eq3A_301 : vector<16xi1>
          %jit3A_303 = arith.constant 2147483647 : i32
          %broadcast_in_dim3A_304 = vector.broadcast %jit3A_303 : i32 to vector<16xi32>
          %select_n3A_305 = arith.select %and3A_293, %broadcast_in_dim3A_304, %get3A_276 : vector<16xi1>, vector<16xi32>
          %jit3A_306 = arith.constant 2147483647 : i32
          %broadcast_in_dim3A_307 = vector.broadcast %jit3A_306 : i32 to vector<16xi32>
          %select_n3A_308 = arith.select %and3A_296, %broadcast_in_dim3A_307, %get3A_278 : vector<16xi1>, vector<16xi32>
          %jit3A_309 = arith.constant 2147483647 : i32
          %broadcast_in_dim3A_310 = vector.broadcast %jit3A_309 : i32 to vector<16xi32>
          %select_n3A_311 = arith.select %and3A_299, %broadcast_in_dim3A_310, %get3A_280 : vector<16xi1>, vector<16xi32>
          %jit3A_312 = arith.constant 2147483647 : i32
          %broadcast_in_dim3A_313 = vector.broadcast %jit3A_312 : i32 to vector<16xi32>
          %select_n3A_314 = arith.select %and3A_302, %broadcast_in_dim3A_313, %get3A_282 : vector<16xi1>, vector<16xi32>
          %swap3A_315 = arith.index_cast %mul3A_257 : i32 to index
          %swap3A_316 = tpu.vector_load %arg12[%swap3A_315] {strides = array<i32>} : memref<1120xi32, #tpu.memory_space<vmem>>, vector<16xi32>,
          tpu.vector_store %arg12[%swap3A_315], %select_n3A_305 {strides = array<i32>} : memref<1120xi32, #tpu.memory_space<vmem>>, vector<16xi32>,
          %swap3A_317 = arith.index_cast %mul3A_263 : i32 to index
          %swap3A_318 = tpu.vector_load %arg12[%swap3A_317] {strides = array<i32>} : memref<1120xi32, #tpu.memory_space<vmem>>, vector<16xi32>,
          tpu.vector_store %arg12[%swap3A_317], %select_n3A_308 {strides = array<i32>} : memref<1120xi32, #tpu.memory_space<vmem>>, vector<16xi32>,
          %swap3A_319 = arith.index_cast %mul3A_269 : i32 to index
          %swap3A_320 = tpu.vector_load %arg12[%swap3A_319] {strides = array<i32>} : memref<1120xi32, #tpu.memory_space<vmem>>, vector<16xi32>,
          tpu.vector_store %arg12[%swap3A_319], %select_n3A_311 {strides = array<i32>} : memref<1120xi32, #tpu.memory_space<vmem>>, vector<16xi32>,
          %swap3A_321 = arith.index_cast %mul3A_275 : i32 to index
          %swap3A_322 = tpu.vector_load %arg12[%swap3A_321] {strides = array<i32>} : memref<1120xi32, #tpu.memory_space<vmem>>, vector<16xi32>,
          tpu.vector_store %arg12[%swap3A_321], %select_n3A_314 {strides = array<i32>} : memref<1120xi32, #tpu.memory_space<vmem>>, vector<16xi32>,
          %lt3A = arith.cmpi slt, %select_n3A_308, %select_n3A_305 : vector<16xi32>
          %eq3A_323 = arith.cmpi eq, %select_n3A_308, %select_n3A_305 : vector<16xi32>
          %lt3A_324 = arith.cmpi slt, %get3A_286, %get3A_284 : vector<16xi32>
          %and3A_325 = arith.andi %eq3A_323, %lt3A_324 : vector<16xi1>
          %or3A = arith.ori %lt3A, %and3A_325 : vector<16xi1>
          %select_n3A_326 = arith.select %or3A, %select_n3A_308, %select_n3A_305 : vector<16xi1>, vector<16xi32>
          %select_n3A_327 = arith.select %or3A, %get3A_286, %get3A_284 : vector<16xi1>, vector<16xi32>
          %lt3A_328 = arith.cmpi slt, %select_n3A_314, %select_n3A_311 : vector<16xi32>
          %eq3A_329 = arith.cmpi eq, %select_n3A_314, %select_n3A_311 : vector<16xi32>
          %lt3A_330 = arith.cmpi slt, %get3A_290, %get3A_288 : vector<16xi32>
          %and3A_331 = arith.andi %eq3A_329, %lt3A_330 : vector<16xi1>
          %or3A_332 = arith.ori %lt3A_328, %and3A_331 : vector<16xi1>
          %select_n3A_333 = arith.select %or3A_332, %select_n3A_314, %select_n3A_311 : vector<16xi1>, vector<16xi32>
          %select_n3A_334 = arith.select %or3A_332, %get3A_290, %get3A_288 : vector<16xi1>, vector<16xi32>
          %lt3A_335 = arith.cmpi slt, %select_n3A_333, %select_n3A_326 : vector<16xi32>
          %eq3A_336 = arith.cmpi eq, %select_n3A_333, %select_n3A_326 : vector<16xi32>
          %lt3A_337 = arith.cmpi slt, %select_n3A_334, %select_n3A_327 : vector<16xi32>
          %and3A_338 = arith.andi %eq3A_336, %lt3A_337 : vector<16xi1>
          %or3A_339 = arith.ori %lt3A_335, %and3A_338 : vector<16xi1>
          %select_n3A_340 = arith.select %or3A_339, %select_n3A_333, %select_n3A_326 : vector<16xi1>, vector<16xi32>
          %select_n3A_341 = arith.select %or3A_339, %select_n3A_334, %select_n3A_327 : vector<16xi1>, vector<16xi32>
          %lt3A_342 = arith.cmpi slt, %select_n3A_340, %while3A_250 : vector<16xi32>
          %eq3A_343 = arith.cmpi eq, %select_n3A_340, %while3A_250 : vector<16xi32>
          %lt3A_344 = arith.cmpi slt, %select_n3A_341, %while3A_251 : vector<16xi32>
          %and3A_345 = arith.andi %eq3A_343, %lt3A_344 : vector<16xi1>
          %or3A_346 = arith.ori %lt3A_342, %and3A_345 : vector<16xi1>
          %select_n3A_347 = arith.select %or3A_346, %select_n3A_340, %while3A_250 : vector<16xi1>, vector<16xi32>
          %select_n3A_348 = arith.select %or3A_346, %select_n3A_341, %while3A_251 : vector<16xi1>, vector<16xi32>
          scf.yield %select_n3A_347, %select_n3A_348 : vector<16xi32>, vector<16xi32>
        }
        %reduce_min3A_210 = arith.constant true
        %reduce_min3A_211 = vector.broadcast %reduce_min3A_210 : i1 to vector<16xi1>
        %reduce_min3A_212 = arith.constant -2147483648 : i32
        %reduce_min3A_213 = vector.broadcast %reduce_min3A_212 : i32 to vector<16xi32>
        %reduce_min3A_214 = arith.xori %while3A_209#0, %reduce_min3A_213 : vector<16xi32>
        %reduce_min3A_215 = tpu.scan <min>, %reduce_min3A_214 masked %reduce_min3A_211 : vector<16xi32>, vector<16xi1> -> vector<16xi32>
        %reduce_min3A_216 = arith.xori %reduce_min3A_215, %reduce_min3A_213 : vector<16xi32>
        %reduce_min3A_217 = vector.extract %reduce_min3A_216[15] : i32 from vector<16xi32>
        %eq3A_218 = vector.broadcast %reduce_min3A_217 : i32 to vector<16xi32>
        %eq3A_219 = arith.cmpi eq, %while3A_209#0, %eq3A_218 : vector<16xi32>
        %jit3A = arith.constant 2147483647 : i32
        %broadcast_in_dim3A_220 = vector.broadcast %jit3A : i32 to vector<16xi32>
        %select_n3A = arith.select %eq3A_219, %while3A_209#1, %broadcast_in_dim3A_220 : vector<16xi1>, vector<16xi32>
        %reduce_min3A_221 = arith.constant true
        %reduce_min3A_222 = vector.broadcast %reduce_min3A_221 : i1 to vector<16xi1>
        %reduce_min3A_223 = arith.constant -2147483648 : i32
        %reduce_min3A_224 = vector.broadcast %reduce_min3A_223 : i32 to vector<16xi32>
        %reduce_min3A_225 = arith.xori %select_n3A, %reduce_min3A_224 : vector<16xi32>
        %reduce_min3A_226 = tpu.scan <min>, %reduce_min3A_225 masked %reduce_min3A_222 : vector<16xi32>, vector<16xi1> -> vector<16xi32>
        %reduce_min3A_227 = arith.xori %reduce_min3A_226, %reduce_min3A_224 : vector<16xi32>
        %reduce_min3A_228 = vector.extract %reduce_min3A_227[15] : i32 from vector<16xi32>
        %min3A_229 = arith.constant 16383 : i32
        %min3A_230 = arith.minsi %reduce_min3A_228, %min3A_229 : i32
        %broadcast_in_dim3A_231 = vector.broadcast %min3A_230 : i32 to vector<16xi32>
        %mul3A_232 = arith.constant 96 : i32
        %mul3A_233 = arith.muli %scan3A_40, %mul3A_232 : i32
        %mul3A_234 = arith.constant 3 : i32
        %mul3A_235 = arith.muli %scan3A_190, %mul3A_234 : i32
        %add3A_236 = arith.addi %mul3A_233, %mul3A_235 : i32
        %broadcast_in_dim3A_237 = vector.broadcast %add3A_236 : i32 to vector<16xi32>
        %gather3A_238 = tpu.vector_load_idx %arg5[%broadcast_in_dim3A_231] : memref<16384xf32, #tpu.memory_space<vmem>>[vector<16xi32>], vector<16xf32>,
        %sub3A = arith.subf %gather3A_238, %gather3A : vector<16xf32>
        tpu.vector_store_idx %arg15[%broadcast_in_dim3A_237], %sub3A masked %eq3A_1 : memref<6144xf32, #tpu.memory_space<vmem>>[vector<16xi32>], vector<16xf32>, vector<16xi1>
        %add3A_239 = arith.constant 1 : i32
        %add3A_240 = vector.broadcast %add3A_239 : i32 to vector<16xi32>
        %add3A_241 = arith.addi %broadcast_in_dim3A_237, %add3A_240 : vector<16xi32>
        %gather3A_242 = tpu.vector_load_idx %arg6[%broadcast_in_dim3A_231] : memref<16384xf32, #tpu.memory_space<vmem>>[vector<16xi32>], vector<16xf32>,
        %sub3A_243 = arith.subf %gather3A_242, %gather3A_49 : vector<16xf32>
        tpu.vector_store_idx %arg15[%add3A_241], %sub3A_243 masked %eq3A_1 : memref<6144xf32, #tpu.memory_space<vmem>>[vector<16xi32>], vector<16xf32>, vector<16xi1>
        %add3A_244 = arith.constant 2 : i32
        %add3A_245 = vector.broadcast %add3A_244 : i32 to vector<16xi32>
        %add3A_246 = arith.addi %broadcast_in_dim3A_237, %add3A_245 : vector<16xi32>
        %gather3A_247 = tpu.vector_load_idx %arg7[%broadcast_in_dim3A_231] : memref<16384xf32, #tpu.memory_space<vmem>>[vector<16xi32>], vector<16xf32>,
        %sub3A_248 = arith.subf %gather3A_247, %gather3A_55 : vector<16xf32>
        tpu.vector_store_idx %arg15[%add3A_246], %sub3A_248 masked %eq3A_1 : memref<6144xf32, #tpu.memory_space<vmem>>[vector<16xi32>], vector<16xf32>, vector<16xi1>
        scf.yield %reduce_min3A_217, %reduce_min3A_228 : i32, i32
      }
      %scan3A_188 = arith.constant 32 : i32
      %scan3A_189 = arith.constant 0 : i32
      scf.yield %scan3A_189 : i32
    }
    %scan3A_35 = arith.constant 64 : i32
    %mul3A_36 = arith.constant 6144 : i32
    %mul3A_37 = arith.muli %add3A, %mul3A_36 : i32
    "tpu.region"() ({
      %run_scoped3A = tpu.sem_alloc : memref<!tpu.dma_semaphore, #tpu.memory_space<semaphore_mem>>
      %dma_start3A = tpu.memref_slice %arg3[%mul3A_37] : memref<196608xf32, #tpu.memory_space<hbm>> -> memref<6144xf32, #tpu.memory_space<hbm>>
      %dma_start3A_40 = tpu.memref_slice %arg3[%mul3A_37] : memref<196608xf32, #tpu.memory_space<hbm>> -> memref<6144xf32, #tpu.memory_space<hbm>>
      tpu.enqueue_dma source(%arg15 : memref<6144xf32, #tpu.memory_space<vmem>>) target(%dma_start3A_40 : memref<6144xf32, #tpu.memory_space<hbm>>) target_semaphore(%run_scoped3A : memref<!tpu.dma_semaphore, #tpu.memory_space<semaphore_mem>>)
      %dma_wait3A = tpu.memref_slice %arg3[%mul3A_37] : memref<196608xf32, #tpu.memory_space<hbm>> -> memref<6144xf32, #tpu.memory_space<hbm>>
      %dma_wait3A_41 = tpu.memref_slice %arg3[%mul3A_37] : memref<196608xf32, #tpu.memory_space<hbm>> -> memref<6144xf32, #tpu.memory_space<hbm>>
      tpu.wait_dma2 semaphore(%run_scoped3A : memref<!tpu.dma_semaphore, #tpu.memory_space<semaphore_mem>>) src(%arg15 : memref<6144xf32, #tpu.memory_space<vmem>>) dst(%dma_wait3A_41 : memref<6144xf32, #tpu.memory_space<hbm>>)
      tpu.yield
    }) : () -> ()
    %mul3A_38 = arith.constant 192 : i32
    %mul3A_39 = arith.muli %add3A, %mul3A_38 : i32
    "tpu.region"() ({
      %run_scoped3A = tpu.sem_alloc : memref<!tpu.dma_semaphore, #tpu.memory_space<semaphore_mem>>
      %dma_start3A = tpu.memref_slice %arg4[%mul3A_39] : memref<6144xf32, #tpu.memory_space<hbm>> -> memref<192xf32, #tpu.memory_space<hbm>>
      %dma_start3A_40 = tpu.memref_slice %arg4[%mul3A_39] : memref<6144xf32, #tpu.memory_space<hbm>> -> memref<192xf32, #tpu.memory_space<hbm>>
      tpu.enqueue_dma source(%arg14 : memref<192xf32, #tpu.memory_space<vmem>>) target(%dma_start3A_40 : memref<192xf32, #tpu.memory_space<hbm>>) target_semaphore(%run_scoped3A : memref<!tpu.dma_semaphore, #tpu.memory_space<semaphore_mem>>)
      %dma_wait3A = tpu.memref_slice %arg4[%mul3A_39] : memref<6144xf32, #tpu.memory_space<hbm>> -> memref<192xf32, #tpu.memory_space<hbm>>
      %dma_wait3A_41 = tpu.memref_slice %arg4[%mul3A_39] : memref<6144xf32, #tpu.memory_space<hbm>> -> memref<192xf32, #tpu.memory_space<hbm>>
      tpu.wait_dma2 semaphore(%run_scoped3A : memref<!tpu.dma_semaphore, #tpu.memory_space<semaphore_mem>>) src(%arg14 : memref<192xf32, #tpu.memory_space<vmem>>) dst(%dma_wait3A_41 : memref<192xf32, #tpu.memory_space<hbm>>)
      tpu.yield
    }) : () -> ()
    return
  }
}

</mosaic_0001>

<sc_bundles>
// kernel: kernel.3.cloned.1.call-start
scs
__scs_entry_jumppad:
0x0: {  	(pc) =	sbr.rel $0x88, $3  }
0x1: {  	(tag) =	ssettag $0x0;
	lr =	simm.s32 $0x1  }
0x2: {  	[smem:$0x3FA0] =	sst lr;
	_ =	strace $0xD0000000  }
0x3: {  	_ = 	snop  }
0x4: {  	_ = 	snop  }
0x5: {  	_ = 	snop  }
0x6: {  	_ = 	snop  }
0x7: {  	_ = 	snop  }
__scs_overlays_trampoline_lowered:
0x8: {  	[smem:$0x3FAF] =	sst s0  }
0x9: {  	[smem:$0x3FB0] =	sst s1  }
0xa: {  	[smem:$0x3FB1] =	sst s2  }
0xb: {  	[smem:$0x3FB2] =	sst s3  }
0xc: {  	[smem:$0x3FB3] =	sst s4  }
0xd: {  	[smem:$0x3FB4] =	sst s5  }
0xe: {  	[smem:$0x3FB5] =	sst s6  }
0xf: {  	[smem:$0x3FB6] =	sst s7  }
0x10: {  	[smem:$0x3FB7] =	sst s8  }
0x11: {  	[smem:$0x3FB8] =	sst s9;
	s0 =	simm.s32 @!p0 $0x0  }
0x12: {  	s1 =	sld [smem:$0x3F9E];
	s0 =	simm.s32 @p0 $0x1  }
0x13: {  	[smem:$0x3FB9] =	sst s0;
	s0 =	simm.s32 @!p1 $0x0  }
0x14: {  	s2 =	sld [smem:$0x3F9D];
	s0 =	simm.s32 @p1 $0x1  }
0x15: {  	[smem:$0x3FBA] =	sst s0;
	s0 =	simm.s32 @!p2 $0x0  }
0x16: {  	s3 =	sld [smem:$0x3FDB];
	s0 =	simm.s32 @p2 $0x1  }
0x17: {  	s4 =	simm.s32 $0x1BF5;
	[smem:$0x3FBC] =	sst s0  }
0x18: {  	s0 =	sld [smem:$0x3F9F];
	_ =	swait.ge [sflag:s4], $0x0  }
0x19: {  	s7 =	sld [smem:$0x3FA0]  }
0x1a: {  	s8 =	sadd.s32 $0xFFFFE003, lr  }
0x1b: {  	s9 =	sadd.s32 $0xFFFFFEF7, lr;
	s5 =	simm.s32 $0xFFFFFFFF;
	p2 =	slt.u32 s8, $0xFFFFF086  }
0x1c: {  	p1 =	slt.u32 s9, $0xF7A;
	s5 =	simm.s32 @!p2 $0x0  }
0x1d: {  	s5 =	simm.s32 @p1 $0x1;
	p0 =	seq.s32 s7, s2  }
0x1e: {  	s7 =	smul.u32 @!p0 $0xF7A, s2;
	p2 =	seq.s32 @!p0 s5, $0x0  }
0x1f: {  	s9 =	smul.u32 $0xF7A, s1;
	s8 =	simm.s32 @!p0 $0x1BF5;
	p2 =	por !p2, p0  }
0x20: {  	[sflag:s8] =	ssyncset.s32 @!p0 $0xFFFFF086;
	s6 =	sadd.s32 @!p0 s3, s7;
	s7 =	simm.s32 @!p0 $0x108  }
0x21: {  	s3 =	sadd.s32 s3, s9;
	s6 =	sadd.s32 @!p0 $0x88, s6;
	s7 =	simm.s32 @p2 $0x1082  }
0x22: {  	[simem:s7], [sflag:s8] =	dma.local @!p0 [hbm:s6], $0xF7A  }
0x23: {  	s9 =	sor.u32 $0xD0000000, s2;
	s6 =	simm.s32 $0x108;
	_ =	swait.ge @!p0 [sflag:s8], $0x0  }
0x24: {  	s3 =	sadd.s32 $0x88, s3;
	s6 =	simm.s32 @!p1 $0x1082;
	[sflag:s4] =	ssyncset.s32 $0xFFFFF086  }
0x25: {  	[simem:s6], [sflag:s4] =	dma.local [hbm:s3], $0xF7A  }
0x26: {  	[smem:$0x3FA0] =	sst s1;
	(tag) =	ssettag s2;
	_ =	strace s9  }
0x27: {  	s1 =	sld [smem:$0x3FB0]  }
0x28: {  	s2 =	sld [smem:$0x3FB1]  }
0x29: {  	s4 =	sld [smem:$0x3FB3]  }
0x2a: {  	p0 =	seq.s32 s5, $0x0;
	s5 =	sld [smem:$0x3FB4]  }
0x2b: {  	s6 =	sld [smem:$0x3FB5]  }
0x2c: {  	s7 =	sld [smem:$0x3FB6]  }
0x2d: {  	s3 =	simm.s32 $0x108;
	s8 =	sld [smem:$0x3FB7]  }
0x2e: {  	s3 =	simm.s32 @!p0 $0x1082;
	s9 =	sld [smem:$0x3FB8]  }
0x2f: {  	lr =	sadd.s32 s0, s3;
	s0 =	sld [smem:$0x3FAF]  }
0x30: {  	s3 =	sld [smem:$0x3FB2]  }
0x31: {  	[smem:$0x3FBB] =	sst s10  }
0x32: {  	s10 =	sld [smem:$0x3FB9];
	_ =	sdelay $0x3  }
0x33: {  	p0 =	seq.s32 s10, $0x1;
	s10 =	sld [smem:$0x3FBB];
	_ =	sdelay $0x3  }
0x34: {  	[smem:$0x3FBB] =	sst s10  }
0x35: {  	s10 =	sld [smem:$0x3FBA];
	_ =	sdelay $0x3  }
0x36: {  	p1 =	seq.s32 s10, $0x1;
	s10 =	sld [smem:$0x3FBB];
	_ =	sdelay $0x3  }
0x37: {  	[smem:$0x3FBB] =	sst s10  }
0x38: {  	s10 =	sld [smem:$0x3FBC]  }
0x39: {  	_ = 	snop;
	(pc) =	sbr.ind lr, $3  }
0x3a: {  	_ = 	snop  }
0x3b: {  	_ = 	snop  }
0x3c: {  	p2 =	seq.s32 s10, $0x1;
	s10 =	sld [smem:$0x3FBB]  }
0x3d: {  	_ =	shalt  }
0x3e: {  	_ =	shalt  }
0x3f: {  	_ =	shalt  }
0x40: {  	_ =	shalt  }
0x41: {  	_ =	shalt  }
0x42: {  	_ =	shalt  }
0x43: {  	_ =	shalt  }
0x44: {  	_ =	shalt  }
0x45: {  	_ =	shalt  }
0x46: {  	_ =	shalt  }
0x47: {  	_ =	shalt  }
0x48: {  	_ =	shalt  }
0x49: {  	_ =	shalt  }
0x4a: {  	_ =	shalt  }
0x4b: {  	_ =	shalt  }
0x4c: {  	_ =	shalt  }
0x4d: {  	_ =	shalt  }
0x4e: {  	_ =	shalt  }
0x4f: {  	_ =	shalt  }
0x50: {  	_ =	shalt  }
0x51: {  	_ =	shalt  }
0x52: {  	_ =	shalt  }
0x53: {  	_ =	shalt  }
0x54: {  	_ =	shalt  }
0x55: {  	_ =	shalt  }
0x56: {  	_ =	shalt  }
0x57: {  	_ =	shalt  }
0x58: {  	_ =	shalt  }
0x59: {  	_ =	shalt  }
0x5a: {  	_ =	shalt  }
0x5b: {  	_ =	shalt  }
0x5c: {  	_ =	shalt  }
0x5d: {  	_ =	shalt  }
0x5e: {  	_ =	shalt  }
0x5f: {  	_ =	shalt  }
0x60: {  	_ =	shalt  }
0x61: {  	_ =	shalt  }
0x62: {  	_ =	shalt  }
0x63: {  	_ =	shalt  }
0x64: {  	_ =	shalt  }
0x65: {  	_ =	shalt  }
0x66: {  	_ =	shalt  }
0x67: {  	_ =	shalt  }
0x68: {  	_ =	shalt  }
0x69: {  	_ =	shalt  }
0x6a: {  	_ =	shalt  }
0x6b: {  	_ =	shalt  }
0x6c: {  	_ =	shalt  }
0x6d: {  	_ =	shalt  }
0x6e: {  	_ =	shalt  }
0x6f: {  	_ =	shalt  }
0x70: {  	_ =	shalt  }
0x71: {  	_ =	shalt  }
0x72: {  	_ =	shalt  }
0x73: {  	_ =	shalt  }
0x74: {  	_ =	shalt  }
0x75: {  	_ =	shalt  }
0x76: {  	_ =	shalt  }
0x77: {  	_ =	shalt  }
0x78: {  	_ =	shalt  }
0x79: {  	_ =	shalt  }
0x7a: {  	_ =	shalt  }
0x7b: {  	_ =	shalt  }
0x7c: {  	_ =	shalt  }
0x7d: {  	_ =	shalt  }
0x7e: {  	_ =	shalt  }
0x7f: {  	_ =	shalt  }
0x80: {  	_ =	shalt  }
0x81: {  	_ =	shalt  }
0x82: {  	_ =	shalt  }
0x83: {  	_ =	shalt  }
0x84: {  	_ =	shalt  }
0x85: {  	_ =	shalt  }
0x86: {  	_ =	shalt  }
0x87: {  	_ =	shalt  }
.Lfunc_end0:
.L_simem_size_0:
called_computation_lowered:
.L_overlay_start_0:
0x88: {  	s2 =	sld [smem:$0x3FD9]  }
0x89: {  	s3 =	sld [smem:$0x3FFE];
	_ =	sdelay $0x1  }
0x8a: {  	s1 =	srdreg.scid  }
0x8b: {  	s0 =	sand.u32 $0x1, s1  }
0x8c: {  	s14 =	sshll.u32 s0, $0xA;
	s2 =	sadd.s32 s3, s2  }
0x8d: {  	s2 =	sadd.s32 s2, s14  }
0x8e: {  	[smem:$0x3FC7] =	sst s2  }
0x8f: {  	_ = 	snop  }
0x90: {  	s2 =	sld [smem:$0x3FD0];
	_ =	sdelay $0x2  }
0x91: {  	s15 =	simm.s32 $0xA;
	s4 =	simm.s32 $0x10  }
0x92: {  	[smem:s4], [sflag:s15] =	dma.local [hbm:s2], $0x1  }
0x93: {  	_ =	swait.eq [sflag:s15], $0x1  }
0x94: {  	[sflag:s15] =	ssyncset.done $0x0  }
0x95: {  	s16 =	sld [smem:$0x10];
	[sflag:s15] =	ssyncadd.s32 $0xFFFFFFFF  }
0x96: {  	s17 =	sld [smem:$0x11];
	(tm) =	ssettm $0x1  }
0x97: {  	s18 =	sld [smem:$0x3FFB];
	_ =	sdelay $0x3  }
0x98: {  	_ =	strace s18  }
0x99: {  	s4 =	sld [smem:$0x3FFC];
	_ =	sdelay $0x3  }
0x9a: {  	_ =	strace s4  }
0x9b: {  	s4 =	sld [smem:$0x3FFD];
	_ =	sdelay $0x3  }
0x9c: {  	_ =	strace s4  }
0x9d: {  	_ =	strace $0x8FFFFFFF  }
0x9e: {  	s19 =	sld [smem:$0x3FDB];
	_ =	sdelay $0x1  }
0x9f: {  	s5 =	simm.s32 $_scs_section_size  }
0xa0: {  	s6 =	simm.s32 $_size__tile_overlayer_lowered;
	s7 =	simm.s32 $_tile_overlayer_lowered  }
0xa1: {  	s22 =	simm.s32 $0x1BFF;
	s21 =	sshll.u32 s7, $0x1;
	s4 =	sadd.s32 s5, s19  }
0xa2: {  	s8 =	simm.s32 $0x0;
	s20 =	sshll.u32 s6, $0x1;
	s6 =	sadd.s32 s21, s4  }
0xa3: {  	[timem:s8], [sflag:s22] =	dma.local [hbm:s6], s20  }
0xa4: {  	_ =	swait.ge [sflag:s22], s20  }
0xa5: {  	s5 =	ssub.s32 $0x0, s20;
	[sflag:s22] =	ssyncset.done $0x0  }
0xa6: {  	[sflag:s22] =	ssyncadd.s32 s5;
	_ =	sdelay $0x1  }
0xa7: {  	s23 =	simm.s32 $0x1B8B  }
0xa8: {  	_ =	swait.ge [sflag:s23], $0x1  }
0xa9: {  	[sflag:s23] =	ssyncset.done $0x0  }
0xaa: {  	s25 =	simm.s32 $0x1B8E;
	s24 =	sld [smem:$0x3FFE];
	[sflag:s23] =	ssyncadd.s32 $0xFFFFFFFF  }
0xab: {  	s26 =	simm.s32 $execute0_lowered;
	[smem:$0x3FD2] =	sst s25  }
0xac: {  	s6 =	sshll.u32 s26, $0x1;
	_ =	strace $0x80000046;
	[dreg:$0x1] =	wrdreg $0xFFFFFFFF  }
0xad: {  	s28 =	simm.s32 $_size_execute0_lowered;
	s4 =	sadd.s32 s4, s6;
	[dreg:$0x0] =	wrdreg $0x0  }
0xae: {  	s6 =	sshll.u32 s28, $0x1;
	[dreg:$0x2] =	wrdreg s4  }
0xaf: {  	[dreg:$0x3] =	wrdreg s6  }
0xb0: {  	[dreg:$0x4] =	wrdreg $0xC0  }
0xb1: {  	_ =	task [dreg:s8], $0x5FFFF  }
0xb2: {  	[dreg:$0x1] =	wrdreg $0xFFFFFFFF  }
0xb3: {  	[dreg:$0x0] =	wrdreg $0x60  }
0xb4: {  	[dreg:$0x2] =	wrdreg s24  }
0xb5: {  	[dreg:$0x3] =	wrdreg s16  }
0xb6: {  	[dreg:$0x4] =	wrdreg s17  }
0xb7: {  	[dreg:$0x5] =	wrdreg $0x9  }
0xb8: {  	_ =	task.clear_ibuf [dreg:s8], $0x6FFFF;
	_ =	strace $0x90000046  }
0xb9: {  	s29 =	simm.s32 $0x9;
	_ =	strace $0x80000048  }
0xba: {  	_ =	swait.ge [sflag:s29], $0x1  }
0xbb: {  	[sflag:s29] =	ssyncadd.s32 $0xFFFFFFFF  }
0xbc: {  	_ =	strace $0x90000048  }
0xbd: {  	_ =	sfence  }
0xbe: {  	s30 =	sld [smem:$0x0];
	_ =	sdelay $0x2  }
0xbf: {  	s31 =	sshll.u32 s1, $0xD;
	s1 =	sshrl.u32 s1, $0x2  }
0xc0: {  	s3 =	sand.u32 $0x4000, s31;
	s1 =	sadd.s32 s1, s30  }
0xc1: {  	s0 =	sor.u32 s3, s0;
	s1 =	sshll.u32 s1, $0x11  }
0xc2: {  	s0 =	sor.u32 s1, s0  }
0xc3: {  	s0 =	sadd.s32 $0x8F2B, s0  }
0xc4: {  	[sflag:s0] =	ssyncadd.remote.s32 $0x1  }
0xc5: {  	_ =	sfence.sel $0xFFFF  }
0xc6: {  	[dreg:$0x0] =	wrdreg $0xFFFFFFFF;
	(pc) =	sbr.abs _section_cstart, $3  }
0xc7: {  	[dreg:$0x1] =	wrdreg $0xFFFFFFFF  }
0xc8: {  	_ =	task.clear_ibuf [dreg:s8], $0x2FFFF;
	_ =	strace $0x9FFFFFFF  }
0xc9: {  	(tm) =	ssettm $0x7FFFFFFF  }
tec
execute0_lowered:
.L_overlay_start_1:
0x0: {  	(tag) =	ssettag $0x1  }
0x1: {  	s3 =	rddreg [dreg:$0x0]  }
0x2: {  	s6 =	rddreg [dreg:$0x1];
	s1 =	srdreg.scid  }
0x3: {  	s0 =	stileid.u32;
	s7 =	rddreg [dreg:$0x2];
	s2 =	simm.s32 $0x0  }
0x4: {  	s12 =	simm.s32 $0x1A8C0;
	s4 =	sand.u32 $0x1, s1;
	s5 =	sshll.u32 s0, $0x1  }
0x5: {  	s13 =	simm.s32 $0x18000;
	s14 =	simm.s32 $0x1A000;
	s5 =	sor.u32 s4, s5  }
0x6: {  	s15 =	simm.s32 $0x1A460;
	s16 =	simm.s32 $0x1A980;
	s8 =	smul.u32 $0xC000, s5  }
0x7: {  	s17 =	simm.s32 $0x0;
	s1 =	rddreg [dreg:$0x3];
	s10 =	smul.u32 $0x300, s5  }
0x8: {  	[smem:$0x7FF] =	sst s2;
	s4 =	ssub.s32 $0x2, s4;
	s11 =	smul.u32 $0x18, s5  }
.Ltmp0:
0x9: {  	_ =	strace $0x80000047;
	s9 =	sshrl.u32 s4, $0x1;
	(pc) =	sbr.rel .LBB2_1-.Ltmp0, $4  }
0xa: {  	s9 =	ssub.s32 s4, s9;
	s8 =	sshrl.u32 s8, $0x3;
	s6 =	sadd.s32 s6, s10  }
0xb: {  	s7 =	sadd.s32 s7, s11;
	s10 =	simm.s32 $0x4000;
	s8 =	sadd.s32 s8, s3  }
0xc: {  	v0 =	vimm.f32 $+Inf;
	v1 =	vlaneseq.u32;
	s11 =	simm.s32 $0x8000;
	s3 =	sadd.s32 $0xA00, s8;
	s4 =	sadd.s32 $0x1200, s8  }
0xd: {  	v2 =	vimm.s32 $0x0;
	v3 =	vimm.s32 $0x1;
	v4 =	vimm.s32 $0x7FFFFFFF;
	s5 =	sadd.s32 $0x1A00, s8;
	s8 =	smax.u32 s9, $0x1;
	s9 =	simm.s32 $0x1  }
.LBB2_32:
0xe: {  	[hbm4b:s6+s2] =	stream.linear.scatter [tilespmem:s16], [sflag:$0x1], $0x1800, $0x38;
	[tilespmem:$0x1C180] =	vst v63  }
0xf: {  	s17 =	sadd.s32 $0x1, s17;
	_ =	swait.ge [sflag:s9], $0x1800  }
0x10: {  	p0 =	sne.s32 s17, s8;
	[sflag:s9] =	ssyncset.done $0x0  }
.Ltmp1:
0x11: {  	[sflag:s9] =	ssyncadd.s32 $0xFFFFE800;
	(pc) =	sbr.rel @!p0 .LBB2_33-.Ltmp1, $4  }
0x12: {  	[hbm4b:s7+s2] =	stream.linear.scatter [tilespmem:s12], [sflag:$0x1], $0xC0, $0x38;
	[tilespmem:$0x1C180] =	vst v63  }
0x13: {  	_ =	swait.ge [sflag:s9], $0xC0  }
0x14: {  	[sflag:s9] =	ssyncset.done $0x0  }
0x15: {  	[sflag:s9] =	ssyncadd.s32 $0xFFFFFF40  }
.LBB2_1:
0x16: {  	[tilespmem:s2], [sflag:$0x1] =	stream.linear.gather [hbm4b:s3+s2], $0x4000, $0x38;
	[tilespmem:$0x1C180] =	vst v63  }
0x17: {  	_ =	swait.ge [sflag:s9], $0x4000  }
0x18: {  	[sflag:s9] =	ssyncset.done $0x0  }
0x19: {  	[sflag:s9] =	ssyncadd.s32 $0xFFFFC000  }
0x1a: {  	[tilespmem:s10], [sflag:$0x1] =	stream.linear.gather [hbm4b:s4+s2], $0x4000, $0x38;
	[tilespmem:$0x1C180] =	vst v63  }
0x1b: {  	_ =	swait.ge [sflag:s9], $0x4000  }
0x1c: {  	[sflag:s9] =	ssyncset.done $0x0  }
0x1d: {  	[sflag:s9] =	ssyncadd.s32 $0xFFFFC000  }
0x1e: {  	[tilespmem:s11], [sflag:$0x1] =	stream.linear.gather [hbm4b:s5+s2], $0x4000, $0x38;
	[tilespmem:$0x1C180] =	vst v63  }
0x1f: {  	_ =	swait.ge [sflag:s9], $0x4000  }
0x20: {  	[sflag:s9] =	ssyncset.done $0x0  }
0x21: {  	s18 =	simm.s32 $0x0;
	[sflag:s9] =	ssyncadd.s32 $0xFFFFC000  }
0x22: {  	v5 =	vld [tilespmem:s18+$0x70]  }
0x23: {  	v6 =	vld [tilespmem:s18+$0x4070]  }
0x24: {  	v7 =	vld [tilespmem:s18+$0x0]  }
0x25: {  	v8 =	vld [tilespmem:s18+$0x8070]  }
0x26: {  	v9 =	vld [tilespmem:s18+$0x4000]  }
0x27: {  	v10 =	vld [tilespmem:s18+$0x10]  }
0x28: {  	v11 =	vld [tilespmem:s18+$0x4010]  }
0x29: {  	v12 =	vld [tilespmem:s18+$0x20]  }
0x2a: {  	v13 =	vld [tilespmem:s18+$0x4020]  }
0x2b: {  	v14 =	vld [tilespmem:s18+$0x30]  }
0x2c: {  	v15 =	vld [tilespmem:s18+$0x4030];
	v5 =	vmul.f32 v5, v5;
	v6 =	vmul.f32 v6, v6  }
0x2d: {  	v16 =	vld [tilespmem:s18+$0x50]  }
0x2e: {  	v17 =	vld [tilespmem:s18+$0x4050];
	v5 =	vadd.f32 v6, v5;
	v6 =	vmul.f32 v8, v8  }
0x2f: {  	v8 =	vld [tilespmem:s18+$0x40]  }
0x30: {  	v18 =	vld [tilespmem:s18+$0x60];
	v5 =	vadd.f32 v6, v5  }
0x31: {  	[tilespmem:s18+$0x10000] =	vst v0;
	v19 =	vld [tilespmem:s18+$0x4060];
	v11 =	vmul.f32 v11, v11;
	v20 =	vmul.f32 v12, v12  }
0x32: {  	v6 =	vld [tilespmem:s18+$0x4040];
	[tilespmem:s18+$0xC070] =	vst v5;
	v5 =	vmul.f32 v7, v7;
	v7 =	vmul.f32 v9, v9  }
0x33: {  	[tilespmem:s18+$0x10010] =	vst v0;
	v13 =	vmul.f32 v13, v13;
	v9 =	vmul.f32 v10, v10;
	v10 =	vld [tilespmem:s18+$0x8000]  }
0x34: {  	[tilespmem:s18+$0x10020] =	vst v0;
	v21 =	vld [tilespmem:s18+$0x8010];
	v14 =	vmul.f32 v14, v14;
	v8 =	vmul.f32 v8, v8;
	v23 =	vadd.f32 v7, v5  }
0x35: {  	[tilespmem:s18+$0x10030] =	vst v0;
	v22 =	vld [tilespmem:s18+$0x8020];
	v7 =	vmul.f32 v15, v15;
	v5 =	vadd.f32 v11, v9;
	v11 =	vmul.f32 v16, v16  }
0x36: {  	[tilespmem:s18+$0x10040] =	vst v0;
	v15 =	vld [tilespmem:s18+$0x8030];
	v16 =	vmul.f32 v17, v17;
	v17 =	vmul.f32 v18, v18  }
0x37: {  	[tilespmem:s18+$0x10050] =	vst v0;
	v12 =	vld [tilespmem:s18+$0x8040];
	v18 =	vmul.f32 v19, v19;
	v9 =	vmul.f32 v6, v6  }
0x38: {  	[tilespmem:s18+$0x10060] =	vst v0;
	v6 =	vadd.f32 v13, v20;
	v13 =	vld [tilespmem:s18+$0x8050];
	v7 =	vadd.f32 v7, v14;
	v19 =	vmul.f32 v10, v10  }
0x39: {  	s19 =	simm.s32 $0x80;
	[tilespmem:s18+$0x10070] =	vst v0;
	v14 =	vld [tilespmem:s18+$0x8060];
	v9 =	vadd.f32 v9, v8;
	v8 =	vadd.f32 v16, v11;
	v16 =	vmul.f32 v21, v21  }
0x3a: {  	s20 =	simm.s32 $0x400;
	[tilespmem:s19+$0x10000] =	vst v0;
	v10 =	vadd.f32 v18, v17;
	v11 =	vld [tilespmem:s19+$0x70];
	v17 =	vmul.f32 v22, v22;
	v18 =	vadd.f32 v19, v23  }
.LBB2_2:
0x3b: {  	p0 =	sne.s32 s20, $0xFE00;
	[tilespmem:s19+$0x10010] =	vst v0;
	v19 =	vld [tilespmem:s19+$0x4070];
	v5 =	vadd.f32 v16, v5;
	v15 =	vmul.f32 v15, v15  }
0x3c: {  	v16 =	vld [tilespmem:s19+$0x0];
	[tilespmem:s18+$0xC000] =	vst v18;
	v6 =	vadd.f32 v17, v6;
	v12 =	vmul.f32 v12, v12  }
0x3d: {  	v17 =	vld [tilespmem:s19+$0x8070];
	[tilespmem:s18+$0xC010] =	vst v5;
	v5 =	vadd.f32 v15, v7;
	v7 =	vmul.f32 v13, v13  }
0x3e: {  	v13 =	vld [tilespmem:s19+$0x4000];
	[tilespmem:s18+$0xC020] =	vst v6;
	v6 =	vadd.f32 v12, v9;
	v9 =	vmul.f32 v14, v14  }
0x3f: {  	v12 =	vld [tilespmem:s19+$0x10];
	[tilespmem:s18+$0xC030] =	vst v5;
	v5 =	vadd.f32 v7, v8  }
0x40: {  	v8 =	vmul.f32 v11, v11;
	v7 =	vld [tilespmem:s19+$0x4010];
	v11 =	vmul.f32 v19, v19;
	[tilespmem:s18+$0xC040] =	vst v6;
	v6 =	vadd.f32 v9, v10  }
0x41: {  	v9 =	vmul.f32 v16, v16;
	v10 =	vld [tilespmem:s19+$0x20];
	[tilespmem:s18+$0xC050] =	vst v5  }
0x42: {  	v14 =	vld [tilespmem:s19+$0x4020];
	v5 =	vadd.f32 v11, v8;
	v8 =	vmul.f32 v17, v17;
	[tilespmem:s18+$0xC060] =	vst v6;
	s18 =	smov.u32 s19  }
0x43: {  	v6 =	vmul.f32 v13, v13;
	[tilespmem:s18+$0x10020] =	vst v0;
	v11 =	vld [tilespmem:s18+$0x30]  }
0x44: {  	v12 =	vmul.f32 v12, v12;
	v13 =	vld [tilespmem:s18+$0x4030];
	[tilespmem:s18+$0x10030] =	vst v0;
	v5 =	vadd.f32 v8, v5  }
0x45: {  	v17 =	vadd.f32 v6, v9;
	v6 =	vmul.f32 v7, v7;
	v7 =	vld [tilespmem:s18+$0x40];
	[tilespmem:s18+$0x10040] =	vst v0  }
0x46: {  	v8 =	vmul.f32 v10, v10;
	v9 =	vld [tilespmem:s18+$0x4040];
	[tilespmem:s18+$0xC070] =	vst v5  }
0x47: {  	v5 =	vadd.f32 v6, v12;
	v6 =	vmul.f32 v14, v14;
	v10 =	vld [tilespmem:s18+$0x50];
	[tilespmem:s18+$0x10050] =	vst v0  }
0x48: {  	v11 =	vmul.f32 v11, v11;
	v12 =	vld [tilespmem:s18+$0x4050];
	[tilespmem:s18+$0x10060] =	vst v0  }
0x49: {  	v6 =	vadd.f32 v6, v8;
	v8 =	vmul.f32 v13, v13;
	v13 =	vld [tilespmem:s18+$0x60];
	[tilespmem:s18+$0x10070] =	vst v0  }
0x4a: {  	v14 =	vmul.f32 v7, v7;
	v16 =	vld [tilespmem:s18+$0x4060]  }
0x4b: {  	v18 =	vld [tilespmem:s18+$0x8000];
	v7 =	vadd.f32 v8, v11;
	v8 =	vmul.f32 v9, v9  }
0x4c: {  	v11 =	vld [tilespmem:s18+$0x8010];
	v10 =	vmul.f32 v10, v10  }
0x4d: {  	v19 =	vld [tilespmem:s18+$0x8020];
	v9 =	vadd.f32 v8, v14;
	v8 =	vmul.f32 v12, v12  }
.Ltmp2:
0x4e: {  	v15 =	vld [tilespmem:s18+$0x8030];
	v20 =	vmul.f32 v13, v13;
	(pc) =	sbr.rel @p0 .LBB2_2-.Ltmp2, $4  }
0x4f: {  	v12 =	vld [tilespmem:s18+$0x8040];
	v8 =	vadd.f32 v8, v10;
	v10 =	vmul.f32 v16, v16  }
0x50: {  	v18 =	vmul.f32 v18, v18;
	v13 =	vld [tilespmem:s18+$0x8050]  }
0x51: {  	s19 =	sshra.s32 s20, $0x2;
	v16 =	vmul.f32 v11, v11;
	v14 =	vld [tilespmem:s18+$0x8060];
	v10 =	vadd.f32 v10, v20  }
0x52: {  	s20 =	sadd.s32 $0x200, s20;
	[tilespmem:s19+$0x10000] =	vst v0;
	v11 =	vld [tilespmem:s19+$0x70];
	v18 =	vadd.f32 v18, v17;
	v17 =	vmul.f32 v19, v19  }
0x53: {  	[tilespmem:s19+$0x10010] =	vst v0;
	v19 =	vld [tilespmem:s19+$0x4070];
	v5 =	vadd.f32 v16, v5;
	v15 =	vmul.f32 v15, v15  }
0x54: {  	v20 =	vld [tilespmem:s19+$0x0];
	[tilespmem:s18+$0xC000] =	vst v18;
	v6 =	vadd.f32 v17, v6;
	v12 =	vmul.f32 v12, v12  }
0x55: {  	v35 =	vld [tilespmem:s19+$0x8070];
	[tilespmem:s18+$0xC010] =	vst v5;
	v7 =	vadd.f32 v15, v7;
	v13 =	vmul.f32 v13, v13  }
0x56: {  	v5 =	vld [tilespmem:s19+$0x4000];
	[tilespmem:s18+$0xC020] =	vst v6;
	v9 =	vadd.f32 v12, v9;
	v36 =	vmul.f32 v14, v14  }
0x57: {  	v6 =	vld [tilespmem:s19+$0x10];
	[tilespmem:s18+$0xC030] =	vst v7;
	v8 =	vadd.f32 v13, v8  }
0x58: {  	v7 =	vld [tilespmem:s19+$0x4010];
	[tilespmem:s18+$0xC040] =	vst v9;
	v10 =	vadd.f32 v36, v10  }
0x59: {  	v9 =	vld [tilespmem:s19+$0x20];
	[tilespmem:s18+$0xC050] =	vst v8  }
0x5a: {  	v8 =	vld [tilespmem:s19+$0x4020];
	[tilespmem:s18+$0xC060] =	vst v10  }
0x5b: {  	v39 =	vld [tilespmem:s19+$0x30]  }
0x5c: {  	v40 =	vld [tilespmem:s19+$0x4030]  }
0x5d: {  	v42 =	vld [tilespmem:s19+$0x40]  }
0x5e: {  	v43 =	vld [tilespmem:s19+$0x4040]  }
0x5f: {  	v44 =	vld [tilespmem:s19+$0x50]  }
0x60: {  	v37 =	vmul.f32 v11, v11;
	v45 =	vld [tilespmem:s19+$0x4050]  }
0x61: {  	v38 =	vmul.f32 v19, v19;
	v48 =	vmul.f32 v20, v20;
	v46 =	vld [tilespmem:s19+$0x60]  }
0x62: {  	v41 =	vmul.f32 v35, v35;
	v5 =	vmul.f32 v5, v5;
	v49 =	vld [tilespmem:s19+$0x8000]  }
0x63: {  	v10 =	vadd.f32 v38, v37;
	v50 =	vld [tilespmem:s19+$0x8010];
	v6 =	vmul.f32 v6, v6;
	v7 =	vmul.f32 v7, v7  }
0x64: {  	v21 =	vld [tilespmem:s19+$0x8020];
	v9 =	vmul.f32 v9, v9;
	v8 =	vmul.f32 v8, v8  }
0x65: {  	[tilespmem:s19+$0x10020] =	vst v0;
	v51 =	vld [tilespmem:s19+$0x8030];
	v10 =	vadd.f32 v41, v10;
	v12 =	vmul.f32 v39, v39;
	v13 =	vmul.f32 v40, v40  }
0x66: {  	[tilespmem:s19+$0x10030] =	vst v0;
	v47 =	vld [tilespmem:s19+$0x4060];
	v6 =	vadd.f32 v7, v6;
	v7 =	vmul.f32 v42, v42;
	v11 =	vmul.f32 v43, v43  }
0x67: {  	v52 =	vld [tilespmem:s19+$0x8040];
	[tilespmem:s19+$0xC070] =	vst v10;
	v54 =	vmul.f32 v49, v49;
	v10 =	vmul.f32 v44, v44  }
0x68: {  	[tilespmem:s19+$0x10040] =	vst v0;
	v55 =	vld [tilespmem:s19+$0x8050];
	v5 =	vadd.f32 v5, v48;
	v56 =	vmul.f32 v50, v50;
	v58 =	vmul.f32 v45, v45  }
0x69: {  	[tilespmem:s19+$0x10050] =	vst v0;
	v57 =	vld [tilespmem:s19+$0x8060];
	v59 =	vmul.f32 v21, v21;
	v16 =	vmul.f32 v46, v46  }
0x6a: {  	[tilespmem:s19+$0x10060] =	vst v0;
	v60 =	vmul.f32 v51, v51;
	v8 =	vadd.f32 v8, v9;
	v5 =	vadd.f32 v54, v5  }
0x6b: {  	[tilespmem:s19+$0x10070] =	vst v0;
	v17 =	vmul.f32 v47, v47;
	v53 =	vadd.f32 v13, v12;
	v6 =	vadd.f32 v56, v6  }
0x6c: {  	v61 =	vmul.f32 v52, v52;
	v7 =	vadd.f32 v11, v7;
	[tilespmem:s19+$0xC000] =	vst v5;
	v5 =	vadd.f32 v59, v8  }
0x6d: {  	v62 =	vmul.f32 v55, v55;
	v10 =	vadd.f32 v58, v10;
	[tilespmem:s19+$0xC010] =	vst v6;
	v6 =	vadd.f32 v60, v53  }
0x6e: {  	v63 =	vadd.f32 v17, v16;
	[tilespmem:s19+$0xC020] =	vst v5;
	v5 =	vadd.f32 v61, v7;
	v7 =	vmul.f32 v57, v57  }
0x6f: {  	[tilespmem:s19+$0xC030] =	vst v6;
	v6 =	vadd.f32 v62, v10  }
0x70: {  	[tilespmem:s19+$0xC040] =	vst v5;
	v5 =	vadd.f32 v7, v63  }
0x71: {  	[tilespmem:s19+$0xC050] =	vst v6  }
0x72: {  	s20 =	simm.s32 $0x0;
	[tilespmem:s19+$0xC060] =	vst v5;
	s19 =	simm.s32 $0x0  }
.LBB2_4:
0x73: {  	v7 =	vmov s20;
	_ =	sdelay $0x2  }
0x74: {  	s18 =	smul.u32 $0x3, s19;
	_ =	sdelay $0x1  }
0x75: {  	v8 =	vmov s18;
	s26 =	sadd.s32 $0x1, s18;
	v5 =	vld.idx.msk [tilespmem:v7+s2+$0x0], $0xffff  }
0x76: {  	s18 =	sadd.s32 $0x2, s18;
	v9 =	vmov s26;
	v6 =	vld.idx.msk [tilespmem:v7+s10+$0x0], $0xffff  }
0x77: {  	v10 =	vmov s18;
	v7 =	vld.idx.msk [tilespmem:v7+s11+$0x0], $0xffff;
	_ =	sdelay $0x2  }
0x78: {  	[tilespmem:v8+s12+$0x0] =	vst.idx.msk $0x1, v5  }
0x79: {  	[tilespmem:v9+s12+$0x0] =	vst.idx.msk $0x1, v6  }
0x7a: {  	s22 =	simm.s32 $0x4040;
	[tilespmem:v10+s12+$0x0] =	vst.idx.msk $0x1, v7  }
0x7b: {  	v8 =	vld [tilespmem:s22+$0xFFFFFFF0]  }
0x7c: {  	s18 =	simm.s32 $0x8040;
	v10 =	vld [tilespmem:s22+$0x30]  }
0x7d: {  	v11 =	vld [tilespmem:s18+$0xFFFFFFF0]  }
0x7e: {  	v12 =	vld [tilespmem:s18+$0xFFFFFFD0]  }
0x7f: {  	v13 =	vld [tilespmem:s18+$0xFFFFFFC0]  }
0x80: {  	v9 =	vld [tilespmem:s18+$0xFFFFFFE0]  }
0x81: {  	v14 =	vld [tilespmem:s18+$0x10]  }
0x82: {  	s23 =	simm.s32 $0x40;
	v15 =	vld [tilespmem:s18+$0x0]  }
0x83: {  	v16 =	vld [tilespmem:s23+$0x0]  }
0x84: {  	v17 =	vld [tilespmem:s22+$0x0]  }
0x85: {  	v18 =	vld [tilespmem:s22+$0x10]  }
0x86: {  	v20 =	vld [tilespmem:s23+$0x10];
	v19 =	vsub.f32 v8, v6  }
0x87: {  	v22 =	vld [tilespmem:s23+$0x20];
	v21 =	vsub.f32 v9, v7;
	v14 =	vsub.f32 v14, v7  }
0x88: {  	v13 =	vsub.f32 v13, v7;
	v15 =	vsub.f32 v15, v7  }
0x89: {  	v23 =	vld [tilespmem:s22+$0x20];
	v16 =	vsub.f32 v16, v5;
	v24 =	vsub.f32 v12, v7  }
0x8a: {  	v25 =	vld [tilespmem:s18+$0x20];
	v17 =	vsub.f32 v17, v6;
	v11 =	vsub.f32 v11, v7  }
0x8b: {  	v26 =	vld [tilespmem:s18+$0x30];
	v9 =	vimm.f32 $-Inf;
	v18 =	vsub.f32 v18, v6;
	v20 =	vsub.f32 v20, v5  }
0x8c: {  	s20 =	simm.s32 $0x70;
	v28 =	vld [tilespmem:s22+$0xFFFFFFE0];
	v8 =	vimm.s32 $0x0;
	v27 =	vsub.f32 v10, v6;
	v22 =	vsub.f32 v22, v5  }
0x8d: {  	v10 =	vor.u32 s20, v1;
	v19 =	vmul.f32 v19, v19;
	v16 =	vmul.f32 v16, v16  }
0x8e: {  	v12 =	vld [tilespmem:s23+$0x30];
	v23 =	vsub.f32 v23, v6;
	v17 =	vmul.f32 v17, v17;
	v21 =	vmul.f32 v21, v21  }
0x8f: {  	v56 =	vld [tilespmem:s23+$0xFFFFFFD0];
	v25 =	vsub.f32 v25, v7;
	v18 =	vmul.f32 v18, v18;
	v15 =	vmul.f32 v15, v15  }
0x90: {  	v31 =	vld [tilespmem:s23+$0xFFFFFFF0];
	v26 =	vsub.f32 v26, v7;
	v22 =	vmul.f32 v22, v22;
	v23 =	vmul.f32 v23, v23  }
0x91: {  	v55 =	vld [tilespmem:s23+$0xFFFFFFE0];
	v28 =	vsub.f32 v28, v6;
	v11 =	vmul.f32 v11, v11;
	v14 =	vmul.f32 v14, v14  }
0x92: {  	v30 =	vld [tilespmem:s22+$0xFFFFFFC0];
	v26 =	vmul.f32 v26, v26;
	v16 =	vadd.f32 v17, v16;
	v17 =	vmul.f32 v20, v20  }
0x93: {  	v20 =	vld [tilespmem:s22+$0xFFFFFFD0];
	v22 =	vadd.f32 v23, v22;
	v23 =	vmul.f32 v25, v25;
	v12 =	vsub.f32 v12, v5  }
0x94: {  	v32 =	vld [tilespmem:s23+$0xFFFFFFC0];
	v25 =	vsub.f32 v56, v5;
	v17 =	vadd.f32 v18, v17;
	v18 =	vmul.f32 v27, v27  }
0x95: {  	s21 =	simm.s32 $0x10040;
	v22 =	vadd.f32 v23, v22;
	v23 =	vsub.f32 v31, v5;
	v12 =	vmul.f32 v12, v12  }
0x96: {  	v29 =	vld [tilespmem:s21+$0x0];
	v28 =	vmul.f32 v28, v28;
	v14 =	vadd.f32 v14, v17;
	v17 =	vsub.f32 v55, v5  }
0x97: {  	v24 =	vmul.f32 v24, v24;
	v18 =	vadd.f32 v18, v12;
	v12 =	vadd.f32 v15, v16;
	v15 =	vld [tilespmem:s21+$0x10]  }
0x98: {  	v57 =	vld [tilespmem:s21+$0x30];
	v23 =	vmul.f32 v23, v23;
	v16 =	vsub.f32 v20, v6;
	v20 =	vsub.f32 v30, v6  }
0x99: {  	v60 =	vld [tilespmem:s21+$0xFFFFFFF0];
	v59 =	vsub.f32 v32, v5;
	v13 =	vmul.f32 v13, v13;
	v61 =	vmul.f32 v17, v17  }
0x9a: {  	v58 =	vld [tilespmem:s21+$0x20];
	v25 =	vmul.f32 v25, v25;
	v19 =	vadd.f32 v19, v23;
	v20 =	vmul.f32 v20, v20  }
0x9b: {  	v62 =	vld [tilespmem:s21+$0xFFFFFFE0];
	v16 =	vmul.f32 v16, v16;
	v18 =	vadd.f32 v26, v18;
	v23 =	vadd.f32 v28, v61  }
0x9c: {  	v11 =	vadd.f32 v11, v19;
	v17 =	vmin.f32 v15, v14;
	v14 =	vld [tilespmem:s21+$0xFFFFFFD0];
	v15 =	vmul.f32 v59, v59  }
0x9d: {  	v63 =	vld [tilespmem:s21+$0xFFFFFFC0];
	v12 =	vmin.f32 v29, v12;
	v16 =	vadd.f32 v16, v25;
	v18 =	vmin.f32 v57, v18  }
0x9e: {  	s28 =	simm.s32 $0x30;
	s30 =	simm.s32 $0x0;
	[tilespmem:s21+$0x0] =	vst v12;
	v19 =	vadd.f32 v21, v23;
	v11 =	vmin.f32 v60, v11;
	v15 =	vadd.f32 v20, v15  }
0x9f: {  	[tilespmem:s21+$0x30] =	vst v18;
	v21 =	vor.u32 s28, v1;
	v23 =	vor.u32 s30, v1;
	v16 =	vadd.f32 v24, v16  }
0xa0: {  	[tilespmem:s21+$0x10] =	vst v17;
	vm1 =	vgt.f32 v11, v9;
	v20 =	vmin.f32 v58, v22;
	v13 =	vadd.f32 v13, v15  }
0xa1: {  	[tilespmem:s21+$0xFFFFFFF0] =	vst v11;
	v15 =	vmin.f32 v62, v19;
	v19 =	vsel vm1, v11, v9;
	v22 =	vmin.f32 v14, v16  }
0xa2: {  	s29 =	simm.s32 $0x20;
	[tilespmem:s21+$0x20] =	vst v20;
	vm3 =	vgt.f32 v15, v9;
	vm0 =	vgt.f32 v18, v19;
	v11 =	vmin.f32 v63, v13  }
0xa3: {  	s31 =	simm.s32 $0x60;
	[tilespmem:s21+$0xFFFFFFE0] =	vst v15;
	vm2 =	vgt.f32 v22, v9;
	v13 =	vor.u32 s29, v1;
	vm4 =	vgt.f32 v11, v9  }
0xa4: {  	s25 =	simm.s32 $0x10;
	[tilespmem:s21+$0xFFFFFFD0] =	vst v22;
	v14 =	vsel vm3, v13, v8;
	v13 =	vsel vm3, v15, v9;
	v15 =	vor.u32 s31, v1  }
0xa5: {  	s24 =	simm.s32 $0x40C0;
	s23 =	simm.s32 $0xC0;
	s22 =	simm.s32 $0xF0;
	[tilespmem:s21+$0xFFFFFFC0] =	vst v11;
	v16 =	vsel vm4, v11, v9;
	v23 =	vsel vm4, v23, v8;
	v11 =	vimm.s32 $0x0  }
.LBB2_5:
0xa6: {  	v24 =	vld [tilespmem:s24+$0xFFFFFFF0];
	s26 =	sadd.s32 $0xFFFFFFD0, s20;
	v8 =	vsel vm1, v21, v8;
	vm1 =	vgt.f32 v12, v16;
	vm3 =	vgt.f32 v20, v13;
	s21 =	sadd.s32 $0x80, s21;
	s18 =	sadd.s32 $0x80, s18  }
0xa7: {  	p0 =	sne.s32 s22, $0x3FF0;
	v21 =	vld [tilespmem:s24+$0x30];
	v25 =	vor.u32 s26, v1;
	v13 =	vsel vm3, v20, v13;
	v14 =	vsel vm3, v15, v14;
	s26 =	smov.u32 s22;
	s22 =	sadd.s32 $0x80, s22  }
0xa8: {  	v9 =	vsel vm2, v22, v9;
	v22 =	vor.u32 s25, v1;
	v20 =	vld [tilespmem:s18+$0xFFFFFFF0];
	v15 =	vsel vm1, v25, v23  }
0xa9: {  	s25 =	sadd.s32 $0xFFFFFFE0, s20;
	v11 =	vsel vm2, v22, v11;
	vm2 =	vgt.f32 v17, v9;
	v8 =	vsel vm0, v10, v8;
	s20 =	smov.u32 s26;
	v23 =	vld [tilespmem:s18+$0xFFFFFFD0]  }
0xaa: {  	v19 =	vsel vm0, v18, v19;
	v16 =	vsel vm1, v12, v16;
	v12 =	vor.u32 s25, v1;
	v10 =	vld [tilespmem:s18+$0xFFFFFFC0]  }
0xab: {  	v9 =	vsel vm2, v17, v9;
	v11 =	vsel vm2, v12, v11;
	v18 =	vsub.f32 v24, v6;
	v22 =	vld [tilespmem:s18+$0xFFFFFFE0]  }
0xac: {  	v17 =	vld [tilespmem:s21+$0x10]  }
0xad: {  	v12 =	vld [tilespmem:s18+$0x10];
	v18 =	vmul.f32 v18, v18  }
0xae: {  	v24 =	vld [tilespmem:s18+$0x0]  }
0xaf: {  	v25 =	vld [tilespmem:s23+$0x0]  }
0xb0: {  	v26 =	vld [tilespmem:s24+$0x0]  }
0xb1: {  	v27 =	vld [tilespmem:s24+$0x10]  }
0xb2: {  	v22 =	vsub.f32 v22, v7;
	v28 =	vld [tilespmem:s23+$0x10];
	v12 =	vsub.f32 v12, v7  }
0xb3: {  	v30 =	vsub.f32 v10, v7;
	v29 =	vld [tilespmem:s23+$0x20];
	v24 =	vsub.f32 v24, v7  }
0xb4: {  	v23 =	vsub.f32 v23, v7;
	v10 =	vsub.f32 v25, v5;
	v25 =	vld [tilespmem:s24+$0x20]  }
0xb5: {  	v20 =	vsub.f32 v20, v7;
	v31 =	vld [tilespmem:s23+$0x30];
	v26 =	vsub.f32 v26, v6  }
0xb6: {  	v27 =	vsub.f32 v27, v6;
	v32 =	vld [tilespmem:s18+$0x20];
	v33 =	vmul.f32 v10, v10  }
0xb7: {  	v21 =	vsub.f32 v21, v6;
	v28 =	vsub.f32 v28, v5;
	v34 =	vld [tilespmem:s18+$0x30];
	v26 =	vmul.f32 v26, v26  }
0xb8: {  	v22 =	vmul.f32 v22, v22;
	v10 =	vor.u32 s20, v1;
	v29 =	vsub.f32 v29, v5;
	v35 =	vld [tilespmem:s24+$0xFFFFFFE0]  }
0xb9: {  	v25 =	vsub.f32 v25, v6;
	v36 =	vld [tilespmem:s21+$0x0];
	v26 =	vadd.f32 v26, v33;
	v28 =	vmul.f32 v28, v28  }
0xba: {  	v24 =	vmul.f32 v24, v24;
	v27 =	vmul.f32 v27, v27;
	v31 =	vsub.f32 v31, v5;
	v33 =	vld [tilespmem:s24+$0xFFFFFFD0]  }
0xbb: {  	v29 =	vmul.f32 v29, v29;
	v37 =	vld [tilespmem:s24+$0xFFFFFFC0];
	v32 =	vsub.f32 v32, v7;
	v25 =	vmul.f32 v25, v25  }
0xbc: {  	v21 =	vmul.f32 v21, v21;
	v27 =	vadd.f32 v27, v28;
	v38 =	vld [tilespmem:s23+$0xFFFFFFF0];
	v28 =	vmul.f32 v31, v31  }
0xbd: {  	v34 =	vsub.f32 v34, v7;
	v31 =	vld [tilespmem:s23+$0xFFFFFFE0];
	v25 =	vadd.f32 v25, v29;
	v29 =	vmul.f32 v32, v32  }
0xbe: {  	v20 =	vmul.f32 v20, v20;
	v35 =	vsub.f32 v35, v6;
	v32 =	vld [tilespmem:s23+$0xFFFFFFD0];
	v21 =	vadd.f32 v21, v28  }
0xbf: {  	v12 =	vmul.f32 v12, v12;
	v24 =	vadd.f32 v24, v26;
	v28 =	vld [tilespmem:s23+$0xFFFFFFC0];
	v33 =	vsub.f32 v33, v6  }
0xc0: {  	v25 =	vadd.f32 v29, v25;
	v29 =	vmul.f32 v34, v34;
	v26 =	vsub.f32 v37, v6  }
0xc1: {  	v27 =	vadd.f32 v12, v27;
	v12 =	vmin.f32 v36, v24;
	v34 =	vsub.f32 v38, v5;
	v37 =	vld [tilespmem:s21+$0x30]  }
0xc2: {  	v24 =	vsub.f32 v31, v5;
	v26 =	vmul.f32 v26, v26;
	v31 =	vmul.f32 v33, v33;
	[tilespmem:s21+$0x0] =	vst v12  }
0xc3: {  	v35 =	vmul.f32 v35, v35;
	v32 =	vsub.f32 v32, v5;
	v33 =	vld [tilespmem:s21+$0x20];
	v34 =	vmul.f32 v34, v34  }
0xc4: {  	v21 =	vadd.f32 v29, v21;
	v28 =	vsub.f32 v28, v5;
	v36 =	vld [tilespmem:s21+$0xFFFFFFF0];
	v24 =	vmul.f32 v24, v24  }
0xc5: {  	v17 =	vmin.f32 v17, v27;
	v29 =	vld [tilespmem:s21+$0xFFFFFFE0];
	v32 =	vmul.f32 v32, v32;
	v34 =	vadd.f32 v18, v34  }
0xc6: {  	v27 =	vld [tilespmem:s21+$0xFFFFFFD0];
	v28 =	vmul.f32 v28, v28;
	v24 =	vadd.f32 v35, v24;
	v18 =	vmin.f32 v37, v21;
	[tilespmem:s21+$0x10] =	vst v17  }
0xc7: {  	v23 =	vmul.f32 v23, v23;
	v35 =	vld [tilespmem:s21+$0xFFFFFFC0];
	v21 =	vadd.f32 v31, v32;
	v20 =	vadd.f32 v20, v34;
	[tilespmem:s21+$0x30] =	vst v18  }
0xc8: {  	v26 =	vadd.f32 v26, v28;
	v28 =	vmul.f32 v30, v30;
	v22 =	vadd.f32 v22, v24  }
0xc9: {  	s25 =	sadd.s32 $0xFFFFFFC0, s20;
	v21 =	vadd.f32 v23, v21;
	v23 =	vmin.f32 v36, v20;
	v20 =	vmin.f32 v33, v25  }
0xca: {  	v24 =	vadd.f32 v28, v26;
	v25 =	vmin.f32 v29, v22;
	[tilespmem:s21+$0xFFFFFFF0] =	vst v23;
	vm1 =	vgt.f32 v23, v19  }
.Ltmp3:
0xcb: {  	v22 =	vmin.f32 v27, v21;
	[tilespmem:s21+$0xFFFFFFE0] =	vst v25;
	v19 =	vsel vm1, v23, v19;
	v21 =	vor.u32 s25, v1;
	(pc) =	sbr.rel @p0 .LBB2_5-.Ltmp3, $4  }
0xcc: {  	s26 =	sadd.s32 $0xFFFFFFB0, s20;
	s25 =	sadd.s32 $0xFFFFFFA0, s20;
	vm3 =	vgt.f32 v25, v13;
	v23 =	vmin.f32 v35, v24;
	[tilespmem:s21+$0xFFFFFFD0] =	vst v22;
	vm0 =	vgt.f32 v18, v19  }
0xcd: {  	s28 =	sadd.s32 $0xFFFFFF90, s20;
	vm2 =	vgt.f32 v22, v9;
	v24 =	vor.u32 s26, v1;
	[tilespmem:s21+$0xFFFFFFC0] =	vst v23;
	vm4 =	vgt.f32 v23, v16  }
0xce: {  	s26 =	sadd.s32 $0xFFFFFFF0, s20;
	v14 =	vsel vm3, v24, v14;
	[tilespmem:s21+$0x20] =	vst v20;
	v16 =	vsel vm4, v23, v16;
	v23 =	vor.u32 s28, v1  }
0xcf: {  	s24 =	sadd.s32 $0x80, s24;
	s23 =	sadd.s32 $0x80, s23;
	v13 =	vsel vm3, v25, v13;
	v23 =	vsel vm4, v23, v15;
	v15 =	vor.u32 s26, v1  }
0xd0: {  	s18 =	sadd.s32 $0xFFFFFFD0, s20;
	vm3 =	vgt.f32 v12, v16;
	v7 =	vor.u32 s25, v1  }
0xd1: {  	v6 =	vsel vm2, v22, v9;
	s30 =	sadd.s32 $0xFFFFFFE0, s20;
	v5 =	vor.u32 s18, v1;
	v7 =	vsel vm2, v7, v11  }
0xd2: {  	vm7 =	vgt.f32 v17, v6;
	v58 =	vor.u32 s30, v1;
	v59 =	vsel vm3, v12, v16  }
0xd3: {  	v5 =	vsel vm3, v5, v23;
	v6 =	vsel vm7, v17, v6;
	v7 =	vsel vm7, v58, v7  }
0xd4: {  	vm8 =	veq.f32 v6, v59;
	vm9 =	vlt.s32 v7, v5  }
0xd5: {  	vm4 =	vgt.f32 v20, v13;
	vm10 =	vgt.f32 v6, v59;
	vm2 =	vmand vm8, vm9  }
0xd6: {  	v60 =	vsel vm4, v20, v13;
	vm2 =	vmor vm10, vm2  }
0xd7: {  	v61 =	vsel vm4, v15, v14;
	v6 =	vsel vm2, v6, v59;
	v5 =	vsel vm2, v7, v5  }
0xd8: {  	vm11 =	veq.f32 v60, v6;
	vm12 =	vlt.s32 v61, v5  }
0xd9: {  	vm13 =	vgt.f32 v60, v6;
	vm2 =	vmand vm11, vm12  }
0xda: {  	v62 =	vsel vm0, v18, v19;
	v7 =	vsel vm1, v21, v8;
	vm1 =	vmor vm13, vm2  }
0xdb: {  	v7 =	vsel vm0, v10, v7;
	v6 =	vsel vm1, v60, v6;
	v5 =	vsel vm1, v61, v5  }
0xdc: {  	vm0 =	veq.f32 v62, v6;
	vm1 =	vlt.s32 v7, v5  }
0xdd: {  	vm14 =	vgt.f32 v62, v6;
	vm0 =	vmand vm0, vm1  }
0xde: {  	vm0 =	vmor vm14, vm0  }
0xdf: {  	v6 =	vsel vm0, v62, v6  }
0xe0: {  	(xrf0) =	vmax.scan.msk.f32 $0xffff, v6;
	_ =	sdelay $0x5  }
0xe1: {  	v63, _, _ =	vpop (xrf0)  }
0xe2: {  	v8 =	vbroadcast v63, $0xF  }
0xe3: {  	v5 =	vsel vm0, v7, v5  }
0xe4: {  	v5 =	vxor.u32 $0x80000000, v5;
	vm15 =	veq.f32 v6, v8  }
0xe5: {  	v5 =	vnsel vm15, $0xFFFFFFFF, v5  }
0xe6: {  	(xrf0) =	vmin.scan.msk.u32 $0xffff, v5;
	_ =	sdelay $0x5  }
0xe7: {  	v5, _, _ =	vpop (xrf0)  }
0xe8: {  	(v2sf) =	vpush v5, $0xF;
	_ =	sdelay $0x9  }
0xe9: {  	s19 =	sadd.s32 $0x1, s19  }
0xea: {  	p0 =	sne.s32 s19, $0x40  }
.Ltmp4:
0xeb: {  	_ = 	snop;
	(pc) =	sbr.rel @p0 .LBB2_4-.Ltmp4, $3  }
0xec: {  	_ =	sdelay $0x1  }
0xed: {  	s31 =	spop (v2sf)  }
0xee: {  	s18 =	simm.s32 $0x0;
	s20 =	sxor.u32 $0x80000000, s31  }
0xef: {  	s19 =	simm.s32 $0x0  }
0xf0: {  	v5 =	vld [tilespmem:s19+$0x70]  }
0xf1: {  	v6 =	vld [tilespmem:s19+$0x4070]  }
0xf2: {  	v7 =	vld [tilespmem:s19+$0x0]  }
0xf3: {  	v8 =	vld [tilespmem:s19+$0x4000]  }
0xf4: {  	v10 =	vld [tilespmem:s19+$0x4010]  }
0xf5: {  	v11 =	vld [tilespmem:s19+$0x20]  }
0xf6: {  	v14 =	vld [tilespmem:s19+$0x4020]  }
0xf7: {  	v16 =	vld [tilespmem:s19+$0x30]  }
0xf8: {  	v18 =	vld [tilespmem:s19+$0x40]  }
0xf9: {  	v20 =	vld [tilespmem:s19+$0x4040]  }
0xfa: {  	v23 =	vld [tilespmem:s19+$0x4050]  }
0xfb: {  	v25 =	vld [tilespmem:s19+$0x60]  }
0xfc: {  	v26 =	vld [tilespmem:s19+$0x4060]  }
0xfd: {  	v12 =	vshrl.u32 v5, $0x10;
	v13 =	vshrl.u32 v6, $0x10  }
0xfe: {  	v15 =	vshrl.u32 v7, $0x10;
	v17 =	vshrl.u32 v8, $0x10;
	v19 =	vshrl.u32 v10, $0x10  }
0xff: {  	v9 =	vld [tilespmem:s19+$0x10];
	v21 =	vshrl.u32 v11, $0x10;
	v22 =	vshrl.u32 v14, $0x10;
	v53 =	vshrl.u32 v16, $0x10  }
0x100: {  	v54 =	vshrl.u32 v18, $0x10;
	v55 =	vshrl.u32 v20, $0x10;
	v57 =	vshrl.u32 v23, $0x10  }
0x101: {  	v58 =	vshrl.u32 v25, $0x10;
	v60 =	vshrl.u32 v26, $0x10;
	v12 =	vand.u32 $0x1, v12  }
0x102: {  	v13 =	vand.u32 $0x1, v13;
	v15 =	vand.u32 $0x1, v15;
	v17 =	vand.u32 $0x1, v17  }
0x103: {  	v22 =	vand.u32 $0x1, v22;
	v59 =	vand.u32 $0x1, v58;
	v5 =	vadd.s32 v12, v5  }
0x104: {  	v6 =	vadd.s32 v13, v6;
	v13 =	vshrl.u32 v9, $0x10;
	v7 =	vadd.s32 v15, v7  }
0x105: {  	v8 =	vadd.s32 v17, v8;
	v17 =	vand.u32 $0x1, v54;
	v14 =	vadd.s32 v22, v14  }
0x106: {  	v5 =	vadd.s32 $0x7FFF, v5;
	v6 =	vadd.s32 $0x7FFF, v6;
	v13 =	vand.u32 $0x1, v13  }
0x107: {  	v12 =	vld [tilespmem:s19+$0x4030];
	v17 =	vadd.s32 v17, v18;
	v18 =	vadd.s32 v59, v25;
	v5 =	vand.u32 $0xFFFF0000, v5  }
0x108: {  	v6 =	vshrl.u32 v6, $0x10;
	v9 =	vadd.s32 v13, v9;
	v13 =	vand.u32 $0x1, v55  }
0x109: {  	v14 =	vadd.s32 $0x7FFF, v14;
	v5 =	vor.u32 v5, v6;
	v13 =	vadd.s32 v13, v20  }
0x10a: {  	v20 =	vadd.s32 $0x7FFF, v8;
	v61 =	vadd.s32 $0x7FFF, v9;
	[tilespmem:s19+$0x10070] =	vst v5;
	v5 =	vand.u32 $0x1, v19  }
0x10b: {  	v6 =	vld [tilespmem:s19+$0x50];
	v19 =	vand.u32 $0x1, v21;
	v21 =	vand.u32 $0x1, v53;
	v9 =	vadd.s32 $0x7FFF, v13  }
0x10c: {  	v24 =	vshrl.u32 v12, $0x10;
	v5 =	vadd.s32 v5, v10;
	v11 =	vadd.s32 v19, v11  }
0x10d: {  	v19 =	vand.u32 $0x1, v57;
	v16 =	vadd.s32 v21, v16;
	v15 =	vand.u32 $0x1, v24  }
0x10e: {  	v5 =	vadd.s32 $0x7FFF, v5;
	v62 =	vadd.s32 $0x7FFF, v11;
	v63 =	vadd.s32 $0x7FFF, v16  }
0x10f: {  	v11 =	vadd.s32 $0x7FFF, v17;
	v17 =	vshrl.u32 v20, $0x10;
	v12 =	vadd.s32 v15, v12  }
0x110: {  	v15 =	vand.u32 $0x1, v60;
	v16 =	vand.u32 $0xFFFF0000, v62;
	v56 =	vshrl.u32 v6, $0x10  }
0x111: {  	v15 =	vadd.s32 v15, v26;
	v12 =	vadd.s32 $0x7FFF, v12;
	v10 =	vand.u32 $0x1, v56  }
0x112: {  	v6 =	vadd.s32 v10, v6;
	v10 =	vadd.s32 v19, v23;
	v19 =	vadd.s32 $0x7FFF, v7  }
0x113: {  	v7 =	vadd.s32 $0x7FFF, v6;
	v8 =	vadd.s32 $0x7FFF, v10;
	v13 =	vand.u32 $0xFFFF0000, v19  }
0x114: {  	s20 =	simm.s32 $0x80;
	v10 =	vadd.s32 $0x7FFF, v18;
	v6 =	vadd.s32 $0x7FFF, v15;
	v15 =	vand.u32 $0xFFFF0000, v61  }
0x115: {  	s21 =	simm.s32 $0x400;
	v18 =	vshrl.u32 v5, $0x10;
	v5 =	vld [tilespmem:s20+$0x70];
	v19 =	vshrl.u32 v14, $0x10;
	v14 =	vand.u32 $0xFFFF0000, v63  }
.LBB2_8:
0x116: {  	p0 =	sne.s32 s21, $0xFE00;
	v20 =	vld [tilespmem:s20+$0x4070];
	v12 =	vshrl.u32 v12, $0x10;
	v11 =	vand.u32 $0xFFFF0000, v11;
	v9 =	vshrl.u32 v9, $0x10  }
0x117: {  	v7 =	vand.u32 $0xFFFF0000, v7;
	v8 =	vshrl.u32 v8, $0x10;
	v10 =	vand.u32 $0xFFFF0000, v10;
	v21 =	vld [tilespmem:s20+$0x0]  }
0x118: {  	v13 =	vor.u32 v13, v17;
	v15 =	vor.u32 v15, v18;
	v6 =	vshrl.u32 v6, $0x10;
	v22 =	vld [tilespmem:s20+$0x4000]  }
0x119: {  	v12 =	vor.u32 v14, v12;
	v9 =	vor.u32 v11, v9;
	v17 =	vld [tilespmem:s20+$0x10];
	[tilespmem:s19+$0x10000] =	vst v13;
	v13 =	vor.u32 v16, v19  }
0x11a: {  	v7 =	vor.u32 v7, v8;
	v6 =	vor.u32 v10, v6;
	v11 =	vld [tilespmem:s20+$0x4010];
	[tilespmem:s19+$0x10010] =	vst v15  }
0x11b: {  	v10 =	vshrl.u32 v5, $0x10;
	v8 =	vld [tilespmem:s20+$0x20];
	v14 =	vshrl.u32 v20, $0x10;
	[tilespmem:s19+$0x10020] =	vst v13  }
0x11c: {  	v10 =	vand.u32 $0x1, v10;
	v13 =	vshrl.u32 v21, $0x10;
	v15 =	vld [tilespmem:s20+$0x4020];
	v14 =	vand.u32 $0x1, v14;
	[tilespmem:s19+$0x10030] =	vst v12  }
0x11d: {  	v5 =	vadd.s32 v10, v5;
	v12 =	vshrl.u32 v22, $0x10;
	v16 =	vld [tilespmem:s20+$0x30];
	v10 =	vadd.s32 v14, v20;
	[tilespmem:s19+$0x10040] =	vst v9  }
0x11e: {  	v5 =	vadd.s32 $0x7FFF, v5;
	v9 =	vshrl.u32 v17, $0x10;
	v14 =	vld [tilespmem:s20+$0x4030];
	v10 =	vadd.s32 $0x7FFF, v10;
	[tilespmem:s19+$0x10050] =	vst v7  }
0x11f: {  	v5 =	vand.u32 $0xFFFF0000, v5;
	v7 =	vshrl.u32 v11, $0x10;
	v18 =	vld [tilespmem:s20+$0x40];
	v10 =	vshrl.u32 v10, $0x10;
	[tilespmem:s19+$0x10060] =	vst v6;
	s19 =	smov.u32 s20  }
0x120: {  	v6 =	vand.u32 $0x1, v13;
	v13 =	vshrl.u32 v8, $0x10;
	v19 =	vld [tilespmem:s19+$0x4040];
	v5 =	vor.u32 v5, v10  }
0x121: {  	v9 =	vand.u32 $0x1, v9;
	v10 =	vand.u32 $0x1, v12;
	v12 =	vshrl.u32 v15, $0x10;
	v20 =	vld [tilespmem:s19+$0x50];
	[tilespmem:s19+$0x10070] =	vst v5  }
0x122: {  	v5 =	vand.u32 $0x1, v7;
	v7 =	vand.u32 $0x1, v13;
	v13 =	vshrl.u32 v16, $0x10;
	v23 =	vld [tilespmem:s19+$0x4050]  }
0x123: {  	v12 =	vand.u32 $0x1, v12;
	v13 =	vand.u32 $0x1, v13;
	v24 =	vshrl.u32 v14, $0x10;
	v25 =	vld [tilespmem:s19+$0x60]  }
0x124: {  	v6 =	vadd.s32 v6, v21;
	v21 =	vand.u32 $0x1, v24;
	v24 =	vshrl.u32 v18, $0x10;
	v26 =	vld [tilespmem:s19+$0x4060]  }
0x125: {  	v10 =	vadd.s32 v10, v22;
	v22 =	vand.u32 $0x1, v24;
	v24 =	vshrl.u32 v19, $0x10  }
0x126: {  	v9 =	vadd.s32 v9, v17;
	v17 =	vand.u32 $0x1, v24;
	v24 =	vshrl.u32 v20, $0x10  }
0x127: {  	v5 =	vadd.s32 v5, v11;
	v11 =	vand.u32 $0x1, v24;
	v24 =	vshrl.u32 v23, $0x10  }
0x128: {  	v7 =	vadd.s32 v7, v8;
	v8 =	vand.u32 $0x1, v24;
	v24 =	vshrl.u32 v25, $0x10  }
0x129: {  	v12 =	vadd.s32 v12, v15;
	v15 =	vand.u32 $0x1, v24;
	v24 =	vshrl.u32 v26, $0x10  }
0x12a: {  	v13 =	vadd.s32 v13, v16;
	v14 =	vadd.s32 v21, v14;
	v16 =	vand.u32 $0x1, v24  }
0x12b: {  	v18 =	vadd.s32 v22, v18;
	v17 =	vadd.s32 v17, v19;
	v19 =	vadd.s32 v11, v20  }
0x12c: {  	v8 =	vadd.s32 v8, v23;
	v15 =	vadd.s32 v15, v25;
	v16 =	vadd.s32 v16, v26  }
0x12d: {  	v6 =	vadd.s32 $0x7FFF, v6;
	v21 =	vadd.s32 $0x7FFF, v9;
	v20 =	vadd.s32 $0x7FFF, v10  }
0x12e: {  	v5 =	vadd.s32 $0x7FFF, v5;
	v22 =	vadd.s32 $0x7FFF, v7;
	v23 =	vadd.s32 $0x7FFF, v12  }
.Ltmp5:
0x12f: {  	v11 =	vadd.s32 $0x7FFF, v18;
	v12 =	vadd.s32 $0x7FFF, v14;
	v24 =	vadd.s32 $0x7FFF, v13;
	(pc) =	sbr.rel @p0 .LBB2_8-.Ltmp5, $4  }
0x130: {  	v9 =	vadd.s32 $0x7FFF, v17;
	v7 =	vadd.s32 $0x7FFF, v19;
	v8 =	vadd.s32 $0x7FFF, v8  }
0x131: {  	v13 =	vand.u32 $0xFFFF0000, v6;
	v10 =	vadd.s32 $0x7FFF, v15;
	v6 =	vadd.s32 $0x7FFF, v16  }
0x132: {  	s20 =	sshra.s32 s21, $0x2;
	v18 =	vshrl.u32 v5, $0x10;
	v17 =	vshrl.u32 v20, $0x10;
	v15 =	vand.u32 $0xFFFF0000, v21  }
0x133: {  	s21 =	sadd.s32 $0x200, s21;
	v19 =	vshrl.u32 v23, $0x10;
	v14 =	vand.u32 $0xFFFF0000, v24;
	v16 =	vand.u32 $0xFFFF0000, v22;
	v5 =	vld [tilespmem:s20+$0x70]  }
0x134: {  	v20 =	vld [tilespmem:s20+$0x4070]  }
0x135: {  	v21 =	vld [tilespmem:s20+$0x0]  }
0x136: {  	v22 =	vld [tilespmem:s20+$0x4000];
	v13 =	vor.u32 v13, v17;
	v62 =	vor.u32 v15, v18  }
0x137: {  	v61 =	vld [tilespmem:s20+$0x10];
	v28 =	vor.u32 v16, v19;
	v12 =	vshrl.u32 v12, $0x10;
	v11 =	vand.u32 $0xFFFF0000, v11  }
0x138: {  	v9 =	vshrl.u32 v9, $0x10;
	v7 =	vand.u32 $0xFFFF0000, v7;
	v8 =	vshrl.u32 v8, $0x10;
	[tilespmem:s19+$0x10000] =	vst v13  }
0x139: {  	v10 =	vand.u32 $0xFFFF0000, v10;
	v6 =	vshrl.u32 v6, $0x10;
	v12 =	vor.u32 v14, v12;
	v63 =	vld [tilespmem:s20+$0x4010]  }
0x13a: {  	v9 =	vor.u32 v11, v9;
	v7 =	vor.u32 v7, v8;
	v6 =	vor.u32 v10, v6;
	[tilespmem:s19+$0x10010] =	vst v62  }
0x13b: {  	v29 =	vld [tilespmem:s20+$0x20];
	[tilespmem:s19+$0x10020] =	vst v28;
	v31 =	vshrl.u32 v5, $0x10;
	v32 =	vshrl.u32 v20, $0x10;
	v33 =	vshrl.u32 v21, $0x10  }
0x13c: {  	v13 =	vld [tilespmem:s20+$0x4020];
	[tilespmem:s19+$0x10030] =	vst v12;
	v8 =	vand.u32 $0x1, v31;
	v34 =	vshrl.u32 v22, $0x10;
	v35 =	vshrl.u32 v61, $0x10  }
0x13d: {  	v30 =	vld [tilespmem:s20+$0x30];
	[tilespmem:s19+$0x10040] =	vst v9;
	v9 =	vand.u32 $0x1, v32;
	v5 =	vadd.s32 v8, v5;
	v8 =	vand.u32 $0x1, v35  }
0x13e: {  	v12 =	vld [tilespmem:s20+$0x4030];
	[tilespmem:s19+$0x10050] =	vst v7;
	v7 =	vadd.s32 v9, v20;
	v5 =	vadd.s32 $0x7FFF, v5;
	v37 =	vshrl.u32 v63, $0x10  }
0x13f: {  	v8 =	vadd.s32 v8, v61;
	v7 =	vadd.s32 $0x7FFF, v7;
	v5 =	vand.u32 $0xFFFF0000, v5  }
0x140: {  	v36 =	vld [tilespmem:s20+$0x40];
	[tilespmem:s19+$0x10060] =	vst v6;
	v39 =	vshrl.u32 v29, $0x10;
	v8 =	vadd.s32 $0x7FFF, v8;
	v6 =	vshrl.u32 v7, $0x10  }
0x141: {  	v38 =	vld [tilespmem:s20+$0x4040];
	v7 =	vand.u32 $0x1, v33;
	v41 =	vshrl.u32 v13, $0x10;
	v42 =	vand.u32 $0x1, v39  }
0x142: {  	v40 =	vld [tilespmem:s20+$0x50];
	v8 =	vand.u32 $0xFFFF0000, v8;
	v5 =	vor.u32 v5, v6;
	v6 =	vand.u32 $0x1, v34  }
0x143: {  	v23 =	vld [tilespmem:s20+$0x4050];
	v43 =	vshrl.u32 v30, $0x10;
	v20 =	vand.u32 $0x1, v41;
	v7 =	vadd.s32 v7, v21  }
0x144: {  	v25 =	vld [tilespmem:s20+$0x60];
	v16 =	vadd.s32 v42, v29;
	[tilespmem:s20+$0x10070] =	vst v5;
	v5 =	vand.u32 $0x1, v37;
	v19 =	vand.u32 $0x1, v43  }
0x145: {  	v26 =	vld [tilespmem:s20+$0x4060];
	v24 =	vshrl.u32 v12, $0x10;
	v6 =	vadd.s32 v6, v22;
	v13 =	vadd.s32 v20, v13  }
0x146: {  	v7 =	vadd.s32 $0x7FFF, v7;
	v16 =	vadd.s32 $0x7FFF, v16;
	v44 =	vand.u32 $0x1, v24  }
0x147: {  	v45 =	vshrl.u32 v36, $0x10;
	v5 =	vadd.s32 v5, v63;
	v11 =	vadd.s32 v19, v30  }
0x148: {  	v6 =	vadd.s32 $0x7FFF, v6;
	v13 =	vadd.s32 $0x7FFF, v13;
	v7 =	vand.u32 $0xFFFF0000, v7  }
0x149: {  	v46 =	vand.u32 $0x1, v45;
	v47 =	vshrl.u32 v38, $0x10;
	v49 =	vshrl.u32 v40, $0x10  }
0x14a: {  	v51 =	vshrl.u32 v23, $0x10;
	v53 =	vshrl.u32 v25, $0x10;
	v55 =	vshrl.u32 v26, $0x10  }
0x14b: {  	v12 =	vadd.s32 v44, v12;
	v5 =	vadd.s32 $0x7FFF, v5;
	v11 =	vadd.s32 $0x7FFF, v11  }
0x14c: {  	v6 =	vshrl.u32 v6, $0x10;
	v13 =	vshrl.u32 v13, $0x10;
	v48 =	vand.u32 $0x1, v47  }
0x14d: {  	v50 =	vand.u32 $0x1, v49;
	v52 =	vand.u32 $0x1, v51;
	v54 =	vand.u32 $0x1, v53  }
0x14e: {  	v56 =	vand.u32 $0x1, v55;
	v9 =	vadd.s32 v46, v36;
	v12 =	vadd.s32 $0x7FFF, v12  }
0x14f: {  	v5 =	vshrl.u32 v5, $0x10;
	v6 =	vor.u32 v7, v6;
	v7 =	vand.u32 $0xFFFF0000, v16  }
0x150: {  	v10 =	vadd.s32 v48, v38;
	v14 =	vadd.s32 v50, v40;
	v57 =	vadd.s32 v52, v23  }
0x151: {  	v58 =	vadd.s32 v54, v25;
	v59 =	vadd.s32 v56, v26;
	v9 =	vadd.s32 $0x7FFF, v9  }
0x152: {  	v5 =	vor.u32 v8, v5;
	[tilespmem:s20+$0x10000] =	vst v6;
	v6 =	vand.u32 $0xFFFF0000, v11;
	v60 =	vshrl.u32 v12, $0x10  }
0x153: {  	v7 =	vor.u32 v7, v13;
	v10 =	vadd.s32 $0x7FFF, v10;
	v14 =	vadd.s32 $0x7FFF, v14  }
0x154: {  	v15 =	vadd.s32 $0x7FFF, v57;
	v17 =	vadd.s32 $0x7FFF, v58;
	v18 =	vadd.s32 $0x7FFF, v59;
	[tilespmem:s20+$0x10010] =	vst v5  }
.Ltmp6:
0x155: {  	v5 =	vand.u32 $0xFFFF0000, v9;
	v6 =	vor.u32 v6, v60;
	[tilespmem:s20+$0x10020] =	vst v7;
	v61 =	vshrl.u32 v10, $0x10;
	(pc) =	sbr.rel .LBB2_10-.Ltmp6, $4  }
0x156: {  	v7 =	vand.u32 $0xFFFF0000, v14;
	v62 =	vshrl.u32 v15, $0x10;
	[tilespmem:s20+$0x10030] =	vst v6;
	v5 =	vor.u32 v5, v61  }
0x157: {  	v6 =	vand.u32 $0xFFFF0000, v17;
	v63 =	vshrl.u32 v18, $0x10;
	v7 =	vor.u32 v7, v62;
	[tilespmem:s20+$0x10040] =	vst v5  }
0x158: {  	v5 =	vor.u32 v6, v63;
	[tilespmem:s20+$0x10050] =	vst v7  }
0x159: {  	[tilespmem:s20+$0x10060] =	vst v5  }
.LBB2_31:
0x15a: {  	s18 =	sadd.s32 $0x1, s18  }
0x15b: {  	p0 =	sne.s32 s18, $0x40  }
.Ltmp7:
0x15c: {  	_ = 	snop;
	(pc) =	sbr.rel @!p0 .LBB2_32-.Ltmp7, $1  }
0x15d: {  	_ =	sdelay $0x3  }
.LBB2_10:
0x15e: {  	s19 =	smul.u32 $0x3, s18;
	_ =	sdelay $0x1  }
0x15f: {  	v5 =	vmov s19;
	s20 =	sadd.s32 $0x1, s19  }
0x160: {  	s19 =	sadd.s32 $0x2, s19;
	v6 =	vmov s20  }
0x161: {  	v7 =	vmov s19;
	_ =	sdelay $0x2  }
0x162: {  	v5 =	vld.idx.msk [tilespmem:v5+s12+$0x0], $0xffff  }
0x163: {  	v6 =	vld.idx.msk [tilespmem:v6+s12+$0x0], $0xffff  }
0x164: {  	s19 =	simm.s32 $0x0;
	s20 =	simm.s32 $0x200;
	v7 =	vld.idx.msk [tilespmem:v7+s12+$0x0], $0xffff  }
.LBB2_11:
0x165: {  	p0 =	sne.s32 s20, $0x7E00;
	[tilespmem:s19+$0x18070] =	vst v2  }
0x166: {  	[tilespmem:s19+$0x18000] =	vst v2  }
0x167: {  	[tilespmem:s19+$0x18010] =	vst v2  }
.Ltmp8:
0x168: {  	[tilespmem:s19+$0x18020] =	vst v2;
	(pc) =	sbr.rel @p0 .LBB2_11-.Ltmp8, $4  }
0x169: {  	[tilespmem:s19+$0x18030] =	vst v2  }
0x16a: {  	[tilespmem:s19+$0x18040] =	vst v2  }
0x16b: {  	[tilespmem:s19+$0x18050] =	vst v2  }
0x16c: {  	[tilespmem:s19+$0x18060] =	vst v2;
	s19 =	sshra.s32 s20, $0x2;
	s20 =	sadd.s32 $0x200, s20  }
0x16d: {  	[tilespmem:s19+$0x18070] =	vst v2  }
0x16e: {  	[tilespmem:s19+$0x18000] =	vst v2  }
0x16f: {  	[tilespmem:s19+$0x18010] =	vst v2  }
0x170: {  	[tilespmem:s19+$0x18020] =	vst v2  }
0x171: {  	[tilespmem:s19+$0x18030] =	vst v2  }
0x172: {  	[tilespmem:s19+$0x18040] =	vst v2  }
0x173: {  	[tilespmem:s19+$0x18050] =	vst v2  }
0x174: {  	[tilespmem:s19+$0x18060] =	vst v2;
	s19 =	simm.s32 $0x0  }
0x175: {  	v13 =	vld [tilespmem:s19+$0x8000]  }
0x176: {  	v8 =	vmul.f32 v5, v5;
	v9 =	vmul.f32 v6, v6;
	v14 =	vld [tilespmem:s19+$0x10000]  }
0x177: {  	v10 =	vshrl.u32 v6, $0x10;
	v15 =	vld [tilespmem:s19+$0x10010]  }
0x178: {  	v11 =	vshrl.u32 v7, $0x10;
	v17 =	vld [tilespmem:s19+$0x8010];
	v8 =	vadd.f32 v9, v8;
	v9 =	vmul.f32 v7, v7  }
0x179: {  	v10 =	vand.u32 $0x1, v10;
	v11 =	vand.u32 $0x1, v11;
	v19 =	vld [tilespmem:s19+$0x10020]  }
0x17a: {  	v21 =	vld [tilespmem:s19+$0x8030];
	v10 =	vadd.s32 v10, v6;
	v8 =	vadd.f32 v9, v8;
	v9 =	vshrl.u32 v5, $0x10  }
0x17b: {  	v16 =	vadd.s32 v11, v7;
	v10 =	vadd.s32 $0x7FFF, v10;
	v9 =	vand.u32 $0x1, v9  }
0x17c: {  	v12 =	vand.u32 $0xFFFF0000, v10;
	v9 =	vadd.s32 v9, v5;
	v18 =	vshrl.u32 v13, $0x10  }
0x17d: {  	v20 =	vand.u32 $0xFFFF0000, v14;
	v14 =	vshll.u32 v14, $0x10;
	v22 =	vand.u32 $0xFFFF0000, v15  }
0x17e: {  	v15 =	vshll.u32 v15, $0x10;
	v23 =	vshrl.u32 v17, $0x10;
	v26 =	vand.u32 $0xFFFF0000, v19  }
0x17f: {  	v19 =	vshll.u32 v19, $0x10;
	v27 =	vshrl.u32 v21, $0x10;
	v9 =	vadd.s32 $0x7FFF, v9  }
0x180: {  	v18 =	vand.u32 $0x1, v18;
	v23 =	vand.u32 $0x1, v23;
	v15 =	vmul.f32 v15, v12  }
0x181: {  	v14 =	vmul.f32 v14, v12;
	v11 =	vand.u32 $0xFFFF0000, v9;
	v9 =	vadd.s32 $0x7FFF, v16;
	v16 =	vld [tilespmem:s19+$0x8020]  }
0x182: {  	v19 =	vmul.f32 v19, v12;
	v13 =	vadd.s32 v18, v13;
	v17 =	vadd.s32 v23, v17  }
0x183: {  	v23 =	vld [tilespmem:s19+$0x10030];
	v10 =	vand.u32 $0xFFFF0000, v9;
	v13 =	vadd.s32 $0x7FFF, v13;
	v22 =	vmul.f32 v22, v11  }
0x184: {  	v17 =	vadd.s32 $0x7FFF, v17;
	v20 =	vmul.f32 v20, v11;
	v13 =	vand.u32 $0xFFFF0000, v13  }
0x185: {  	v17 =	vand.u32 $0xFFFF0000, v17;
	v13 =	vmul.f32 v13, v10;
	v15 =	vadd.f32 v15, v22  }
0x186: {  	v25 =	vld [tilespmem:s19+$0xC000];
	v22 =	vand.u32 $0x1, v27;
	v14 =	vadd.f32 v14, v20;
	v24 =	vshrl.u32 v16, $0x10  }
0x187: {  	v20 =	vmul.f32 v26, v11;
	v21 =	vadd.s32 v22, v21;
	v24 =	vand.u32 $0x1, v24  }
0x188: {  	v27 =	vld [tilespmem:s19+$0xC020];
	v22 =	vshll.u32 v23, $0x10;
	v23 =	vand.u32 $0xFFFF0000, v23;
	v16 =	vadd.s32 v24, v16  }
0x189: {  	v13 =	vadd.f32 v13, v14;
	v14 =	vadd.f32 v19, v20;
	v24 =	vld [tilespmem:s19+$0x8050];
	v16 =	vadd.s32 $0x7FFF, v16  }
0x18a: {  	v19 =	vmul.f32 v17, v10;
	v22 =	vmul.f32 v22, v12;
	v16 =	vand.u32 $0xFFFF0000, v16  }
0x18b: {  	v25 =	vadd.f32 v25, v8;
	v18 =	vld [tilespmem:s19+$0xC010];
	v20 =	vmul.f32 v23, v11;
	v16 =	vmul.f32 v16, v10  }
0x18c: {  	v26 =	vadd.s32 $0x7FFF, v21;
	v21 =	vld [tilespmem:s19+$0x10050];
	v13 =	vadd.f32 v13, v13;
	v23 =	vadd.f32 v19, v15  }
0x18d: {  	v15 =	vld [tilespmem:s19+$0xC030];
	v19 =	vadd.f32 v22, v20;
	v16 =	vadd.f32 v16, v14;
	v14 =	vand.u32 $0xFFFF0000, v26  }
0x18e: {  	v17 =	vld [tilespmem:s19+$0x8040];
	v22 =	vadd.f32 v27, v8;
	v28 =	vshrl.u32 v24, $0x10;
	v20 =	vmul.f32 v14, v10  }
0x18f: {  	v14 =	vsub.f32 v25, v13;
	v13 =	vand.u32 $0x1, v28;
	v16 =	vadd.f32 v16, v16  }
0x190: {  	v9 =	vimm.f32 $+Inf;
	v13 =	vadd.s32 v13, v24  }
0x191: {  	v20 =	vadd.f32 v20, v19;
	v19 =	vadd.s32 $0x7FFF, v13;
	v13 =	vsub.f32 v22, v16;
	v22 =	vld [tilespmem:s19+$0x8070]  }
0x192: {  	v18 =	vadd.f32 v18, v8;
	v26 =	vshll.u32 v21, $0x10;
	v27 =	vadd.f32 v15, v8  }
0x193: {  	v25 =	vshrl.u32 v17, $0x10;
	v24 =	vand.u32 $0xFFFF0000, v19;
	v19 =	vmul.f32 v26, v12  }
0x194: {  	s20 =	simm.s32 $0x200;
	v26 =	vadd.f32 v20, v20;
	v20 =	vld [tilespmem:s19+$0x8060];
	v15 =	vshra.s32 v13, $0x1F;
	v16 =	vmax.f32 v13, $0.0e+00  }
.LBB2_13:
0x195: {  	p0 =	sne.s32 s20, $0xFE00;
	v25 =	vand.u32 $0x1, v25;
	v23 =	vadd.f32 v23, v23;
	v28 =	vmax.f32 v14, $0.0e+00;
	s21 =	smov.u32 s20;
	s20 =	sadd.s32 $0x200, s20  }
0x196: {  	v29 =	vshrl.u32 v22, $0x10;
	v26 =	vsub.f32 v27, v26;
	v27 =	vshra.s32 v28, $0x12  }
0x197: {  	v24 =	vmul.f32 v24, v10;
	v18 =	vsub.f32 v18, v23;
	v23 =	vand.u32 $0xFFFFFFF0, v27  }
0x198: {  	v28 =	vand.u32 $0x1, v29;
	v27 =	vld [tilespmem:s19+$0x10060];
	v29 =	vshra.s32 v26, $0x1F;
	v30 =	vmax.f32 v26, $0.0e+00  }
0x199: {  	v21 =	vand.u32 $0xFFFF0000, v21;
	v32 =	vmin.f32 v13, v26;
	v31 =	vld [tilespmem:s19+$0x10070];
	v30 =	vshra.s32 v30, $0x12  }
0x19a: {  	v22 =	vadd.s32 v28, v22;
	v28 =	vshrl.u32 v29, $0x1;
	v29 =	vand.u32 $0xFFFFFFF0, v30  }
0x19b: {  	v21 =	vmul.f32 v21, v11;
	v26 =	vxor.u32 v26, v28;
	v28 =	vmax.f32 v18, $0.0e+00  }
0x19c: {  	v17 =	vadd.s32 v25, v17;
	v25 =	vshra.s32 v18, $0x1F;
	v28 =	vshra.s32 v28, $0x12;
	v30 =	vld [tilespmem:s19+$0x10040]  }
0x19d: {  	v17 =	vadd.s32 $0x7FFF, v17;
	v25 =	vshrl.u32 v25, $0x1;
	v28 =	vand.u32 $0xFFFFFFF0, v28  }
0x19e: {  	v34 =	vshrl.u32 v20, $0x10;
	v25 =	vxor.u32 v18, v25;
	v33 =	vshll.u32 v27, $0x10  }
0x19f: {  	v17 =	vand.u32 $0xFFFF0000, v17;
	v22 =	vadd.s32 $0x7FFF, v22;
	v27 =	vand.u32 $0xFFFF0000, v27  }
0x1a0: {  	v22 =	vand.u32 $0xFFFF0000, v22;
	v35 =	vshll.u32 v31, $0x10;
	v33 =	vmul.f32 v33, v12  }
0x1a1: {  	v34 =	vand.u32 $0x1, v34;
	v22 =	vmul.f32 v22, v10;
	v35 =	vmul.f32 v35, v12  }
0x1a2: {  	v18 =	vmin.f32 v14, v18;
	v31 =	vand.u32 $0xFFFF0000, v31;
	v27 =	vmul.f32 v27, v11  }
0x1a3: {  	v20 =	vadd.s32 v34, v20;
	v31 =	vmul.f32 v31, v11;
	v36 =	vshll.u32 v30, $0x10  }
0x1a4: {  	v19 =	vadd.f32 v19, v21;
	v17 =	vmul.f32 v17, v10;
	v21 =	vadd.f32 v33, v27;
	v34 =	vld [tilespmem:s19+$0xC050]  }
0x1a5: {  	v20 =	vadd.s32 $0x7FFF, v20;
	v30 =	vand.u32 $0xFFFF0000, v30;
	v33 =	vmul.f32 v36, v12;
	v27 =	vld [tilespmem:s19+$0xC070]  }
0x1a6: {  	v20 =	vand.u32 $0xFFFF0000, v20;
	v31 =	vadd.f32 v35, v31;
	v30 =	vmul.f32 v30, v11;
	v36 =	vld [tilespmem:s19+$0xC060]  }
0x1a7: {  	v19 =	vadd.f32 v24, v19;
	v20 =	vmul.f32 v20, v10;
	v18 =	vmin.f32 v18, v32;
	v35 =	vld [tilespmem:s19+$0xC040]  }
0x1a8: {  	v22 =	vadd.f32 v22, v31;
	v24 =	vadd.f32 v33, v30;
	v30 =	vshra.s32 v14, $0x1F  }
0x1a9: {  	v19 =	vadd.f32 v19, v19;
	v20 =	vadd.f32 v20, v21;
	v21 =	vshrl.u32 v30, $0x1  }
0x1aa: {  	v17 =	vadd.f32 v17, v24;
	v14 =	vxor.u32 v14, v21;
	v24 =	vadd.f32 v27, v8  }
0x1ab: {  	v20 =	vadd.f32 v20, v20;
	v27 =	vor.u32 v1, v28;
	v21 =	vadd.f32 v36, v8  }
0x1ac: {  	v23 =	vor.u32 v1, v23;
	v17 =	vadd.f32 v17, v17;
	v28 =	vadd.f32 v35, v8  }
0x1ad: {  	v30 =	vadd.f32 v34, v8;
	v20 =	vsub.f32 v21, v20;
	v21 =	vor.u32 v1, v29  }
0x1ae: {  	v16 =	vshra.s32 v16, $0x12;
	v22 =	vadd.f32 v22, v22;
	v17 =	vsub.f32 v28, v17  }
0x1af: {  	v15 =	vshrl.u32 v15, $0x1;
	v19 =	vsub.f32 v30, v19;
	v28 =	vshra.s32 v20, $0x1F  }
0x1b0: {  	v13 =	vxor.u32 v13, v15;
	v15 =	vshrl.u32 v28, $0x1;
	v28 =	vmax.f32 v17, $0.0e+00  }
0x1b1: {  	v16 =	vand.u32 $0xFFFFFFF0, v16;
	v29 =	vshra.s32 v17, $0x1F;
	v15 =	vxor.u32 v20, v15  }
0x1b2: {  	v22 =	vsub.f32 v24, v22;
	v24 =	vshra.s32 v19, $0x1F;
	v28 =	vshra.s32 v28, $0x12  }
0x1b3: {  	v28 =	vand.u32 $0xFFFFFFF0, v28;
	[tilespmem:s19+$0x14060] =	vst v15;
	v15 =	vmax.f32 v20, $0.0e+00  }
0x1b4: {  	v24 =	vshrl.u32 v24, $0x1;
	v30 =	vshra.s32 v22, $0x1F;
	v29 =	vshrl.u32 v29, $0x1  }
0x1b5: {  	v29 =	vxor.u32 v17, v29;
	[tilespmem:s19+$0x14000] =	vst v14;
	v14 =	vor.u32 v1, v16;
	v16 =	vor.u32 v1, v28  }
0x1b6: {  	v17 =	vmin.f32 v17, v19;
	v15 =	vshra.s32 v15, $0x12;
	v28 =	vshrl.u32 v30, $0x1;
	[tilespmem:s19+$0x14040] =	vst v29  }
0x1b7: {  	v20 =	vmin.f32 v20, v22;
	v15 =	vand.u32 $0xFFFFFFF0, v15;
	[tilespmem:s19+$0x14010] =	vst v25;
	v25 =	vmax.f32 v19, $0.0e+00  }
0x1b8: {  	v17 =	vmin.f32 v17, v20;
	v15 =	vor.u32 v1, v15;
	[tilespmem:s19+$0x14030] =	vst v26;
	v26 =	vmax.f32 v22, $0.0e+00  }
0x1b9: {  	v20 =	vxor.u32 v22, v28;
	[tilespmem:s19+$0x14020] =	vst v13;
	v13 =	vshra.s32 v25, $0x12;
	v22 =	vshra.s32 v26, $0x12  }
0x1ba: {  	v19 =	vxor.u32 v19, v24;
	[tilespmem:s19+$0x14070] =	vst v20;
	v13 =	vand.u32 $0xFFFFFFF0, v13;
	v20 =	vand.u32 $0xFFFFFFF0, v22  }
0x1bb: {  	v17 =	vmin.f32 v18, v17;
	[tilespmem:s19+$0x14050] =	vst v19;
	v13 =	vor.u32 v1, v13  }
0x1bc: {  	v9 =	vmin.f32 v9, v17;
	[tilespmem:v23+s13+$0x0] =	vst.idx.add.s32.msk $0xffff, v3  }
0x1bd: {  	[tilespmem:v27+s13+$0x0] =	vst.idx.add.s32.msk $0xffff, v3  }
0x1be: {  	[tilespmem:v14+s13+$0x0] =	vst.idx.add.s32.msk $0xffff, v3;
	v14 =	vor.u32 v1, v20  }
0x1bf: {  	s19 =	sshra.s32 s21, $0x2;
	[tilespmem:v21+s13+$0x0] =	vst.idx.add.s32.msk $0xffff, v3  }
0x1c0: {  	[tilespmem:v16+s13+$0x0] =	vst.idx.add.s32.msk $0xffff, v3  }
0x1c1: {  	[tilespmem:v13+s13+$0x0] =	vst.idx.add.s32.msk $0xffff, v3  }
0x1c2: {  	[tilespmem:v15+s13+$0x0] =	vst.idx.add.s32.msk $0xffff, v3  }
0x1c3: {  	[tilespmem:v14+s13+$0x0] =	vst.idx.add.s32.msk $0xffff, v3  }
0x1c4: {  	v13 =	vld [tilespmem:s19+$0x8000]  }
0x1c5: {  	v14 =	vld [tilespmem:s19+$0x10000]  }
0x1c6: {  	v15 =	vld [tilespmem:s19+$0x10010]  }
0x1c7: {  	v16 =	vld [tilespmem:s19+$0x8010]  }
0x1c8: {  	v17 =	vld [tilespmem:s19+$0x8020]  }
0x1c9: {  	v18 =	vld [tilespmem:s19+$0x10020];
	v19 =	vshrl.u32 v13, $0x10  }
0x1ca: {  	v20 =	vld [tilespmem:s19+$0x8030];
	v21 =	vand.u32 $0xFFFF0000, v14;
	v14 =	vshll.u32 v14, $0x10;
	v19 =	vand.u32 $0x1, v19  }
0x1cb: {  	v22 =	vld [tilespmem:s19+$0xC010];
	v23 =	vand.u32 $0xFFFF0000, v15;
	v15 =	vshll.u32 v15, $0x10;
	v13 =	vadd.s32 v19, v13  }
0x1cc: {  	v19 =	vld [tilespmem:s19+$0xC000];
	v13 =	vadd.s32 $0x7FFF, v13;
	v24 =	vshrl.u32 v16, $0x10;
	v23 =	vmul.f32 v23, v11  }
0x1cd: {  	v25 =	vld [tilespmem:s19+$0x10030];
	v13 =	vand.u32 $0xFFFF0000, v13;
	v24 =	vand.u32 $0x1, v24;
	v26 =	vshrl.u32 v17, $0x10  }
0x1ce: {  	v15 =	vmul.f32 v15, v12;
	v16 =	vadd.s32 v24, v16;
	v13 =	vmul.f32 v13, v10  }
0x1cf: {  	v14 =	vmul.f32 v14, v12;
	v24 =	vand.u32 $0xFFFF0000, v18;
	v18 =	vshll.u32 v18, $0x10  }
0x1d0: {  	v26 =	vand.u32 $0x1, v26;
	v15 =	vadd.f32 v15, v23;
	v27 =	vshrl.u32 v20, $0x10  }
0x1d1: {  	v23 =	vadd.s32 v26, v17;
	v26 =	vmul.f32 v18, v12;
	v18 =	vadd.f32 v22, v8;
	v28 =	vld [tilespmem:s19+$0x8050]  }
0x1d2: {  	v16 =	vadd.s32 $0x7FFF, v16;
	v22 =	vand.u32 $0x1, v27;
	v19 =	vadd.f32 v19, v8;
	v17 =	vld [tilespmem:s19+$0x8040]  }
0x1d3: {  	v21 =	vmul.f32 v21, v11;
	v23 =	vadd.s32 $0x7FFF, v23;
	v20 =	vadd.s32 v22, v20  }
0x1d4: {  	v24 =	vmul.f32 v24, v11;
	v23 =	vand.u32 $0xFFFF0000, v23;
	v22 =	vshll.u32 v25, $0x10  }
0x1d5: {  	v14 =	vadd.f32 v14, v21;
	v25 =	vand.u32 $0xFFFF0000, v25;
	v22 =	vmul.f32 v22, v12  }
0x1d6: {  	v24 =	vadd.f32 v26, v24;
	v20 =	vadd.s32 $0x7FFF, v20;
	v23 =	vmul.f32 v23, v10  }
0x1d7: {  	v16 =	vand.u32 $0xFFFF0000, v16;
	v13 =	vadd.f32 v13, v14;
	v25 =	vmul.f32 v25, v11;
	v26 =	vld [tilespmem:s19+$0xC020]  }
0x1d8: {  	v16 =	vmul.f32 v16, v10;
	v24 =	vadd.f32 v23, v24;
	v14 =	vshrl.u32 v28, $0x10;
	v21 =	vld [tilespmem:s19+$0x10050]  }
0x1d9: {  	v13 =	vadd.f32 v13, v13  }
0x1da: {  	v20 =	vand.u32 $0xFFFF0000, v20;
	v23 =	vadd.f32 v16, v15;
	v27 =	vand.u32 $0x1, v14  }
0x1db: {  	v20 =	vmul.f32 v20, v10;
	v16 =	vadd.f32 v22, v25;
	v14 =	vsub.f32 v19, v13;
	v15 =	vld [tilespmem:s19+$0xC030]  }
.Ltmp9:
0x1dc: {  	v19 =	vadd.f32 v24, v24;
	v13 =	vadd.f32 v26, v8;
	(pc) =	sbr.rel @p0 .LBB2_13-.Ltmp9, $4  }
0x1dd: {  	v16 =	vadd.f32 v20, v16;
	v24 =	vadd.s32 v27, v28;
	v22 =	vld [tilespmem:s19+$0x8070];
	v26 =	vshll.u32 v21, $0x10  }
0x1de: {  	v25 =	vshrl.u32 v17, $0x10;
	v24 =	vadd.s32 $0x7FFF, v24;
	v20 =	vld [tilespmem:s19+$0x8060];
	v13 =	vsub.f32 v13, v19  }
0x1df: {  	v24 =	vand.u32 $0xFFFF0000, v24;
	v19 =	vmul.f32 v26, v12;
	v26 =	vadd.f32 v16, v16  }
0x1e0: {  	v27 =	vadd.f32 v15, v8;
	v15 =	vshra.s32 v13, $0x1F;
	v16 =	vmax.f32 v13, $0.0e+00  }
0x1e1: {  	v25 =	vand.u32 $0x1, v25  }
0x1e2: {  	v28 =	vld [tilespmem:s19+$0x10060];
	v23 =	vadd.f32 v23, v23;
	v24 =	vmul.f32 v24, v10;
	v21 =	vand.u32 $0xFFFF0000, v21  }
0x1e3: {  	v51 =	vld [tilespmem:s19+$0x10070];
	v29 =	vshrl.u32 v22, $0x10;
	v26 =	vsub.f32 v27, v26;
	v21 =	vmul.f32 v21, v11  }
0x1e4: {  	v54 =	vld [tilespmem:s19+$0x10040];
	v17 =	vadd.s32 v25, v17;
	v18 =	vsub.f32 v18, v23;
	v52 =	vand.u32 $0x1, v29  }
0x1e5: {  	v17 =	vadd.s32 $0x7FFF, v17;
	v56 =	vshrl.u32 v20, $0x10;
	v53 =	vadd.s32 v52, v22  }
0x1e6: {  	v17 =	vand.u32 $0xFFFF0000, v17;
	v29 =	vand.u32 $0x1, v56;
	v19 =	vadd.f32 v19, v21  }
0x1e7: {  	v22 =	vadd.s32 $0x7FFF, v53;
	v57 =	vadd.s32 v29, v20;
	v55 =	vshll.u32 v28, $0x10  }
0x1e8: {  	v58 =	vld [tilespmem:s19+$0xC070];
	v28 =	vand.u32 $0xFFFF0000, v28;
	v30 =	vshll.u32 v51, $0x10;
	v22 =	vand.u32 $0xFFFF0000, v22  }
0x1e9: {  	v60 =	vld [tilespmem:s19+$0xC060];
	v27 =	vand.u32 $0xFFFF0000, v51;
	v31 =	vshll.u32 v54, $0x10;
	v23 =	vand.u32 $0xFFFF0000, v54  }
0x1ea: {  	v63 =	vld [tilespmem:s19+$0xC040];
	v20 =	vadd.s32 $0x7FFF, v57;
	v25 =	vmul.f32 v55, v12;
	v30 =	vmul.f32 v30, v12  }
0x1eb: {  	v19 =	vadd.f32 v24, v19;
	v28 =	vmul.f32 v28, v11;
	v27 =	vmul.f32 v27, v11  }
0x1ec: {  	v59 =	vmul.f32 v31, v12;
	v20 =	vand.u32 $0xFFFF0000, v20;
	v61 =	vmul.f32 v23, v11  }
0x1ed: {  	v33 =	vadd.f32 v58, v8;
	v20 =	vmul.f32 v20, v10;
	v62 =	vadd.f32 v30, v27  }
0x1ee: {  	v25 =	vadd.f32 v25, v28;
	v28 =	vld [tilespmem:s19+$0xC050];
	v30 =	vmul.f32 v17, v10;
	v11 =	vadd.f32 v59, v61  }
0x1ef: {  	v34 =	vadd.f32 v60, v8;
	v35 =	vadd.f32 v63, v8;
	v22 =	vmul.f32 v22, v10  }
0x1f0: {  	v32 =	vadd.f32 v20, v25;
	v10 =	vadd.f32 v30, v11  }
0x1f1: {  	v19 =	vadd.f32 v19, v19;
	v31 =	vadd.f32 v22, v62  }
0x1f2: {  	v17 =	vadd.f32 v32, v32;
	v10 =	vadd.f32 v10, v10  }
0x1f3: {  	v12 =	vadd.f32 v31, v31;
	v8 =	vadd.f32 v28, v8  }
0x1f4: {  	v17 =	vsub.f32 v34, v17;
	v10 =	vsub.f32 v35, v10  }
0x1f5: {  	v11 =	vsub.f32 v33, v12;
	v8 =	vsub.f32 v8, v19  }
0x1f6: {  	v36 =	vmin.f32 v13, v26  }
0x1f7: {  	v37 =	vmin.f32 v14, v18;
	v39 =	vmin.f32 v17, v11;
	v38 =	vmin.f32 v10, v8  }
0x1f8: {  	v12 =	vmin.f32 v37, v36;
	v40 =	vmin.f32 v38, v39  }
0x1f9: {  	v12 =	vmin.f32 v12, v40  }
0x1fa: {  	v9 =	vmin.f32 v9, v12  }
0x1fb: {  	v9 =	vmax.f32 v9, $0.0e+00  }
0x1fc: {  	v9 =	vshra.s32 v9, $0x16  }
0x1fd: {  	v9 =	vxor.u32 $0x80000000, v9  }
0x1fe: {  	(xrf0) =	vmin.scan.msk.u32 $0xffff, v9;
	_ =	sdelay $0x4  }
0x1ff: {  	v41 =	vmax.f32 v14, $0.0e+00  }
0x200: {  	v46 =	vshra.s32 v14, $0x1F;
	v15 =	vshrl.u32 v15, $0x1;
	v16 =	vshra.s32 v16, $0x12;
	v47, _, _ =	vpop (xrf0)  }
0x201: {  	v42 =	vshra.s32 v26, $0x1F;
	v45 =	vshra.s32 v18, $0x1F;
	(v2sf) =	vpush v47, $0xF  }
0x202: {  	v43 =	vmax.f32 v26, $0.0e+00;
	v44 =	vmax.f32 v18, $0.0e+00;
	v21 =	vshrl.u32 v45, $0x1  }
0x203: {  	v53 =	vxor.u32 v13, v15;
	v18 =	vxor.u32 v18, v21;
	v21 =	vshrl.u32 v46, $0x1  }
0x204: {  	v55 =	vand.u32 $0xFFFFFFF0, v16;
	v49 =	vxor.u32 v14, v21;
	v20 =	vshra.s32 v44, $0x12  }
0x205: {  	v59 =	vor.u32 v1, v55;
	v20 =	vand.u32 $0xFFFFFFF0, v20;
	v19 =	vshra.s32 v43, $0x12  }
0x206: {  	v20 =	vor.u32 v1, v20;
	v19 =	vand.u32 $0xFFFFFFF0, v19;
	v48 =	vshra.s32 v17, $0x1F  }
0x207: {  	v51 =	vshra.s32 v10, $0x1F;
	v57 =	vmax.f32 v17, $0.0e+00;
	v58 =	vshra.s32 v11, $0x1F  }
0x208: {  	[tilespmem:s19+$0x14020] =	vst v53;
	v50 =	vshrl.u32 v48, $0x1;
	v19 =	vor.u32 v1, v19;
	v52 =	vshrl.u32 v51, $0x1  }
0x209: {  	[tilespmem:s19+$0x14010] =	vst v18;
	v56 =	vshra.s32 v8, $0x1F;
	v60 =	vmax.f32 v8, $0.0e+00;
	v9 =	vshra.s32 v41, $0x12  }
0x20a: {  	[tilespmem:s19+$0x14000] =	vst v49;
	v62 =	vshra.s32 v57, $0x12;
	v21 =	vxor.u32 v17, v50;
	v9 =	vand.u32 $0xFFFFFFF0, v9  }
0x20b: {  	v54 =	vxor.u32 v10, v52;
	v17 =	vshrl.u32 v58, $0x1;
	[tilespmem:s19+$0x14060] =	vst v21;
	v9 =	vor.u32 v1, v9  }
0x20c: {  	v10 =	vmax.f32 v10, $0.0e+00;
	v16 =	vshrl.u32 v56, $0x1;
	[tilespmem:s19+$0x14040] =	vst v54;
	v17 =	vxor.u32 v11, v17  }
0x20d: {  	v10 =	vshra.s32 v10, $0x12;
	v8 =	vxor.u32 v8, v16;
	v12 =	vshrl.u32 v42, $0x1;
	[tilespmem:s19+$0x14070] =	vst v17  }
0x20e: {  	v61 =	vshra.s32 v60, $0x12;
	v10 =	vand.u32 $0xFFFFFFF0, v10;
	[tilespmem:s19+$0x14050] =	vst v8;
	v12 =	vxor.u32 v26, v12  }
0x20f: {  	v11 =	vmax.f32 v11, $0.0e+00;
	v13 =	vand.u32 $0xFFFFFFF0, v61;
	v10 =	vor.u32 v1, v10;
	[tilespmem:s19+$0x14030] =	vst v12  }
0x210: {  	v8 =	vand.u32 $0xFFFFFFF0, v62;
	v11 =	vshra.s32 v11, $0x12;
	v13 =	vor.u32 v1, v13;
	[tilespmem:v9+s13+$0x0] =	vst.idx.add.s32.msk $0xffff, v3;
	s20 =	spop (v2sf)  }
0x211: {  	v8 =	vor.u32 v1, v8;
	v63 =	vand.u32 $0xFFFFFFF0, v11;
	[tilespmem:v20+s13+$0x0] =	vst.idx.add.s32.msk $0xffff, v3;
	s19 =	sxor.u32 $0x80000000, s20  }
0x212: {  	v9 =	vor.u32 v1, v63;
	[tilespmem:v59+s13+$0x0] =	vst.idx.add.s32.msk $0xffff, v3;
	p0 =	sgt.s32 s19, $0x1FF  }
.Ltmp10:
0x213: {  	[tilespmem:v19+s13+$0x0] =	vst.idx.add.s32.msk $0xffff, v3;
	(pc) =	sbr.rel @p0 .LBB2_18-.Ltmp10, $4  }
0x214: {  	[tilespmem:v10+s13+$0x0] =	vst.idx.add.s32.msk $0xffff, v3  }
0x215: {  	[tilespmem:v13+s13+$0x0] =	vst.idx.add.s32.msk $0xffff, v3  }
0x216: {  	[tilespmem:v8+s13+$0x0] =	vst.idx.add.s32.msk $0xffff, v3  }
0x217: {  	[tilespmem:v9+s13+$0x0] =	vst.idx.add.s32.msk $0xffff, v3  }
0x218: {  	s20 =	sshll.u32 s20, $0x6  }
0x219: {  	s20 =	sshra.s32 s20, $0x2  }
0x21a: {  	s21 =	simm.s32 $0x0;
	s20 =	sadd.s32 $0x18000, s20  }
.LBB2_16:
0x21b: {  	v8 =	vld [tilespmem:s20+$0x0];
	_ =	sdelay $0x4  }
0x21c: {  	(xrf0) =	vadd.scan.msk.s32 $0xffff, v8;
	_ =	sdelay $0x5  }
0x21d: {  	v8, _, _ =	vpop (xrf0)  }
0x21e: {  	(v2sf) =	vpush v8, $0xF;
	_ =	sdelay $0xe  }
0x21f: {  	s22 =	spop (v2sf)  }
0x220: {  	p0 =	sgt.s32 s19, $0x1FE;
	s21 =	sadd.s32 s21, s22  }
0x221: {  	p1 =	slt.s32 @!p0 s21, $0x20  }
0x222: {  	p1 =	por p0, !p1  }
.Ltmp11:
0x223: {  	_ = 	snop;
	(pc) =	sbr.rel @!p1 .LBB2_16-.Ltmp11, $2  }
0x224: {  	_ =	sdelay $0x2  }
0x225: {  	s19 =	sadd.s32 $0x1, s19;
	s20 =	sadd.s32 $0x10, s20  }
0x226: {  	s19 =	smov.u32 @p0 s19  }
.LBB2_18:
0x227: {  	s20 =	simm.s32 $0x14040  }
0x228: {  	v16 =	vld [tilespmem:s20+$0xFFFFFFC0]  }
0x229: {  	v14 =	vld [tilespmem:s20+$0xFFFFFFD0]  }
0x22a: {  	v11 =	vld [tilespmem:s20+$0xFFFFFFF0]  }
0x22b: {  	s19 =	sshll.u32 s19, $0x16;
	v13 =	vld [tilespmem:s20+$0xFFFFFFE0]  }
0x22c: {  	v15 =	vmov s19  }
0x22d: {  	v10 =	vld [tilespmem:s20+$0x0];
	vm3 =	vlt.s32 v16, v15  }
0x22e: {  	v17 =	vimm.s32 $0x0;
	s22 =	simm.s32 $0x0;
	v9 =	vld [tilespmem:s20+$0x10];
	vm1 =	vlt.s32 v14, v15;
	v8 =	vsel vm3, $0x1, v2  }
0x22f: {  	v18 =	vor.u32 s22, v1;
	vm0 =	vlt.s32 v11, v15;
	v12 =	vsel vm1, $0x1, v2;
	(xrf0) =	vadd.scan.msk.s32 $0xffff, v8;
	v8 =	vld [tilespmem:s20+$0x30]  }
0x230: {  	vm2 =	vlt.s32 v13, v15;
	v19 =	vmpcnt.ones.xlane vm1;
	v23 =	vsel vm0, $0x1, v2;
	(xrf0) =	vadd.scan.msk.s32 $0xffff, v12  }
0x231: {  	s21 =	simm.s32 $0xF0;
	s19 =	simm.s32 $0x70;
	v21 =	vmpcnt.ones.xlane vm3;
	v22 =	vsel vm2, $0x1, v2;
	v20 =	vmpcnt.ones.xlane vm2;
	v12 =	vld [tilespmem:s20+$0x20];
	(xrf0) =	vadd.scan.msk.s32 $0xffff, v23  }
.LBB2_19:
0x232: {  	p0 =	sne.s32 s21, $0x3FF0;
	s23 =	sadd.s32 $0xFFFFFFA0, s19;
	v23 =	vmpcnt.ones.xlane vm0;
	s20 =	sadd.s32 $0x80, s20;
	(xrf0) =	vadd.scan.msk.s32 $0xffff, v22  }
0x233: {  	vm6 =	vlt.s32 v10, v15;
	v21 =	vadd.s32 v17, v21;
	s22 =	smov.u32 s21;
	s21 =	sadd.s32 $0x80, s21;
	vm5 =	vlt.s32 v9, v15  }
0x234: {  	v24 =	vor.u32 s23, v1;
	vm4 =	vlt.s32 v8, v15;
	v22 =	vmpcnt.ones.xlane vm5  }
0x235: {  	v29 =	vsel vm6, $0x1, v2;
	v27 =	vmpcnt.ones.xlane vm6;
	v26 =	vsel vm5, $0x1, v2;
	v28, _, _ =	vpop (xrf0)  }
0x236: {  	v19 =	vadd.s32 v19, v21;
	vm7 =	vlt.s32 v12, v15;
	v17 =	vadd.s32 v28, v17;
	v28, _, _ =	vpop (xrf0);
	(xrf0) =	vadd.scan.msk.s32 $0xffff, v29  }
0x237: {  	v20 =	vadd.s32 v20, v19;
	v17 =	vadd.s32 $0xFFFFFFFF, v17;
	v21 =	vadd.s32 v21, v28;
	v25, _, _ =	vpop (xrf0)  }
0x238: {  	vm8 =	vlt.s32 v17, $0x40F;
	v21 =	vadd.s32 $0xFFFFFFFF, v21;
	v25 =	vadd.s32 v20, v25;
	v28, _, _ =	vpop (xrf0);
	(xrf0) =	vadd.scan.msk.s32 $0xffff, v26  }
0x239: {  	v26 =	vsel vm7, $0x1, v2;
	vm9 =	vlt.s32 v21, $0x40F;
	v19 =	vadd.s32 v19, v28  }
0x23a: {  	v28 =	vsel vm4, $0x1, v2;
	v17 =	vnsel vm8, $0x40F, v17;
	v19 =	vadd.s32 $0xFFFFFFFF, v19;
	(xrf0) =	vadd.scan.msk.s32 $0xffff, v26  }
0x23b: {  	v20 =	vadd.s32 v23, v20;
	vm8 =	vlt.s32 v19, $0x40F;
	(xrf0) =	vadd.scan.msk.s32 $0xffff, v28  }
0x23c: {  	v23 =	vadd.s32 $0xFFFFFFFF, v25;
	v21 =	vnsel vm9, $0x40F, v21;
	v19 =	vnsel vm8, $0x40F, v19;
	v25, _, _ =	vpop (xrf0)  }
0x23d: {  	v26 =	vadd.s32 v27, v20;
	vm8 =	vlt.s32 v23, $0x40F;
	v20 =	vadd.s32 v20, v25  }
0x23e: {  	s23 =	sadd.s32 $0xFFFFFFB0, s19;
	v25 =	vmpcnt.ones.xlane vm7;
	v23 =	vnsel vm8, $0x40F, v23;
	v20 =	vadd.s32 $0xFFFFFFFF, v20;
	v27, _, _ =	vpop (xrf0)  }
0x23f: {  	v22 =	vadd.s32 v22, v26;
	vm8 =	vlt.s32 v20, $0x40F;
	v26 =	vadd.s32 v26, v27;
	[tilespmem:v17+s14+$0x0] =	vst.idx.msk vm3, v16  }
0x240: {  	v16 =	vmpcnt.ones.xlane vm4;
	v25 =	vadd.s32 v25, v22;
	v26 =	vadd.s32 $0xFFFFFFFF, v26;
	[tilespmem:v17+s15+$0x0] =	vst.idx.msk vm3, v18;
	v17, _, _ =	vpop (xrf0)  }
0x241: {  	vm3 =	vlt.s32 v26, $0x40F;
	v17 =	vadd.s32 v22, v17;
	[tilespmem:v21+s14+$0x0] =	vst.idx.msk vm1, v14;
	v14 =	vor.u32 s23, v1;
	v18, _, _ =	vpop (xrf0)  }
0x242: {  	v20 =	vnsel vm8, $0x40F, v20;
	v22 =	vadd.s32 $0xFFFFFFFF, v17;
	v18 =	vadd.s32 v25, v18;
	[tilespmem:v21+s15+$0x0] =	vst.idx.msk vm1, v24  }
0x243: {  	v17 =	vadd.s32 v16, v25;
	vm1 =	vlt.s32 v22, $0x40F;
	v16 =	vadd.s32 $0xFFFFFFFF, v18;
	[tilespmem:v19+s14+$0x0] =	vst.idx.msk vm2, v13  }
0x244: {  	s23 =	sadd.s32 $0xFFFFFFC0, s19;
	v13 =	vnsel vm3, $0x40F, v26;
	vm3 =	vlt.s32 v16, $0x40F;
	[tilespmem:v19+s15+$0x0] =	vst.idx.msk vm2, v14  }
0x245: {  	[tilespmem:v23+s14+$0x0] =	vst.idx.msk vm0, v11;
	v11 =	vor.u32 s23, v1  }
0x246: {  	v14 =	vnsel vm1, $0x40F, v22;
	s23 =	sadd.s32 $0xFFFFFFD0, s19;
	[tilespmem:v23+s15+$0x0] =	vst.idx.msk vm0, v11  }
0x247: {  	[tilespmem:v20+s14+$0x0] =	vst.idx.msk vm6, v10;
	v10 =	vor.u32 s23, v1  }
0x248: {  	v11 =	vnsel vm3, $0x40F, v16;
	s23 =	sadd.s32 $0xFFFFFFE0, s19;
	[tilespmem:v20+s15+$0x0] =	vst.idx.msk vm6, v10  }
0x249: {  	[tilespmem:v13+s14+$0x0] =	vst.idx.msk vm5, v9;
	v9 =	vor.u32 s23, v1  }
0x24a: {  	s23 =	sadd.s32 $0xFFFFFFF0, s19;
	[tilespmem:v13+s15+$0x0] =	vst.idx.msk vm5, v9  }
0x24b: {  	v9 =	vor.u32 s23, v1;
	[tilespmem:v14+s14+$0x0] =	vst.idx.msk vm7, v12  }
0x24c: {  	[tilespmem:v14+s15+$0x0] =	vst.idx.msk vm7, v9  }
0x24d: {  	[tilespmem:v11+s14+$0x0] =	vst.idx.msk vm4, v8;
	v8 =	vor.u32 s19, v1;
	s19 =	smov.u32 s22  }
0x24e: {  	[tilespmem:v11+s15+$0x0] =	vst.idx.msk vm4, v8  }
0x24f: {  	v16 =	vld [tilespmem:s20+$0xFFFFFFC0]  }
0x250: {  	v14 =	vld [tilespmem:s20+$0xFFFFFFD0]  }
0x251: {  	v11 =	vld [tilespmem:s20+$0xFFFFFFF0]  }
0x252: {  	v13 =	vld [tilespmem:s20+$0xFFFFFFE0]  }
0x253: {  	v10 =	vld [tilespmem:s20+$0x0]  }
.Ltmp12:
0x254: {  	vm3 =	vlt.s32 v16, v15;
	(pc) =	sbr.rel @p0 .LBB2_19-.Ltmp12, $4  }
0x255: {  	v9 =	vld [tilespmem:s20+$0x10];
	vm1 =	vlt.s32 v14, v15;
	v12 =	vsel vm3, $0x1, v2  }
0x256: {  	v8 =	vld [tilespmem:s20+$0x30];
	vm0 =	vlt.s32 v11, v15;
	v18 =	vsel vm1, $0x1, v2;
	v19 =	vmpcnt.ones.xlane vm1;
	(xrf0) =	vadd.scan.msk.s32 $0xffff, v12  }
0x257: {  	s22 =	sadd.s32 $0xFFFFFF90, s19;
	v21 =	vmpcnt.ones.xlane vm3;
	vm2 =	vlt.s32 v13, v15;
	v23 =	vsel vm0, $0x1, v2;
	(xrf0) =	vadd.scan.msk.s32 $0xffff, v18  }
0x258: {  	v18 =	vor.u32 s22, v1;
	v12 =	vld [tilespmem:s20+$0x20];
	v22 =	vsel vm2, $0x1, v2;
	v20 =	vmpcnt.ones.xlane vm2;
	(xrf0) =	vadd.scan.msk.s32 $0xffff, v23  }
0x259: {  	_ = 	snop  }
0x25a: {  	v23 =	vmpcnt.ones.xlane vm0;
	v21 =	vadd.s32 v17, v21  }
0x25b: {  	vm7 =	vlt.s32 v10, v15;
	vm5 =	vlt.s32 v9, v15;
	v19 =	vadd.s32 v19, v21  }
0x25c: {  	v24 =	vmpcnt.ones.xlane vm7;
	v39 =	vsel vm7, $0x1, v2;
	v20 =	vadd.s32 v20, v19  }
0x25d: {  	v25 =	vmpcnt.ones.xlane vm5;
	v38 =	vadd.s32 v23, v20;
	vm6 =	vlt.s32 v12, v15  }
0x25e: {  	(xrf0) =	vadd.scan.msk.s32 $0xffff, v22;
	vm4 =	vlt.s32 v8, v15;
	v23 =	vadd.s32 v24, v38;
	v40 =	vmpcnt.ones.xlane vm6  }
0x25f: {  	v26 =	vsel vm5, $0x1, v2;
	(xrf0) =	vadd.scan.msk.s32 $0xffff, v39;
	v42 =	vmpcnt.ones.xlane vm4;
	v41 =	vadd.s32 v25, v23  }
0x260: {  	(xrf0) =	vadd.scan.msk.s32 $0xffff, v26;
	v43 =	vsel vm6, $0x1, v2;
	v24 =	vadd.s32 v40, v41  }
0x261: {  	v27, _, _ =	vpop (xrf0);
	v28 =	vsel vm4, $0x1, v2;
	(xrf0) =	vadd.scan.msk.s32 $0xffff, v43;
	v25 =	vadd.s32 v42, v24  }
0x262: {  	v44, _, _ =	vpop (xrf0);
	(xrf0) =	vadd.scan.msk.s32 $0xffff, v28;
	v25 =	vxor.u32 $0x80000000, v25  }
0x263: {  	v45, _, _ =	vpop (xrf0);
	(xrf0) =	vmax.scan.msk.u32 $0xffff, v25  }
0x264: {  	v46, _, _ =	vpop (xrf0)  }
0x265: {  	v47 =	vadd.s32 v27, v17;
	v29, _, _ =	vpop (xrf0)  }
0x266: {  	v17 =	vadd.s32 $0xFFFFFFFF, v47;
	v48, _, _ =	vpop (xrf0)  }
0x267: {  	v21 =	vadd.s32 v21, v44;
	vm8 =	vlt.s32 v17, $0x40F;
	v49, _, _ =	vpop (xrf0)  }
0x268: {  	v21 =	vadd.s32 $0xFFFFFFFF, v21;
	v17 =	vnsel vm8, $0x40F, v17;
	v30, _, _ =	vpop (xrf0)  }
0x269: {  	vm13 =	vlt.s32 v21, $0x40F;
	v19 =	vadd.s32 v19, v46;
	v50, _, _ =	vpop (xrf0)  }
0x26a: {  	v21 =	vnsel vm13, $0x40F, v21;
	v19 =	vadd.s32 $0xFFFFFFFF, v19;
	(v2sf) =	vpush v50, $0xF  }
0x26b: {  	v20 =	vadd.s32 v20, v45;
	vm14 =	vlt.s32 v19, $0x40F  }
0x26c: {  	v20 =	vadd.s32 $0xFFFFFFFF, v20;
	v19 =	vnsel vm14, $0x40F, v19  }
0x26d: {  	vm15 =	vlt.s32 v20, $0x40F;
	v15 =	vadd.s32 v38, v29;
	[tilespmem:v17+s14+$0x0] =	vst.idx.msk vm3, v16  }
0x26e: {  	s20 =	sadd.s32 $0xFFFFFFA0, s19;
	v51 =	vnsel vm15, $0x40F, v20;
	v15 =	vadd.s32 $0xFFFFFFFF, v15;
	[tilespmem:v17+s15+$0x0] =	vst.idx.msk vm3, v18  }
0x26f: {  	v52 =	vor.u32 s20, v1;
	v53 =	vadd.s32 v23, v48;
	vm12 =	vlt.s32 v15, $0x40F;
	[tilespmem:v21+s14+$0x0] =	vst.idx.msk vm1, v14  }
0x270: {  	s24 =	sadd.s32 $0xFFFFFFB0, s19;
	v54 =	vadd.s32 $0xFFFFFFFF, v53;
	v15 =	vnsel vm12, $0x40F, v15;
	[tilespmem:v21+s15+$0x0] =	vst.idx.msk vm1, v52  }
0x271: {  	v56 =	vor.u32 s24, v1;
	vm13 =	vlt.s32 v54, $0x40F;
	v55 =	vadd.s32 v41, v49;
	[tilespmem:v19+s14+$0x0] =	vst.idx.msk vm2, v13  }
0x272: {  	s25 =	sadd.s32 $0xFFFFFFC0, s19;
	v57 =	vadd.s32 $0xFFFFFFFF, v55;
	v14 =	vnsel vm13, $0x40F, v54;
	[tilespmem:v19+s15+$0x0] =	vst.idx.msk vm2, v56  }
0x273: {  	v59 =	vor.u32 s25, v1;
	v58 =	vadd.s32 v24, v30;
	vm14 =	vlt.s32 v57, $0x40F;
	[tilespmem:v51+s14+$0x0] =	vst.idx.msk vm0, v11  }
0x274: {  	s26 =	sadd.s32 $0xFFFFFFD0, s19;
	v17 =	vadd.s32 $0xFFFFFFFF, v58;
	v13 =	vnsel vm14, $0x40F, v57;
	[tilespmem:v51+s15+$0x0] =	vst.idx.msk vm0, v59  }
0x275: {  	v60 =	vor.u32 s26, v1;
	vm15 =	vlt.s32 v17, $0x40F;
	[tilespmem:v15+s14+$0x0] =	vst.idx.msk vm7, v10  }
0x276: {  	s28 =	sadd.s32 $0xFFFFFFE0, s19;
	v61 =	vnsel vm15, $0x40F, v17;
	[tilespmem:v15+s15+$0x0] =	vst.idx.msk vm7, v60  }
0x277: {  	v62 =	vor.u32 s28, v1;
	[tilespmem:v14+s14+$0x0] =	vst.idx.msk vm5, v9  }
0x278: {  	s29 =	sadd.s32 $0xFFFFFFF0, s19;
	[tilespmem:v14+s15+$0x0] =	vst.idx.msk vm5, v62  }
0x279: {  	v63 =	vor.u32 s29, v1;
	[tilespmem:v13+s14+$0x0] =	vst.idx.msk vm6, v12;
	s30 =	spop (v2sf)  }
0x27a: {  	[tilespmem:v13+s15+$0x0] =	vst.idx.msk vm6, v63;
	s22 =	sxor.u32 $0x80000000, s30  }
0x27b: {  	[tilespmem:v61+s14+$0x0] =	vst.idx.msk vm4, v8;
	v8 =	vor.u32 s19, v1;
	p0 =	slt.s32 s22, $0x400  }
.Ltmp13:
0x27c: {  	[tilespmem:v61+s15+$0x0] =	vst.idx.msk vm4, v8;
	s22 =	simm.s32 @!p0 $0x400;
	(pc) =	sbr.rel .LBB2_21-.Ltmp13, $4  }
0x27d: {  	[tilespmem:s22+$0x1A000] =	vst v4  }
0x27e: {  	[tilespmem:s22+$0x1A010] =	vst v4;
	s31 =	sadd.s32 $0x3F, s22  }
0x27f: {  	s21 =	simm.s32 $0x0;
	s20 =	smul.u32 $0x60, s18;
	[tilespmem:s22+$0x1A020] =	vst v4;
	s19 =	sshra.s32 s31, $0x6  }
0x280: {  	s24 =	simm.s32 $0xFFFFFFFF;
	[tilespmem:s22+$0x1A030] =	vst v4;
	s22 =	simm.s32 $0x7FFFFFFF;
	p0 =	slt.s32 s19, $0x1  }
.LBB2_22:
0x281: {  	v9 =	vimm.s32 $0xFFFFFFFF  }
.LBB2_30:
0x282: {  	v10 =	vxor.u32 $0x80000000, v8  }
0x283: {  	(xrf0) =	vmin.scan.msk.u32 $0xffff, v10;
	_ =	sdelay $0x5  }
0x284: {  	v10, _, _ =	vpop (xrf0)  }
0x285: {  	(v2sf) =	vpush v10, $0xF;
	_ =	sdelay $0xe  }
0x286: {  	s22 =	spop (v2sf)  }
0x287: {  	s22 =	sxor.u32 $0x80000000, s22  }
0x288: {  	vm0 =	veq.s32 v8, s22  }
0x289: {  	v8 =	vnsel vm0, $0xFFFFFFFF, v9  }
0x28a: {  	(xrf0) =	vmin.scan.msk.u32 $0xffff, v8;
	_ =	sdelay $0x5  }
0x28b: {  	v8, _, _ =	vpop (xrf0)  }
0x28c: {  	(v2sf) =	vpush v8, $0xF;
	_ =	sdelay $0xe  }
0x28d: {  	s23 =	spop (v2sf)  }
0x28e: {  	s24 =	sxor.u32 $0x80000000, s23  }
0x28f: {  	p1 =	slt.s32 s24, $0x3FFF;
	s23 =	smov.u32 s24  }
0x290: {  	s23 =	simm.s32 @!p1 $0x3FFF  }
0x291: {  	v8 =	vmov s23;
	_ =	sdelay $0x3  }
0x292: {  	s31 =	smul.u32 $0x3, s21  }
0x293: {  	v61 =	vld.idx.msk [tilespmem:v8+s2+$0x0], $0xffff  }
0x294: {  	s23 =	sadd.s32 s20, s31  }
0x295: {  	v62 =	vmov s23;
	_ =	sdelay $0x2  }
0x296: {  	v9 =	vsub.f32 v61, v5;
	_ =	sdelay $0x1  }
0x297: {  	[tilespmem:v62+s16+$0x0] =	vst.idx.msk $0x1, v9  }
0x298: {  	v9 =	vld.idx.msk [tilespmem:v8+s10+$0x0], $0xffff;
	_ =	sdelay $0x1  }
0x299: {  	v11 =	vadd.s32 $0x1, v62;
	_ =	sdelay $0x2  }
0x29a: {  	v9 =	vsub.f32 v9, v6;
	_ =	sdelay $0x1  }
0x29b: {  	[tilespmem:v11+s16+$0x0] =	vst.idx.msk $0x1, v9  }
0x29c: {  	v8 =	vld.idx.msk [tilespmem:v8+s11+$0x0], $0xffff  }
0x29d: {  	s21 =	sadd.s32 $0x1, s21  }
0x29e: {  	p1 =	sne.s32 s21, $0x20;
	v63 =	vadd.s32 $0x2, v62  }
.Ltmp14:
0x29f: {  	_ = 	snop;
	(pc) =	sbr.rel @!p1 .LBB2_31-.Ltmp14, $3  }
0x2a0: {  	_ = 	snop  }
0x2a1: {  	v8 =	vsub.f32 v8, v7;
	_ =	sdelay $0x1  }
0x2a2: {  	[tilespmem:v63+s16+$0x0] =	vst.idx.msk $0x1, v8  }
.LBB2_21:
.Ltmp15:
0x2a3: {  	(pc) =	sbr.rel @p0 .LBB2_22-.Ltmp15, $2  }
0x2a4: {  	_ =	sdelay $0x2  }
0x2a5: {  	v8 =	vimm.s32 $0x7FFFFFFF  }
0x2a6: {  	s23 =	simm.s32 $0x1A020  }
0x2a7: {  	v16 =	vld [tilespmem:s23+$0xFFFFFFF0]  }
0x2a8: {  	s25 =	simm.s32 $0x1A480;
	v13 =	vld [tilespmem:s23+$0xFFFFFFE0]  }
0x2a9: {  	v10 =	vld [tilespmem:s25+$0xFFFFFFE0]  }
0x2aa: {  	v9 =	vld [tilespmem:s25+$0x0]  }
0x2ab: {  	v18 =	vld [tilespmem:s23+$0x10]  }
0x2ac: {  	v12 =	vld [tilespmem:s25+$0xFFFFFFF0]  }
0x2ad: {  	v17 =	vld [tilespmem:s23+$0x0]  }
0x2ae: {  	v11 =	vld [tilespmem:s25+$0x10]  }
0x2af: {  	v14 =	vmov s22;
	v15 =	vmov s24  }
0x2b0: {  	p2 =	sne.s32 s19, $0x1;
	vm0 =	veq.s32 v10, v15;
	vm1 =	veq.s32 v13, v14  }
.Ltmp16:
0x2b1: {  	vm2 =	veq.s32 v16, v14;
	vm3 =	veq.s32 v9, v15;
	vm4 =	veq.s32 v18, v14;
	(pc) =	sbr.rel @!p2 .LBB2_24-.Ltmp16, $4  }
0x2b2: {  	vm5 =	veq.s32 v12, v15;
	vm15 =	veq.s32 v17, v14;
	vm0 =	vmand vm1, vm0  }
0x2b3: {  	vm1 =	veq.s32 v11, v15;
	vm2 =	vmand vm2, vm5;
	v13 =	vsel vm0, $0x7FFFFFFF, v13  }
0x2b4: {  	s24 =	sadd.s32 $0xFFFFFFFF, s19;
	vm3 =	vmand vm15, vm3;
	vm0 =	vmand vm4, vm1;
	v16 =	vsel vm2, $0x7FFFFFFF, v16;
	[tilespmem:s23+$0xFFFFFFE0] =	vst v13  }
0x2b5: {  	s22 =	simm.s32 $0x1A060;
	p1 =	por $0x0, $0x0;
	s25 =	simm.s32 $0x1A4C0;
	vm1 =	vlt.s32 v12, v10;
	v17 =	vsel vm3, $0x7FFFFFFF, v17;
	v18 =	vsel vm0, $0x7FFFFFFF, v18;
	[tilespmem:s23+$0xFFFFFFF0] =	vst v16  }
0x2b6: {  	v19 =	vld [tilespmem:s22+$0xFFFFFFF0];
	[tilespmem:s23+$0x10] =	vst v18  }
0x2b7: {  	v22 =	vld [tilespmem:s22+$0xFFFFFFE0];
	[tilespmem:s23+$0x0] =	vst v17  }
0x2b8: {  	v20 =	vld [tilespmem:s25+$0xFFFFFFE0]  }
0x2b9: {  	v21 =	vld [tilespmem:s25+$0x0]  }
0x2ba: {  	v23 =	vld [tilespmem:s22+$0x10]  }
0x2bb: {  	vm0 =	veq.s32 v16, v13;
	v25 =	vld [tilespmem:s25+$0x10]  }
0x2bc: {  	vm2 =	vlt.s32 v16, v13;
	vm0 =	vmand vm1, vm0;
	v27 =	vld [tilespmem:s25+$0xFFFFFFF0]  }
0x2bd: {  	vm3 =	vlt.s32 v11, v9;
	v24 =	vld [tilespmem:s22+$0x0];
	vm0 =	vmor vm2, vm0;
	vm2 =	veq.s32 v18, v17  }
0x2be: {  	vm4 =	vlt.s32 v18, v17;
	vm2 =	vmand vm3, vm2  }
0x2bf: {  	vm2 =	vmor vm4, vm2;
	vm6 =	veq.s32 v19, v14  }
0x2c0: {  	p2 =	sne.s32 s24, $0x1;
	vm5 =	veq.s32 v22, v14;
	vm1 =	veq.s32 v20, v15;
	vm7 =	veq.s32 v21, v15  }
.Ltmp17:
0x2c1: {  	vm8 =	veq.s32 v23, v14;
	vm9 =	veq.s32 v25, v15;
	vm10 =	veq.s32 v27, v15;
	(pc) =	sbr.rel @!p2 .LBB2_26-.Ltmp17, $4  }
0x2c2: {  	vm14 =	veq.s32 v24, v14;
	vm5 =	vmand vm5, vm1;
	vm8 =	vmand vm8, vm9  }
0x2c3: {  	vm6 =	vmand vm6, vm10;
	vm15 =	vmand vm14, vm7;
	v26 =	vsel vm5, $0x7FFFFFFF, v22  }
0x2c4: {  	p1 =	por $0x1, $0x1;
	vm1 =	vlt.s32 v27, v20;
	v28 =	vsel vm6, $0x7FFFFFFF, v19;
	v22 =	vsel vm15, $0x7FFFFFFF, v24;
	[tilespmem:s22+$0xFFFFFFE0] =	vst v26  }
0x2c5: {  	s23 =	sadd.s32 $0xFFFFFFFF, s24;
	s24 =	simm.s32 $0x1A0A0;
	s25 =	simm.s32 $0x1A500;
	v19 =	vsel vm8, $0x7FFFFFFF, v23;
	v23 =	vimm.s32 $0x7FFFFFFF;
	v24 =	vimm.s32 $0x7FFFFFFF;
	[tilespmem:s22+$0xFFFFFFF0] =	vst v28  }
.LBB2_27:
0x2c6: {  	v29 =	vld [tilespmem:s24+$0xFFFFFFF0];
	p2 =	sne.s32 s23, $0x1;
	s23 =	sadd.s32 $0xFFFFFFFF, s23;
	[tilespmem:s22+$0x10] =	vst v19;
	vm3 =	vlt.s32 v28, v26;
	vm4 =	veq.s32 v28, v26;
	v30 =	vsel vm0, v12, v10  }
0x2c7: {  	v32 =	vsel vm0, v16, v13;
	v18 =	vsel vm2, v18, v17;
	v33 =	vsel vm2, v11, v9;
	v31 =	vld [tilespmem:s24+$0xFFFFFFE0];
	[tilespmem:s22+$0x0] =	vst v22;
	s22 =	smov.u32 s24  }
0x2c8: {  	v10 =	vmovc v20;
	v9 =	vmovc v21;
	vm0 =	vmand vm1, vm4;
	vm1 =	veq.s32 v18, v32;
	vm4 =	vlt.s32 v33, v30;
	v20 =	vld [tilespmem:s25+$0xFFFFFFE0]  }
0x2c9: {  	v11 =	vmovc v25;
	v12 =	vmovc v27;
	vm2 =	vlt.s32 v25, v9;
	vm5 =	vlt.s32 v18, v32;
	vm1 =	vmand vm1, vm4;
	v21 =	vld [tilespmem:s25+$0x0]  }
0x2ca: {  	v13 =	vmovc v26;
	v16 =	vmovc v28;
	v17 =	vmov v22;
	vm0 =	vmor vm3, vm0;
	vm1 =	vmor vm5, vm1;
	v34 =	vld [tilespmem:s24+$0x10]  }
0x2cb: {  	vm3 =	veq.s32 v19, v17;
	v22 =	vsel vm1, v18, v32;
	v26 =	vsel vm1, v33, v30;
	v18 =	vmovc v19;
	v25 =	vld [tilespmem:s25+$0x10]  }
0x2cc: {  	vm1 =	vlt.s32 v22, v23;
	vm5 =	veq.s32 v22, v23;
	vm6 =	vlt.s32 v26, v24;
	v27 =	vld [tilespmem:s25+$0xFFFFFFF0]  }
0x2cd: {  	vm4 =	vlt.s32 v18, v17;
	vm5 =	vmand vm5, vm6;
	v19 =	vld [tilespmem:s24+$0x0];
	vm7 =	veq.s32 v20, v15  }
0x2ce: {  	vm8 =	veq.s32 v29, v14;
	vm6 =	veq.s32 v31, v14;
	vm1 =	vmor vm1, vm5  }
0x2cf: {  	vm5 =	veq.s32 v21, v15;
	v23 =	vsel vm1, v22, v23;
	vm9 =	veq.s32 v34, v14  }
.Ltmp18:
0x2d0: {  	vm6 =	vmand vm6, vm7;
	v24 =	vsel vm1, v26, v24;
	vm7 =	veq.s32 v25, v15;
	(pc) =	sbr.rel @p2 .LBB2_27-.Ltmp18, $4  }
0x2d1: {  	vm10 =	veq.s32 v27, v15;
	vm7 =	vmand vm9, vm7;
	vm1 =	vlt.s32 v27, v20  }
0x2d2: {  	v26 =	vsel vm6, $0x7FFFFFFF, v31;
	vm8 =	vmand vm8, vm10;
	vm9 =	veq.s32 v19, v14  }
0x2d3: {  	vm2 =	vmand vm2, vm3;
	vm5 =	vmand vm9, vm5;
	v28 =	vsel vm8, $0x7FFFFFFF, v29;
	[tilespmem:s24+$0xFFFFFFE0] =	vst v26  }
0x2d4: {  	s25 =	sadd.s32 $0x40, s25;
	vm2 =	vmor vm4, vm2;
	s24 =	sadd.s32 $0x40, s24;
	v22 =	vsel vm5, $0x7FFFFFFF, v19;
	v19 =	vsel vm7, $0x7FFFFFFF, v34;
	[tilespmem:s22+$0xFFFFFFF0] =	vst v28  }
0x2d5: {  	v14 =	vmov v12;
	v15 =	vmov v10;
	v29 =	vmov v11  }
0x2d6: {  	v30 =	vmovc v9;
	s23 =	smov.u32 s22;
	v10 =	vmovc v20;
	v9 =	vmov v21;
	v11 =	vmov v25;
	v12 =	vmov v27  }
.LBB2_29:
0x2d7: {  	v14 =	vsel @p1 vm0, v14, v15;
	v13 =	vsel @p1 vm0, v16, v13  }
0x2d8: {  	v15 =	vsel @p1 vm2, v18, v17;
	v16 =	vsel @p1 vm2, v29, v30;
	vm13 =	vlt.s32 v28, v26  }
0x2d9: {  	vm4 =	veq.s32 v28, v26;
	vm14 =	vlt.s32 v11, v9;
	vm15 =	veq.s32 v19, v22  }
0x2da: {  	vm6 =	vlt.s32 v19, v22;
	vm2 =	veq.s32 @p1 v15, v13;
	vm3 =	vlt.s32 @p1 v16, v14  }
0x2db: {  	vm5 =	vlt.s32 @p1 v15, v13;
	vm1 =	vmand vm1, vm4;
	vm2 =	vmand @p1 vm2, vm3  }
0x2dc: {  	vm0 =	vmor vm13, vm1;
	vm1 =	vmand vm14, vm15;
	vm2 =	vmor @p1 vm5, vm2  }
0x2dd: {  	vm1 =	vmor vm6, vm1;
	v10 =	vsel vm0, v12, v10;
	v62 =	vsel vm0, v28, v26  }
0x2de: {  	v13 =	vsel @p1 vm2, v15, v13;
	v14 =	vsel @p1 vm2, v16, v14;
	v63 =	vsel vm1, v19, v22  }
0x2df: {  	v9 =	vsel vm1, v11, v9;
	vm2 =	vlt.s32 @p1 v13, v23;
	vm4 =	veq.s32 @p1 v13, v23  }
0x2e0: {  	vm5 =	vlt.s32 @p1 v14, v24;
	vm9 =	veq.s32 v63, v62;
	vm10 =	vlt.s32 v9, v10  }
0x2e1: {  	vm11 =	vlt.s32 v63, v62;
	vm3 =	vmand @p1 vm4, vm5;
	vm1 =	vmand vm9, vm10  }
0x2e2: {  	vm0 =	vmor @p1 vm2, vm3;
	vm12 =	vmor vm11, vm1  }
0x2e3: {  	v11 =	vsel @p1 vm0, v13, v23;
	v13 =	vsel @p1 vm0, v14, v24;
	v12 =	vsel vm12, v63, v62  }
0x2e4: {  	v9 =	vsel vm12, v9, v10;
	v11 =	vpsel p1, v11, v8;
	v8 =	vpsel p1, v13, v8  }
.Ltmp19:
0x2e5: {  	vm13 =	veq.s32 v12, v11;
	vm14 =	vlt.s32 v9, v8;
	(pc) =	sbr.rel .LBB2_30-.Ltmp19, $4  }
0x2e6: {  	vm15 =	vlt.s32 v12, v11;
	vm0 =	vmand vm13, vm14  }
0x2e7: {  	vm0 =	vmor vm15, vm0  }
0x2e8: {  	[tilespmem:s23+$0x10] =	vst v19;
	v9 =	vsel vm0, v9, v8  }
0x2e9: {  	[tilespmem:s23+$0x0] =	vst v22;
	v8 =	vsel vm0, v12, v11;
	v9 =	vxor.u32 $0x80000000, v9  }
.LBB2_24:
.Ltmp20:
0x2ea: {  	(pc) =	sbr.rel .LBB2_29-.Ltmp20, $3  }
0x2eb: {  	_ =	sdelay $0x1  }
0x2ec: {  	v19 =	vmov v18  }
0x2ed: {  	v28 =	vmovc v16;
	v26 =	vmovc v13;
	v22 =	vmov v17;
	v23 =	vimm.s32 $0x7FFFFFFF;
	v24 =	vimm.s32 $0x7FFFFFFF  }
.LBB2_26:
.Ltmp21:
0x2ee: {  	(pc) =	sbr.rel .LBB2_29-.Ltmp21, $3  }
0x2ef: {  	_ =	sdelay $0x1  }
0x2f0: {  	v14 =	vmovc v12;
	v15 =	vmovc v10;
	v29 =	vmov v11;
	v30 =	vmov v9;
	v10 =	vmov v20  }
0x2f1: {  	s23 =	simm.s32 $0x1A060;
	v9 =	vmovc v21;
	v11 =	vmovc v25;
	v12 =	vmov v27;
	v23 =	vimm.s32 $0x7FFFFFFF;
	v24 =	vimm.s32 $0x7FFFFFFF  }
.LBB2_33:
0x2f2: {  	_ =	sfence.sel $0x180000  }
0x2f3: {  	[bflag:$0x0] =	sbarrier.arrive $0xFFFF  }
0x2f4: {  	p0 =	sne.s32 s0, $0x0;
	_ =	strace $0x90000047  }
0x2f5: {  	s0 =	sadd.s32 @!p0 $0x100000, s1;
	[bflag:$0x2] =	sbarrier.arrive $0xFFFF  }
0x2f6: {  	[sflag:s0] =	ssyncadd.tile.s32 @!p0 $0x1;
	_ =	shalt  }
.Lfunc_end2:
_tile_overlayer_lowered:
.L_overlay_start_2:
0x2f7: {  	(tag) =	ssettag $0x2  }
0x2f8: {  	s0 =	rddreg [dreg:$0x0];
	s2 =	stileid.u32  }
0x2f9: {  	s1 =	rddreg [dreg:$0x1];
	p0 =	sne.s32 s2, $0x0  }
0x2fa: {  	s3 =	rddreg [dreg:$0x2];
	[bflag:$0x3] =	sbarrier.arrive $0xFFFF;
	s2 =	simm.s32 @!p0 $0x1C01  }
0x2fb: {  	[timem:s3], [sflag:s2] =	dma.local @!p0 [hbm:s0], s1  }
0x2fc: {  	s0 =	simm.s32 @!p0 $0x1  }
0x2fd: {  	_ =	swait.ge @!p0 [sflag:s0], s1  }
0x2fe: {  	s1 =	ssub.s32 @!p0 $0x0, s1;
	[sflag:s0] =	ssyncset.done @!p0 $0x0  }
0x2ff: {  	[sflag:s0] =	ssyncadd.s32 @!p0 s1  }
0x300: {  	[bflag:$0x3] =	sbarrier.arrive $0xFFFF  }
0x301: {  	_ =	shalt  }

</sc_bundles>
